<compile_context>
chip_gen: v7x
topology: tpu7x:2x2x1
jax: 0.10.2.dev20260603
libtpu: 0.0.44.dev20260713+nightly
codegen_flags: <defaults>
</compile_context>

<pallas_src>
import jax
import jax.numpy as jnp
from jax import lax
from jax.experimental import pallas as pl
from jax.experimental.pallas import tpu as pltpu
from jax.experimental.pallas import tpu_sc as plsc

E = 320000
N = 10000
EMB = 128
NR = 16
NOUT = 12

NC = 2
NS = 16
NW = NC * NS

CHUNK = 128
N_PAD = 10240
ROWS_PER_SUB = N_PAD // NS

SLICES = (25600, 89600, 102400, 102400)
M = len(SLICES)
EBLOCK = 12800


def _edge_body(rbft_ref, x_ref, w_ref, o_ref):
    g = lax.dot_general(rbft_ref[...], w_ref[...],
                        (((0,), (0,)), ((), ())),
                        preferred_element_type=jnp.float32)
    o_ref[...] = g * x_ref[...]


def _edge_body_chained(rbft_ref, x_ref, w_ref, prev_ref, o_ref):
    del prev_ref
    _edge_body(rbft_ref, x_ref, w_ref, o_ref)


def _edge_stage(x, rbf_t, w_rbf, start, nedges, prev=None, block=EBLOCK):
    grid = (nedges // block,)
    off = start // block
    in_specs = [
        pl.BlockSpec((NR, block), lambda i: (0, i + off)),
        pl.BlockSpec((block, EMB), lambda i: (i + off, 0)),
        pl.BlockSpec((NR, EMB), lambda i: (0, 0)),
    ]
    args = [rbf_t, x, w_rbf]
    body = _edge_body
    if prev is not None:
        in_specs.append(pl.BlockSpec((8, EMB), lambda i: (0, 0)))
        args.append(prev)
        body = _edge_body_chained
    return pl.pallas_call(
        body,
        grid=grid,
        in_specs=in_specs,
        out_specs=pl.BlockSpec((block, EMB), lambda i: (i, 0)),
        out_shape=jax.ShapeDtypeStruct((nedges, EMB), jnp.float32),
    )(*args)


def _make_scatter_body(schunks, skp):
    def _scatter_body(h_hbm, idxp_hbm, out_hbm,
                      idx_p, rows_v0, rows_v1, acc_sh, sem0, sem1):
        c = lax.axis_index("c")
        s = lax.axis_index("s")
        wid = s * NC + c

        pltpu.sync_copy(idxp_hbm.at[wid], idx_p)

        zvec = jnp.zeros((16,), jnp.float32)

        @pl.loop(0, CHUNK)
        def _(r):
            for lane in range(EMB // 16):
                rows_v0[r, pl.ds(lane * 16, 16)] = zvec

        for rep in range(ROWS_PER_SUB // CHUNK):
            pltpu.sync_copy(
                rows_v0,
                acc_sh.at[pl.ds(s * ROWS_PER_SUB + rep * CHUNK, CHUNK)],
            )
        plsc.subcore_barrier()

        def load(rows_v, sem, t):
            chunk = wid + NW * t

            @pl.when(chunk < schunks)
            def _():
                pltpu.async_copy(h_hbm.at[chunk], rows_v, sem)

        def scat(rows_v, sem, t):
            chunk = wid + NW * t

            @pl.when(chunk < schunks)
            def _():
                pltpu.make_async_copy(h_hbm.at[chunk], rows_v, sem).wait()
                pltpu.sync_copy(rows_v, acc_sh.at[idx_p.at[t]], add=True)

        load(rows_v0, sem0, 0)

        @pl.loop(0, skp, step=2)
        def _(t):
            load(rows_v1, sem1, t + 1)
            scat(rows_v0, sem0, t)
            load(rows_v0, sem0, t + 2)
            scat(rows_v1, sem1, t + 1)

        plsc.subcore_barrier()
        pltpu.sync_copy(
            acc_sh.at[pl.ds(s * ROWS_PER_SUB, ROWS_PER_SUB)],
            out_hbm.at[c, pl.ds(s * ROWS_PER_SUB, ROWS_PER_SUB)],
        )

    return _scatter_body


def _scatter_stage(h, idx_panel):
    schunks = h.shape[0] // CHUNK
    skp = idx_panel.shape[1]
    h3 = h.reshape(schunks, CHUNK, EMB)
    mesh = plsc.VectorSubcoreMesh(core_axis_name="c", subcore_axis_name="s")
    kern = pl.kernel(
        _make_scatter_body(schunks, skp),
        out_type=jax.ShapeDtypeStruct((NC, N_PAD, EMB), jnp.float32),
        mesh=mesh,
        scratch_types=[
            pltpu.VMEM((skp, 128), jnp.int32),
            pltpu.VMEM((CHUNK, EMB), jnp.float32),
            pltpu.VMEM((CHUNK, EMB), jnp.float32),
            pltpu.VMEM_SHARED((N_PAD, EMB), jnp.float32),
            pltpu.SemaphoreType.DMA,
            pltpu.SemaphoreType.DMA,
        ],
    )
    return kern(h3, idx_panel)


def _idx_panel(idx_flat, base_chunk, schunks):
    skmax = (schunks + NW - 1) // NW
    skp = skmax + (skmax % 2)
    a = lax.dynamic_slice(idx_flat, (base_chunk * CHUNK,), (schunks * CHUNK,))
    a = a.reshape(schunks, CHUNK)
    a = jnp.pad(a, ((0, skp * NW - schunks), (0, 0)))
    return a.reshape(skp, NW, CHUNK).transpose(1, 0, 2)


def _presum_body(p0_ref, p1_ref, p2_ref, o_ref):
    o_ref[...] = ((p0_ref[0] + p0_ref[1]) + (p1_ref[0] + p1_ref[1])) + \
                 (p2_ref[0] + p2_ref[1])


def _presum_stage(parts, block=2048):
    grid = (N_PAD // block,)
    part_spec = pl.BlockSpec((NC, block, EMB), lambda i: (0, i, 0))
    return pl.pallas_call(
        _presum_body,
        grid=grid,
        in_specs=[part_spec, part_spec, part_spec],
        out_specs=pl.BlockSpec((block, EMB), lambda i: (i, 0)),
        out_shape=jax.ShapeDtypeStruct((N_PAD, EMB), jnp.float32),
    )(*parts)


def _mlp_body(pre_ref, p3_ref,
              w1_ref, b1_ref, w2_ref, b2_ref, w3_ref, b3_ref,
              wo_ref, bo_ref, o_ref):
    y = pre_ref[...] + (p3_ref[0] + p3_ref[1])
    y = jnp.dot(y, w1_ref[...], preferred_element_type=jnp.float32) + b1_ref[...]
    y = y * jax.nn.sigmoid(y)
    y = jnp.dot(y, w2_ref[...], preferred_element_type=jnp.float32) + b2_ref[...]
    y = y * jax.nn.sigmoid(y)
    y = jnp.dot(y, w3_ref[...], preferred_element_type=jnp.float32) + b3_ref[...]
    y = y * jax.nn.sigmoid(y)
    o_ref[...] = jnp.dot(y, wo_ref[...], preferred_element_type=jnp.float32) + bo_ref[...]


def _mlp_stage(parts, W1, b1, W2, b2, W3, b3, W_out, b_out, block=2000):
    wo = jnp.zeros((EMB, EMB), jnp.float32).at[:, :NOUT].set(W_out)
    bo = jnp.zeros((1, EMB), jnp.float32).at[0, :NOUT].set(b_out)
    grid = (N // block,)

    def full(shape):
        return pl.BlockSpec(shape, lambda i: tuple(0 for _ in shape))

    pre, p3 = parts
    part_spec = pl.BlockSpec((NC, block, EMB), lambda i: (0, i, 0))
    out = pl.pallas_call(
        _mlp_body,
        grid=grid,
        in_specs=[
            pl.BlockSpec((block, EMB), lambda i: (i, 0)), part_spec,
            full((EMB, EMB)), full((1, EMB)),
            full((EMB, EMB)), full((1, EMB)),
            full((EMB, EMB)), full((1, EMB)),
            full((EMB, EMB)), full((1, EMB)),
        ],
        out_specs=pl.BlockSpec((block, EMB), lambda i: (i, 0)),
        out_shape=jax.ShapeDtypeStruct((N, EMB), jnp.float32),
    )(*parts, W1, b1.reshape(1, EMB), W2, b2.reshape(1, EMB),
      W3, b3.reshape(1, EMB), wo, bo)
    return out[:, :NOUT]


def kernel(x, rbf, idnb_i, W_rbf, W1, b1, W2, b2, W3, b3, W_out, b_out):
    rbf_t = rbf.T
    idx_flat = idnb_i.astype(jnp.int32)
    parts = []
    start = 0
    h_m = None
    for nedges in SLICES:
        panel = _idx_panel(idx_flat, start // CHUNK, nedges // CHUNK)
        h_m = _edge_stage(x, rbf_t, W_rbf, start, nedges, prev=h_m)
        parts.append(_scatter_stage(h_m, panel))
        start += nedges
    pre = _presum_stage(parts[:3])
    return _mlp_stage([pre, parts[3]], W1, b1, W2, b2, W3, b3, W_out, b_out)

# --- scband reference (transcript-rebuilt; emitter-appended) ---
"""Pipeline reference for scband-output-block-67989332295909 (READ-ONLY COPY).

The authoritative reference and input builder live on the scoring server;
editing this copy changes nothing except your own understanding.
"""

import jax, jax.numpy as jnp
import numpy as np

E = 320000
N = 10000
EMB = 128
NR = 16
NOUT = 12

def setup_inputs(seed: int = 0) -> dict:
    key = jax.random.key(seed)
    ks = jax.random.split(key, 12)
    x = jax.random.normal(ks[0], (E, EMB), dtype=jnp.float32)
    rbf = jax.random.normal(ks[1], (E, NR), dtype=jnp.float32)
    idnb_i = jax.random.randint(ks[2], (E,), 0, N, dtype=jnp.int64)
    W_rbf = jax.random.normal(ks[3], (NR, EMB), dtype=jnp.float32) * 0.05
    W1 = jax.random.normal(ks[4], (EMB, EMB), dtype=jnp.float32) * 0.05
    b1 = jnp.zeros((EMB,), dtype=jnp.float32)
    W2 = jax.random.normal(ks[5], (EMB, EMB), dtype=jnp.float32) * 0.05
    b2 = jnp.zeros((EMB,), dtype=jnp.float32)
    W3 = jax.random.normal(ks[6], (EMB, EMB), dtype=jnp.float32) * 0.05
    b3 = jnp.zeros((EMB,), dtype=jnp.float32)
    W_out = jax.random.normal(ks[7], (EMB, NOUT), dtype=jnp.float32) * 0.05
    b_out = jnp.zeros((NOUT,), dtype=jnp.float32)
    return {"x": x, "rbf": rbf, "idnb_i": idnb_i, "W_rbf": W_rbf,
            "W1": W1, "b1": b1, "W2": W2, "b2": b2, "W3": W3, "b3": b3,
            "W_out": W_out, "b_out": b_out}

def reference(x, rbf, idnb_i, W_rbf, W1, b1, W2, b2, W3, b3, W_out, b_out):
    # dense_rbf: Linear(num_radial -> emb_size, bias=False)
    g = rbf @ W_rbf                      # [E, EMB]
    h = g * x                            # edge gating [E, EMB]
    # scatter_add over dim 0 by neighbor index -> node features [N, EMB]
    h = jax.ops.segment_sum(h, idnb_i, num_segments=N)
    # MLP: n_layers=3 hidden layers (emb->emb, silu) + output layer (emb->n_out)
    h = jax.nn.silu(h @ W1 + b1)
    h = jax.nn.silu(h @ W2 + b2)
    h = jax.nn.silu(h @ W3 + b3)
    out = h @ W_out + b_out              # [N, NOUT]
    return out

if __name__ == "__main__":
    import jax
    _d = setup_inputs()
    print(jax.jit(kernel)(*tuple(_d.values())))

</pallas_src>

<mosaic_0001>
#map = affine_map<(d0, d1) -> (0, 0, 0)>
module attributes {stable_mosaic.version = 14 : i64} {
  func.func @_scatter_body(%arg0: i32, %arg1: i32, %arg2: memref<700x128x128xf32, #tpu.memory_space<hbm>>, %arg3: memref<32x22x128xi32, #tpu.memory_space<hbm>>, %arg4: memref<2x10240x128xf32, #tpu.memory_space<hbm>>, %arg5: memref<22x128xi32, #tpu.memory_space<vmem>>, %arg6: memref<128x128xf32, #tpu.memory_space<vmem>>, %arg7: memref<128x128xf32, #tpu.memory_space<vmem>>, %arg8: memref<10240x128xf32, #tpu.memory_space<vmem_shared>>, %arg9: memref<!tpu.dma_semaphore, #tpu.memory_space<semaphore_mem>>, %arg10: memref<!tpu.dma_semaphore, #tpu.memory_space<semaphore_mem>>) attributes {dimension_semantics = [#tpu.dimension_semantics<core_parallel>, #tpu.dimension_semantics<subcore_parallel>], iteration_bounds = array<i64: 2, 16>, scalar_prefetch = 0 : i64, scratch_operands = 6 : i64, tpu.core_type = #tpu.core_type<sc_vector_subcore>, window_params = [{transform_indices = #map}, {transform_indices = #map}, {transform_indices = #map}]} {
    %mul3A = arith.constant 2 : i32
    %mul3A_0 = arith.muli %arg1, %mul3A : i32
    %add3A = arith.addi %mul3A_0, %arg0 : i32
    "tpu.region"() ({
      %run_scoped3A = tpu.sem_alloc : memref<!tpu.dma_semaphore, #tpu.memory_space<semaphore_mem>>
      %dma_start3A = arith.constant 0 : i32
      %dma_start3A_40 = arith.constant 0 : i32
      %dma_start3A_41 = tpu.memref_slice %arg3[%add3A, %dma_start3A, %dma_start3A_40] : memref<32x22x128xi32, #tpu.memory_space<hbm>> -> memref<1x22x128xi32, #tpu.memory_space<hbm>>
      %dma_start3A_42 = tpu.memref_squeeze %dma_start3A_41 : memref<1x22x128xi32, #tpu.memory_space<hbm>> -> memref<22x128xi32, #tpu.memory_space<hbm>>
      %dma_start3A_43 = arith.constant 0 : i32
      %dma_start3A_44 = arith.constant 0 : i32
      %dma_start3A_45 = tpu.memref_slice %arg3[%add3A, %dma_start3A_43, %dma_start3A_44] : memref<32x22x128xi32, #tpu.memory_space<hbm>> -> memref<1x22x128xi32, #tpu.memory_space<hbm>>
      %dma_start3A_46 = tpu.memref_squeeze %dma_start3A_45 : memref<1x22x128xi32, #tpu.memory_space<hbm>> -> memref<22x128xi32, #tpu.memory_space<hbm>>
      tpu.enqueue_dma source(%dma_start3A_46 : memref<22x128xi32, #tpu.memory_space<hbm>>) target(%arg5 : memref<22x128xi32, #tpu.memory_space<vmem>>) target_semaphore(%run_scoped3A : memref<!tpu.dma_semaphore, #tpu.memory_space<semaphore_mem>>)
      %dma_wait3A = arith.constant 0 : i32
      %dma_wait3A_47 = arith.constant 0 : i32
      %dma_wait3A_48 = tpu.memref_slice %arg3[%add3A, %dma_wait3A, %dma_wait3A_47] : memref<32x22x128xi32, #tpu.memory_space<hbm>> -> memref<1x22x128xi32, #tpu.memory_space<hbm>>
      %dma_wait3A_49 = tpu.memref_squeeze %dma_wait3A_48 : memref<1x22x128xi32, #tpu.memory_space<hbm>> -> memref<22x128xi32, #tpu.memory_space<hbm>>
      %dma_wait3A_50 = arith.constant 0 : i32
      %dma_wait3A_51 = arith.constant 0 : i32
      %dma_wait3A_52 = tpu.memref_slice %arg3[%add3A, %dma_wait3A_50, %dma_wait3A_51] : memref<32x22x128xi32, #tpu.memory_space<hbm>> -> memref<1x22x128xi32, #tpu.memory_space<hbm>>
      %dma_wait3A_53 = tpu.memref_squeeze %dma_wait3A_52 : memref<1x22x128xi32, #tpu.memory_space<hbm>> -> memref<22x128xi32, #tpu.memory_space<hbm>>
      tpu.wait_dma2 semaphore(%run_scoped3A : memref<!tpu.dma_semaphore, #tpu.memory_space<semaphore_mem>>) src(%dma_wait3A_53 : memref<22x128xi32, #tpu.memory_space<hbm>>) dst(%arg5 : memref<22x128xi32, #tpu.memory_space<vmem>>)
      tpu.yield
    }) : () -> ()
    %broadcast_in_dim3A = arith.constant 0.000000e+00 : f32
    %broadcast_in_dim3A_1 = vector.broadcast %broadcast_in_dim3A : f32 to vector<16xf32>
    %scan3A = arith.constant 0 : i32
    %scan3A_2 = arith.constant 128 : i32
    %scan3A_3 = arith.addi %scan3A, %scan3A_2 : i32
    %scan3A_4 = arith.constant 1 : i32
    scf.for %scan3A_40 = %scan3A to %scan3A_3 step %scan3A_4  : i32 {
      %mul3A_41 = arith.constant 1 : i32
      %mul3A_42 = arith.muli %scan3A_40, %mul3A_41 : i32
      %add3A_43 = arith.constant 0 : i32
      %add3A_44 = arith.addi %add3A_43, %mul3A_42 : i32
      %swap3A = arith.index_cast %add3A_44 : i32 to index
      %swap3A_45 = arith.constant 0 : index
      %swap3A_46 = tpu.vector_load %arg6[%swap3A, %swap3A_45] {strides = array<i32>} : memref<128x128xf32, #tpu.memory_space<vmem>>, vector<1x16xf32>,
      %swap3A_47 = vector.shape_cast %swap3A_46 : vector<1x16xf32> to vector<16xf32>
      %swap3A_48 = vector.shape_cast %broadcast_in_dim3A_1 : vector<16xf32> to vector<1x16xf32>
      tpu.vector_store %arg6[%swap3A, %swap3A_45], %swap3A_48 {strides = array<i32>} : memref<128x128xf32, #tpu.memory_space<vmem>>, vector<1x16xf32>,
      %swap3A_49 = arith.index_cast %add3A_44 : i32 to index
      %swap3A_50 = arith.constant 16 : index
      %swap3A_51 = tpu.vector_load %arg6[%swap3A_49, %swap3A_50] {strides = array<i32>} : memref<128x128xf32, #tpu.memory_space<vmem>>, vector<1x16xf32>,
      %swap3A_52 = vector.shape_cast %swap3A_51 : vector<1x16xf32> to vector<16xf32>
      %swap3A_53 = vector.shape_cast %broadcast_in_dim3A_1 : vector<16xf32> to vector<1x16xf32>
      tpu.vector_store %arg6[%swap3A_49, %swap3A_50], %swap3A_53 {strides = array<i32>} : memref<128x128xf32, #tpu.memory_space<vmem>>, vector<1x16xf32>,
      %swap3A_54 = arith.index_cast %add3A_44 : i32 to index
      %swap3A_55 = arith.constant 32 : index
      %swap3A_56 = tpu.vector_load %arg6[%swap3A_54, %swap3A_55] {strides = array<i32>} : memref<128x128xf32, #tpu.memory_space<vmem>>, vector<1x16xf32>,
      %swap3A_57 = vector.shape_cast %swap3A_56 : vector<1x16xf32> to vector<16xf32>
      %swap3A_58 = vector.shape_cast %broadcast_in_dim3A_1 : vector<16xf32> to vector<1x16xf32>
      tpu.vector_store %arg6[%swap3A_54, %swap3A_55], %swap3A_58 {strides = array<i32>} : memref<128x128xf32, #tpu.memory_space<vmem>>, vector<1x16xf32>,
      %swap3A_59 = arith.index_cast %add3A_44 : i32 to index
      %swap3A_60 = arith.constant 48 : index
      %swap3A_61 = tpu.vector_load %arg6[%swap3A_59, %swap3A_60] {strides = array<i32>} : memref<128x128xf32, #tpu.memory_space<vmem>>, vector<1x16xf32>,
      %swap3A_62 = vector.shape_cast %swap3A_61 : vector<1x16xf32> to vector<16xf32>
      %swap3A_63 = vector.shape_cast %broadcast_in_dim3A_1 : vector<16xf32> to vector<1x16xf32>
      tpu.vector_store %arg6[%swap3A_59, %swap3A_60], %swap3A_63 {strides = array<i32>} : memref<128x128xf32, #tpu.memory_space<vmem>>, vector<1x16xf32>,
      %swap3A_64 = arith.index_cast %add3A_44 : i32 to index
      %swap3A_65 = arith.constant 64 : index
      %swap3A_66 = tpu.vector_load %arg6[%swap3A_64, %swap3A_65] {strides = array<i32>} : memref<128x128xf32, #tpu.memory_space<vmem>>, vector<1x16xf32>,
      %swap3A_67 = vector.shape_cast %swap3A_66 : vector<1x16xf32> to vector<16xf32>
      %swap3A_68 = vector.shape_cast %broadcast_in_dim3A_1 : vector<16xf32> to vector<1x16xf32>
      tpu.vector_store %arg6[%swap3A_64, %swap3A_65], %swap3A_68 {strides = array<i32>} : memref<128x128xf32, #tpu.memory_space<vmem>>, vector<1x16xf32>,
      %swap3A_69 = arith.index_cast %add3A_44 : i32 to index
      %swap3A_70 = arith.constant 80 : index
      %swap3A_71 = tpu.vector_load %arg6[%swap3A_69, %swap3A_70] {strides = array<i32>} : memref<128x128xf32, #tpu.memory_space<vmem>>, vector<1x16xf32>,
      %swap3A_72 = vector.shape_cast %swap3A_71 : vector<1x16xf32> to vector<16xf32>
      %swap3A_73 = vector.shape_cast %broadcast_in_dim3A_1 : vector<16xf32> to vector<1x16xf32>
      tpu.vector_store %arg6[%swap3A_69, %swap3A_70], %swap3A_73 {strides = array<i32>} : memref<128x128xf32, #tpu.memory_space<vmem>>, vector<1x16xf32>,
      %swap3A_74 = arith.index_cast %add3A_44 : i32 to index
      %swap3A_75 = arith.constant 96 : index
      %swap3A_76 = tpu.vector_load %arg6[%swap3A_74, %swap3A_75] {strides = array<i32>} : memref<128x128xf32, #tpu.memory_space<vmem>>, vector<1x16xf32>,
      %swap3A_77 = vector.shape_cast %swap3A_76 : vector<1x16xf32> to vector<16xf32>
      %swap3A_78 = vector.shape_cast %broadcast_in_dim3A_1 : vector<16xf32> to vector<1x16xf32>
      tpu.vector_store %arg6[%swap3A_74, %swap3A_75], %swap3A_78 {strides = array<i32>} : memref<128x128xf32, #tpu.memory_space<vmem>>, vector<1x16xf32>,
      %swap3A_79 = arith.index_cast %add3A_44 : i32 to index
      %swap3A_80 = arith.constant 112 : index
      %swap3A_81 = tpu.vector_load %arg6[%swap3A_79, %swap3A_80] {strides = array<i32>} : memref<128x128xf32, #tpu.memory_space<vmem>>, vector<1x16xf32>,
      %swap3A_82 = vector.shape_cast %swap3A_81 : vector<1x16xf32> to vector<16xf32>
      %swap3A_83 = vector.shape_cast %broadcast_in_dim3A_1 : vector<16xf32> to vector<1x16xf32>
      tpu.vector_store %arg6[%swap3A_79, %swap3A_80], %swap3A_83 {strides = array<i32>} : memref<128x128xf32, #tpu.memory_space<vmem>>, vector<1x16xf32>,
    }
    %scan3A_5 = arith.constant 128 : i32
    %mul3A_6 = arith.constant 640 : i32
    %mul3A_7 = arith.muli %arg1, %mul3A_6 : i32
    %add3A_8 = arith.constant 0 : i32
    %add3A_9 = arith.addi %mul3A_7, %add3A_8 : i32
    "tpu.region"() ({
      %run_scoped3A = tpu.sem_alloc : memref<!tpu.dma_semaphore, #tpu.memory_space<semaphore_mem>>
      %dma_start3A = arith.constant 0 : i32
      %dma_start3A_40 = tpu.memref_slice %arg8[%add3A_9, %dma_start3A] : memref<10240x128xf32, #tpu.memory_space<vmem_shared>> -> memref<128x128xf32, #tpu.memory_space<vmem_shared>>
      %dma_start3A_41 = arith.constant 0 : i32
      %dma_start3A_42 = tpu.memref_slice %arg8[%add3A_9, %dma_start3A_41] : memref<10240x128xf32, #tpu.memory_space<vmem_shared>> -> memref<128x128xf32, #tpu.memory_space<vmem_shared>>
      tpu.enqueue_dma source(%arg6 : memref<128x128xf32, #tpu.memory_space<vmem>>) target(%dma_start3A_42 : memref<128x128xf32, #tpu.memory_space<vmem_shared>>) target_semaphore(%run_scoped3A : memref<!tpu.dma_semaphore, #tpu.memory_space<semaphore_mem>>)
      %dma_wait3A = arith.constant 0 : i32
      %dma_wait3A_43 = tpu.memref_slice %arg8[%add3A_9, %dma_wait3A] : memref<10240x128xf32, #tpu.memory_space<vmem_shared>> -> memref<128x128xf32, #tpu.memory_space<vmem_shared>>
      %dma_wait3A_44 = arith.constant 0 : i32
      %dma_wait3A_45 = tpu.memref_slice %arg8[%add3A_9, %dma_wait3A_44] : memref<10240x128xf32, #tpu.memory_space<vmem_shared>> -> memref<128x128xf32, #tpu.memory_space<vmem_shared>>
      tpu.wait_dma2 semaphore(%run_scoped3A : memref<!tpu.dma_semaphore, #tpu.memory_space<semaphore_mem>>) src(%arg6 : memref<128x128xf32, #tpu.memory_space<vmem>>) dst(%dma_wait3A_45 : memref<128x128xf32, #tpu.memory_space<vmem_shared>>)
      tpu.yield
    }) : () -> ()
    %mul3A_10 = arith.constant 640 : i32
    %mul3A_11 = arith.muli %arg1, %mul3A_10 : i32
    %add3A_12 = arith.constant 128 : i32
    %add3A_13 = arith.addi %mul3A_11, %add3A_12 : i32
    "tpu.region"() ({
      %run_scoped3A = tpu.sem_alloc : memref<!tpu.dma_semaphore, #tpu.memory_space<semaphore_mem>>
      %dma_start3A = arith.constant 0 : i32
      %dma_start3A_40 = tpu.memref_slice %arg8[%add3A_13, %dma_start3A] : memref<10240x128xf32, #tpu.memory_space<vmem_shared>> -> memref<128x128xf32, #tpu.memory_space<vmem_shared>>
      %dma_start3A_41 = arith.constant 0 : i32
      %dma_start3A_42 = tpu.memref_slice %arg8[%add3A_13, %dma_start3A_41] : memref<10240x128xf32, #tpu.memory_space<vmem_shared>> -> memref<128x128xf32, #tpu.memory_space<vmem_shared>>
      tpu.enqueue_dma source(%arg6 : memref<128x128xf32, #tpu.memory_space<vmem>>) target(%dma_start3A_42 : memref<128x128xf32, #tpu.memory_space<vmem_shared>>) target_semaphore(%run_scoped3A : memref<!tpu.dma_semaphore, #tpu.memory_space<semaphore_mem>>)
      %dma_wait3A = arith.constant 0 : i32
      %dma_wait3A_43 = tpu.memref_slice %arg8[%add3A_13, %dma_wait3A] : memref<10240x128xf32, #tpu.memory_space<vmem_shared>> -> memref<128x128xf32, #tpu.memory_space<vmem_shared>>
      %dma_wait3A_44 = arith.constant 0 : i32
      %dma_wait3A_45 = tpu.memref_slice %arg8[%add3A_13, %dma_wait3A_44] : memref<10240x128xf32, #tpu.memory_space<vmem_shared>> -> memref<128x128xf32, #tpu.memory_space<vmem_shared>>
      tpu.wait_dma2 semaphore(%run_scoped3A : memref<!tpu.dma_semaphore, #tpu.memory_space<semaphore_mem>>) src(%arg6 : memref<128x128xf32, #tpu.memory_space<vmem>>) dst(%dma_wait3A_45 : memref<128x128xf32, #tpu.memory_space<vmem_shared>>)
      tpu.yield
    }) : () -> ()
    %mul3A_14 = arith.constant 640 : i32
    %mul3A_15 = arith.muli %arg1, %mul3A_14 : i32
    %add3A_16 = arith.constant 256 : i32
    %add3A_17 = arith.addi %mul3A_15, %add3A_16 : i32
    "tpu.region"() ({
      %run_scoped3A = tpu.sem_alloc : memref<!tpu.dma_semaphore, #tpu.memory_space<semaphore_mem>>
      %dma_start3A = arith.constant 0 : i32
      %dma_start3A_40 = tpu.memref_slice %arg8[%add3A_17, %dma_start3A] : memref<10240x128xf32, #tpu.memory_space<vmem_shared>> -> memref<128x128xf32, #tpu.memory_space<vmem_shared>>
      %dma_start3A_41 = arith.constant 0 : i32
      %dma_start3A_42 = tpu.memref_slice %arg8[%add3A_17, %dma_start3A_41] : memref<10240x128xf32, #tpu.memory_space<vmem_shared>> -> memref<128x128xf32, #tpu.memory_space<vmem_shared>>
      tpu.enqueue_dma source(%arg6 : memref<128x128xf32, #tpu.memory_space<vmem>>) target(%dma_start3A_42 : memref<128x128xf32, #tpu.memory_space<vmem_shared>>) target_semaphore(%run_scoped3A : memref<!tpu.dma_semaphore, #tpu.memory_space<semaphore_mem>>)
      %dma_wait3A = arith.constant 0 : i32
      %dma_wait3A_43 = tpu.memref_slice %arg8[%add3A_17, %dma_wait3A] : memref<10240x128xf32, #tpu.memory_space<vmem_shared>> -> memref<128x128xf32, #tpu.memory_space<vmem_shared>>
      %dma_wait3A_44 = arith.constant 0 : i32
      %dma_wait3A_45 = tpu.memref_slice %arg8[%add3A_17, %dma_wait3A_44] : memref<10240x128xf32, #tpu.memory_space<vmem_shared>> -> memref<128x128xf32, #tpu.memory_space<vmem_shared>>
      tpu.wait_dma2 semaphore(%run_scoped3A : memref<!tpu.dma_semaphore, #tpu.memory_space<semaphore_mem>>) src(%arg6 : memref<128x128xf32, #tpu.memory_space<vmem>>) dst(%dma_wait3A_45 : memref<128x128xf32, #tpu.memory_space<vmem_shared>>)
      tpu.yield
    }) : () -> ()
    %mul3A_18 = arith.constant 640 : i32
    %mul3A_19 = arith.muli %arg1, %mul3A_18 : i32
    %add3A_20 = arith.constant 384 : i32
    %add3A_21 = arith.addi %mul3A_19, %add3A_20 : i32
    "tpu.region"() ({
      %run_scoped3A = tpu.sem_alloc : memref<!tpu.dma_semaphore, #tpu.memory_space<semaphore_mem>>
      %dma_start3A = arith.constant 0 : i32
      %dma_start3A_40 = tpu.memref_slice %arg8[%add3A_21, %dma_start3A] : memref<10240x128xf32, #tpu.memory_space<vmem_shared>> -> memref<128x128xf32, #tpu.memory_space<vmem_shared>>
      %dma_start3A_41 = arith.constant 0 : i32
      %dma_start3A_42 = tpu.memref_slice %arg8[%add3A_21, %dma_start3A_41] : memref<10240x128xf32, #tpu.memory_space<vmem_shared>> -> memref<128x128xf32, #tpu.memory_space<vmem_shared>>
      tpu.enqueue_dma source(%arg6 : memref<128x128xf32, #tpu.memory_space<vmem>>) target(%dma_start3A_42 : memref<128x128xf32, #tpu.memory_space<vmem_shared>>) target_semaphore(%run_scoped3A : memref<!tpu.dma_semaphore, #tpu.memory_space<semaphore_mem>>)
      %dma_wait3A = arith.constant 0 : i32
      %dma_wait3A_43 = tpu.memref_slice %arg8[%add3A_21, %dma_wait3A] : memref<10240x128xf32, #tpu.memory_space<vmem_shared>> -> memref<128x128xf32, #tpu.memory_space<vmem_shared>>
      %dma_wait3A_44 = arith.constant 0 : i32
      %dma_wait3A_45 = tpu.memref_slice %arg8[%add3A_21, %dma_wait3A_44] : memref<10240x128xf32, #tpu.memory_space<vmem_shared>> -> memref<128x128xf32, #tpu.memory_space<vmem_shared>>
      tpu.wait_dma2 semaphore(%run_scoped3A : memref<!tpu.dma_semaphore, #tpu.memory_space<semaphore_mem>>) src(%arg6 : memref<128x128xf32, #tpu.memory_space<vmem>>) dst(%dma_wait3A_45 : memref<128x128xf32, #tpu.memory_space<vmem_shared>>)
      tpu.yield
    }) : () -> ()
    %mul3A_22 = arith.constant 640 : i32
    %mul3A_23 = arith.muli %arg1, %mul3A_22 : i32
    %add3A_24 = arith.constant 512 : i32
    %add3A_25 = arith.addi %mul3A_23, %add3A_24 : i32
    "tpu.region"() ({
      %run_scoped3A = tpu.sem_alloc : memref<!tpu.dma_semaphore, #tpu.memory_space<semaphore_mem>>
      %dma_start3A = arith.constant 0 : i32
      %dma_start3A_40 = tpu.memref_slice %arg8[%add3A_25, %dma_start3A] : memref<10240x128xf32, #tpu.memory_space<vmem_shared>> -> memref<128x128xf32, #tpu.memory_space<vmem_shared>>
      %dma_start3A_41 = arith.constant 0 : i32
      %dma_start3A_42 = tpu.memref_slice %arg8[%add3A_25, %dma_start3A_41] : memref<10240x128xf32, #tpu.memory_space<vmem_shared>> -> memref<128x128xf32, #tpu.memory_space<vmem_shared>>
      tpu.enqueue_dma source(%arg6 : memref<128x128xf32, #tpu.memory_space<vmem>>) target(%dma_start3A_42 : memref<128x128xf32, #tpu.memory_space<vmem_shared>>) target_semaphore(%run_scoped3A : memref<!tpu.dma_semaphore, #tpu.memory_space<semaphore_mem>>)
      %dma_wait3A = arith.constant 0 : i32
      %dma_wait3A_43 = tpu.memref_slice %arg8[%add3A_25, %dma_wait3A] : memref<10240x128xf32, #tpu.memory_space<vmem_shared>> -> memref<128x128xf32, #tpu.memory_space<vmem_shared>>
      %dma_wait3A_44 = arith.constant 0 : i32
      %dma_wait3A_45 = tpu.memref_slice %arg8[%add3A_25, %dma_wait3A_44] : memref<10240x128xf32, #tpu.memory_space<vmem_shared>> -> memref<128x128xf32, #tpu.memory_space<vmem_shared>>
      tpu.wait_dma2 semaphore(%run_scoped3A : memref<!tpu.dma_semaphore, #tpu.memory_space<semaphore_mem>>) src(%arg6 : memref<128x128xf32, #tpu.memory_space<vmem>>) dst(%dma_wait3A_45 : memref<128x128xf32, #tpu.memory_space<vmem_shared>>)
      tpu.yield
    }) : () -> ()
    %barrier3A = arith.constant 0 : index
    tpu.barrier barrier_id(%barrier3A)
    %add3A_26 = arith.constant 0 : i32
    %add3A_27 = arith.addi %add3A, %add3A_26 : i32
    %lt3A = arith.constant 700 : i32
    %lt3A_28 = arith.cmpi slt, %add3A_27, %lt3A : i32
    %convert_element_type3A = arith.extui %lt3A_28 : i1 to i32
    %cond3A = arith.constant 0 : i32
    %cond3A_29 = arith.cmpi ne, %convert_element_type3A, %cond3A : i32
    scf.if %cond3A_29 {
      %dma_start3A = arith.constant 0 : i32
      %dma_start3A_40 = arith.constant 0 : i32
      %dma_start3A_41 = tpu.memref_slice %arg2[%add3A_27, %dma_start3A, %dma_start3A_40] : memref<700x128x128xf32, #tpu.memory_space<hbm>> -> memref<1x128x128xf32, #tpu.memory_space<hbm>>
      %dma_start3A_42 = tpu.memref_squeeze %dma_start3A_41 : memref<1x128x128xf32, #tpu.memory_space<hbm>> -> memref<128x128xf32, #tpu.memory_space<hbm>>
      %dma_start3A_43 = arith.constant 0 : i32
      %dma_start3A_44 = arith.constant 0 : i32
      %dma_start3A_45 = tpu.memref_slice %arg2[%add3A_27, %dma_start3A_43, %dma_start3A_44] : memref<700x128x128xf32, #tpu.memory_space<hbm>> -> memref<1x128x128xf32, #tpu.memory_space<hbm>>
      %dma_start3A_46 = tpu.memref_squeeze %dma_start3A_45 : memref<1x128x128xf32, #tpu.memory_space<hbm>> -> memref<128x128xf32, #tpu.memory_space<hbm>>
      tpu.enqueue_dma source(%dma_start3A_46 : memref<128x128xf32, #tpu.memory_space<hbm>>) target(%arg6 : memref<128x128xf32, #tpu.memory_space<vmem>>) target_semaphore(%arg9 : memref<!tpu.dma_semaphore, #tpu.memory_space<semaphore_mem>>)
    } else {
    }
    %scan3A_30 = arith.constant 0 : i32
    %scan3A_31 = arith.constant 11 : i32
    %scan3A_32 = arith.addi %scan3A_30, %scan3A_31 : i32
    %scan3A_33 = arith.constant 1 : i32
    scf.for %scan3A_40 = %scan3A_30 to %scan3A_32 step %scan3A_33  : i32 {
      %mul3A_41 = arith.constant 2 : i32
      %mul3A_42 = arith.muli %scan3A_40, %mul3A_41 : i32
      %add3A_43 = arith.constant 0 : i32
      %add3A_44 = arith.addi %add3A_43, %mul3A_42 : i32
      %add3A_45 = arith.constant 1 : i32
      %add3A_46 = arith.addi %add3A_44, %add3A_45 : i32
      %mul3A_47 = arith.constant 32 : i32
      %mul3A_48 = arith.muli %mul3A_47, %add3A_46 : i32
      %add3A_49 = arith.addi %add3A, %mul3A_48 : i32
      %lt3A_50 = arith.constant 700 : i32
      %lt3A_51 = arith.cmpi slt, %add3A_49, %lt3A_50 : i32
      %convert_element_type3A_52 = arith.extui %lt3A_51 : i1 to i32
      %cond3A_53 = arith.constant 0 : i32
      %cond3A_54 = arith.cmpi ne, %convert_element_type3A_52, %cond3A_53 : i32
      scf.if %cond3A_54 {
        %dma_start3A = arith.constant 0 : i32
        %dma_start3A_83 = arith.constant 0 : i32
        %dma_start3A_84 = tpu.memref_slice %arg2[%add3A_49, %dma_start3A, %dma_start3A_83] : memref<700x128x128xf32, #tpu.memory_space<hbm>> -> memref<1x128x128xf32, #tpu.memory_space<hbm>>
        %dma_start3A_85 = tpu.memref_squeeze %dma_start3A_84 : memref<1x128x128xf32, #tpu.memory_space<hbm>> -> memref<128x128xf32, #tpu.memory_space<hbm>>
        %dma_start3A_86 = arith.constant 0 : i32
        %dma_start3A_87 = arith.constant 0 : i32
        %dma_start3A_88 = tpu.memref_slice %arg2[%add3A_49, %dma_start3A_86, %dma_start3A_87] : memref<700x128x128xf32, #tpu.memory_space<hbm>> -> memref<1x128x128xf32, #tpu.memory_space<hbm>>
        %dma_start3A_89 = tpu.memref_squeeze %dma_start3A_88 : memref<1x128x128xf32, #tpu.memory_space<hbm>> -> memref<128x128xf32, #tpu.memory_space<hbm>>
        tpu.enqueue_dma source(%dma_start3A_89 : memref<128x128xf32, #tpu.memory_space<hbm>>) target(%arg7 : memref<128x128xf32, #tpu.memory_space<vmem>>) target_semaphore(%arg10 : memref<!tpu.dma_semaphore, #tpu.memory_space<semaphore_mem>>)
      } else {
      }
      %mul3A_55 = arith.constant 32 : i32
      %mul3A_56 = arith.muli %mul3A_55, %add3A_44 : i32
      %add3A_57 = arith.addi %add3A, %mul3A_56 : i32
      %lt3A_58 = arith.constant 700 : i32
      %lt3A_59 = arith.cmpi slt, %add3A_57, %lt3A_58 : i32
      %convert_element_type3A_60 = arith.extui %lt3A_59 : i1 to i32
      %cond3A_61 = arith.constant 0 : i32
      %cond3A_62 = arith.cmpi ne, %convert_element_type3A_60, %cond3A_61 : i32
      scf.if %cond3A_62 {
        %dma_wait3A = arith.constant 0 : i32
        %dma_wait3A_83 = arith.constant 0 : i32
        %dma_wait3A_84 = tpu.memref_slice %arg2[%add3A_57, %dma_wait3A, %dma_wait3A_83] : memref<700x128x128xf32, #tpu.memory_space<hbm>> -> memref<1x128x128xf32, #tpu.memory_space<hbm>>
        %dma_wait3A_85 = tpu.memref_squeeze %dma_wait3A_84 : memref<1x128x128xf32, #tpu.memory_space<hbm>> -> memref<128x128xf32, #tpu.memory_space<hbm>>
        %dma_wait3A_86 = arith.constant 0 : i32
        %dma_wait3A_87 = arith.constant 0 : i32
        %dma_wait3A_88 = tpu.memref_slice %arg2[%add3A_57, %dma_wait3A_86, %dma_wait3A_87] : memref<700x128x128xf32, #tpu.memory_space<hbm>> -> memref<1x128x128xf32, #tpu.memory_space<hbm>>
        %dma_wait3A_89 = tpu.memref_squeeze %dma_wait3A_88 : memref<1x128x128xf32, #tpu.memory_space<hbm>> -> memref<128x128xf32, #tpu.memory_space<hbm>>
        tpu.wait_dma2 semaphore(%arg9 : memref<!tpu.dma_semaphore, #tpu.memory_space<semaphore_mem>>) src(%dma_wait3A_89 : memref<128x128xf32, #tpu.memory_space<hbm>>) dst(%arg6 : memref<128x128xf32, #tpu.memory_space<vmem>>)
        "tpu.region"() ({
          %run_scoped3A = tpu.sem_alloc : memref<!tpu.dma_semaphore, #tpu.memory_space<semaphore_mem>>
          %dma_start3A = arith.constant 0 : i32
          %dma_start3A_90 = tpu.memref_slice %arg5[%add3A_44, %dma_start3A] : memref<22x128xi32, #tpu.memory_space<vmem>> -> memref<1x128xi32, #tpu.memory_space<vmem>>
          %dma_start3A_91 = tpu.memref_squeeze %dma_start3A_90 : memref<1x128xi32, #tpu.memory_space<vmem>> -> memref<128xi32, #tpu.memory_space<vmem>>
          %dma_start3A_92 = arith.constant 0 : i32
          %dma_start3A_93 = arith.constant 0 : i32
          %dma_start3A_94 = tpu.memref_slice %arg8[%dma_start3A_92, %dma_start3A_93] : memref<10240x128xf32, #tpu.memory_space<vmem_shared>> -> memref<10240x128xf32, #tpu.memory_space<vmem_shared>>
          tpu.enqueue_indirect_dma source(%arg6 : memref<128x128xf32, #tpu.memory_space<vmem>>) target(%dma_start3A_94 : memref<10240x128xf32, #tpu.memory_space<vmem_shared>>) offsets(%dma_start3A_91 : memref<128xi32, #tpu.memory_space<vmem>>) semaphore(%run_scoped3A : memref<!tpu.dma_semaphore, #tpu.memory_space<semaphore_mem>>) {add = true}
          %dma_wait3A_95 = arith.constant 0 : i32
          %dma_wait3A_96 = tpu.memref_slice %arg5[%add3A_44, %dma_wait3A_95] : memref<22x128xi32, #tpu.memory_space<vmem>> -> memref<1x128xi32, #tpu.memory_space<vmem>>
          %dma_wait3A_97 = tpu.memref_squeeze %dma_wait3A_96 : memref<1x128xi32, #tpu.memory_space<vmem>> -> memref<128xi32, #tpu.memory_space<vmem>>
          %dma_wait3A_98 = arith.constant 0 : i32
          %dma_wait3A_99 = arith.constant 0 : i32
          %dma_wait3A_100 = tpu.memref_slice %arg8[%dma_wait3A_98, %dma_wait3A_99] : memref<10240x128xf32, #tpu.memory_space<vmem_shared>> -> memref<10240x128xf32, #tpu.memory_space<vmem_shared>>
          tpu.wait_indirect_dma semaphore(%run_scoped3A : memref<!tpu.dma_semaphore, #tpu.memory_space<semaphore_mem>>) src(%arg6 : memref<128x128xf32, #tpu.memory_space<vmem>>) dst(%dma_wait3A_100 : memref<10240x128xf32, #tpu.memory_space<vmem_shared>>)
          tpu.yield
        }) : () -> ()
      } else {
      }
      %add3A_63 = arith.constant 2 : i32
      %add3A_64 = arith.addi %add3A_44, %add3A_63 : i32
      %mul3A_65 = arith.constant 32 : i32
      %mul3A_66 = arith.muli %mul3A_65, %add3A_64 : i32
      %add3A_67 = arith.addi %add3A, %mul3A_66 : i32
      %lt3A_68 = arith.constant 700 : i32
      %lt3A_69 = arith.cmpi slt, %add3A_67, %lt3A_68 : i32
      %convert_element_type3A_70 = arith.extui %lt3A_69 : i1 to i32
      %cond3A_71 = arith.constant 0 : i32
      %cond3A_72 = arith.cmpi ne, %convert_element_type3A_70, %cond3A_71 : i32
      scf.if %cond3A_72 {
        %dma_start3A = arith.constant 0 : i32
        %dma_start3A_83 = arith.constant 0 : i32
        %dma_start3A_84 = tpu.memref_slice %arg2[%add3A_67, %dma_start3A, %dma_start3A_83] : memref<700x128x128xf32, #tpu.memory_space<hbm>> -> memref<1x128x128xf32, #tpu.memory_space<hbm>>
        %dma_start3A_85 = tpu.memref_squeeze %dma_start3A_84 : memref<1x128x128xf32, #tpu.memory_space<hbm>> -> memref<128x128xf32, #tpu.memory_space<hbm>>
        %dma_start3A_86 = arith.constant 0 : i32
        %dma_start3A_87 = arith.constant 0 : i32
        %dma_start3A_88 = tpu.memref_slice %arg2[%add3A_67, %dma_start3A_86, %dma_start3A_87] : memref<700x128x128xf32, #tpu.memory_space<hbm>> -> memref<1x128x128xf32, #tpu.memory_space<hbm>>
        %dma_start3A_89 = tpu.memref_squeeze %dma_start3A_88 : memref<1x128x128xf32, #tpu.memory_space<hbm>> -> memref<128x128xf32, #tpu.memory_space<hbm>>
        tpu.enqueue_dma source(%dma_start3A_89 : memref<128x128xf32, #tpu.memory_space<hbm>>) target(%arg6 : memref<128x128xf32, #tpu.memory_space<vmem>>) target_semaphore(%arg9 : memref<!tpu.dma_semaphore, #tpu.memory_space<semaphore_mem>>)
      } else {
      }
      %add3A_73 = arith.constant 1 : i32
      %add3A_74 = arith.addi %add3A_44, %add3A_73 : i32
      %mul3A_75 = arith.constant 32 : i32
      %mul3A_76 = arith.muli %mul3A_75, %add3A_74 : i32
      %add3A_77 = arith.addi %add3A, %mul3A_76 : i32
      %lt3A_78 = arith.constant 700 : i32
      %lt3A_79 = arith.cmpi slt, %add3A_77, %lt3A_78 : i32
      %convert_element_type3A_80 = arith.extui %lt3A_79 : i1 to i32
      %cond3A_81 = arith.constant 0 : i32
      %cond3A_82 = arith.cmpi ne, %convert_element_type3A_80, %cond3A_81 : i32
      scf.if %cond3A_82 {
        %dma_wait3A = arith.constant 0 : i32
        %dma_wait3A_83 = arith.constant 0 : i32
        %dma_wait3A_84 = tpu.memref_slice %arg2[%add3A_77, %dma_wait3A, %dma_wait3A_83] : memref<700x128x128xf32, #tpu.memory_space<hbm>> -> memref<1x128x128xf32, #tpu.memory_space<hbm>>
        %dma_wait3A_85 = tpu.memref_squeeze %dma_wait3A_84 : memref<1x128x128xf32, #tpu.memory_space<hbm>> -> memref<128x128xf32, #tpu.memory_space<hbm>>
        %dma_wait3A_86 = arith.constant 0 : i32
        %dma_wait3A_87 = arith.constant 0 : i32
        %dma_wait3A_88 = tpu.memref_slice %arg2[%add3A_77, %dma_wait3A_86, %dma_wait3A_87] : memref<700x128x128xf32, #tpu.memory_space<hbm>> -> memref<1x128x128xf32, #tpu.memory_space<hbm>>
        %dma_wait3A_89 = tpu.memref_squeeze %dma_wait3A_88 : memref<1x128x128xf32, #tpu.memory_space<hbm>> -> memref<128x128xf32, #tpu.memory_space<hbm>>
        tpu.wait_dma2 semaphore(%arg10 : memref<!tpu.dma_semaphore, #tpu.memory_space<semaphore_mem>>) src(%dma_wait3A_89 : memref<128x128xf32, #tpu.memory_space<hbm>>) dst(%arg7 : memref<128x128xf32, #tpu.memory_space<vmem>>)
        "tpu.region"() ({
          %run_scoped3A = tpu.sem_alloc : memref<!tpu.dma_semaphore, #tpu.memory_space<semaphore_mem>>
          %dma_start3A = arith.constant 0 : i32
          %dma_start3A_90 = tpu.memref_slice %arg5[%add3A_74, %dma_start3A] : memref<22x128xi32, #tpu.memory_space<vmem>> -> memref<1x128xi32, #tpu.memory_space<vmem>>
          %dma_start3A_91 = tpu.memref_squeeze %dma_start3A_90 : memref<1x128xi32, #tpu.memory_space<vmem>> -> memref<128xi32, #tpu.memory_space<vmem>>
          %dma_start3A_92 = arith.constant 0 : i32
          %dma_start3A_93 = arith.constant 0 : i32
          %dma_start3A_94 = tpu.memref_slice %arg8[%dma_start3A_92, %dma_start3A_93] : memref<10240x128xf32, #tpu.memory_space<vmem_shared>> -> memref<10240x128xf32, #tpu.memory_space<vmem_shared>>
          tpu.enqueue_indirect_dma source(%arg7 : memref<128x128xf32, #tpu.memory_space<vmem>>) target(%dma_start3A_94 : memref<10240x128xf32, #tpu.memory_space<vmem_shared>>) offsets(%dma_start3A_91 : memref<128xi32, #tpu.memory_space<vmem>>) semaphore(%run_scoped3A : memref<!tpu.dma_semaphore, #tpu.memory_space<semaphore_mem>>) {add = true}
          %dma_wait3A_95 = arith.constant 0 : i32
          %dma_wait3A_96 = tpu.memref_slice %arg5[%add3A_74, %dma_wait3A_95] : memref<22x128xi32, #tpu.memory_space<vmem>> -> memref<1x128xi32, #tpu.memory_space<vmem>>
          %dma_wait3A_97 = tpu.memref_squeeze %dma_wait3A_96 : memref<1x128xi32, #tpu.memory_space<vmem>> -> memref<128xi32, #tpu.memory_space<vmem>>
          %dma_wait3A_98 = arith.constant 0 : i32
          %dma_wait3A_99 = arith.constant 0 : i32
          %dma_wait3A_100 = tpu.memref_slice %arg8[%dma_wait3A_98, %dma_wait3A_99] : memref<10240x128xf32, #tpu.memory_space<vmem_shared>> -> memref<10240x128xf32, #tpu.memory_space<vmem_shared>>
          tpu.wait_indirect_dma semaphore(%run_scoped3A : memref<!tpu.dma_semaphore, #tpu.memory_space<semaphore_mem>>) src(%arg7 : memref<128x128xf32, #tpu.memory_space<vmem>>) dst(%dma_wait3A_100 : memref<10240x128xf32, #tpu.memory_space<vmem_shared>>)
          tpu.yield
        }) : () -> ()
      } else {
      }
    }
    %scan3A_34 = arith.constant 11 : i32
    %barrier3A_35 = arith.constant 0 : index
    tpu.barrier barrier_id(%barrier3A_35)
    %mul3A_36 = arith.constant 640 : i32
    %mul3A_37 = arith.muli %arg1, %mul3A_36 : i32
    %mul3A_38 = arith.constant 640 : i32
    %mul3A_39 = arith.muli %arg1, %mul3A_38 : i32
    "tpu.region"() ({
      %run_scoped3A = tpu.sem_alloc : memref<!tpu.dma_semaphore, #tpu.memory_space<semaphore_mem>>
      %dma_start3A = arith.constant 0 : i32
      %dma_start3A_40 = tpu.memref_slice %arg4[%arg0, %mul3A_39, %dma_start3A] : memref<2x10240x128xf32, #tpu.memory_space<hbm>> -> memref<1x640x128xf32, #tpu.memory_space<hbm>>
      %dma_start3A_41 = tpu.memref_squeeze %dma_start3A_40 : memref<1x640x128xf32, #tpu.memory_space<hbm>> -> memref<640x128xf32, #tpu.memory_space<hbm>>
      %dma_start3A_42 = arith.constant 0 : i32
      %dma_start3A_43 = tpu.memref_slice %arg8[%mul3A_37, %dma_start3A_42] : memref<10240x128xf32, #tpu.memory_space<vmem_shared>> -> memref<640x128xf32, #tpu.memory_space<vmem_shared>>
      tpu.enqueue_dma source(%dma_start3A_43 : memref<640x128xf32, #tpu.memory_space<vmem_shared>>) target(%dma_start3A_41 : memref<640x128xf32, #tpu.memory_space<hbm>>) target_semaphore(%run_scoped3A : memref<!tpu.dma_semaphore, #tpu.memory_space<semaphore_mem>>)
      %dma_wait3A = arith.constant 0 : i32
      %dma_wait3A_44 = tpu.memref_slice %arg4[%arg0, %mul3A_39, %dma_wait3A] : memref<2x10240x128xf32, #tpu.memory_space<hbm>> -> memref<1x640x128xf32, #tpu.memory_space<hbm>>
      %dma_wait3A_45 = tpu.memref_squeeze %dma_wait3A_44 : memref<1x640x128xf32, #tpu.memory_space<hbm>> -> memref<640x128xf32, #tpu.memory_space<hbm>>
      %dma_wait3A_46 = arith.constant 0 : i32
      %dma_wait3A_47 = tpu.memref_slice %arg8[%mul3A_37, %dma_wait3A_46] : memref<10240x128xf32, #tpu.memory_space<vmem_shared>> -> memref<640x128xf32, #tpu.memory_space<vmem_shared>>
      tpu.wait_dma2 semaphore(%run_scoped3A : memref<!tpu.dma_semaphore, #tpu.memory_space<semaphore_mem>>) src(%dma_wait3A_47 : memref<640x128xf32, #tpu.memory_space<vmem_shared>>) dst(%dma_wait3A_45 : memref<640x128xf32, #tpu.memory_space<hbm>>)
      tpu.yield
    }) : () -> ()
    return
  }
}

#map = affine_map<(d0, d1) -> (0, 0, 0)>
module attributes {stable_mosaic.version = 14 : i64} {
  func.func @_scatter_body(%arg0: i32, %arg1: i32, %arg2: memref<800x128x128xf32, #tpu.memory_space<hbm>>, %arg3: memref<32x26x128xi32, #tpu.memory_space<hbm>>, %arg4: memref<2x10240x128xf32, #tpu.memory_space<hbm>>, %arg5: memref<26x128xi32, #tpu.memory_space<vmem>>, %arg6: memref<128x128xf32, #tpu.memory_space<vmem>>, %arg7: memref<128x128xf32, #tpu.memory_space<vmem>>, %arg8: memref<10240x128xf32, #tpu.memory_space<vmem_shared>>, %arg9: memref<!tpu.dma_semaphore, #tpu.memory_space<semaphore_mem>>, %arg10: memref<!tpu.dma_semaphore, #tpu.memory_space<semaphore_mem>>) attributes {dimension_semantics = [#tpu.dimension_semantics<core_parallel>, #tpu.dimension_semantics<subcore_parallel>], iteration_bounds = array<i64: 2, 16>, scalar_prefetch = 0 : i64, scratch_operands = 6 : i64, tpu.core_type = #tpu.core_type<sc_vector_subcore>, window_params = [{transform_indices = #map}, {transform_indices = #map}, {transform_indices = #map}]} {
    %mul3A = arith.constant 2 : i32
    %mul3A_0 = arith.muli %arg1, %mul3A : i32
    %add3A = arith.addi %mul3A_0, %arg0 : i32
    "tpu.region"() ({
      %run_scoped3A = tpu.sem_alloc : memref<!tpu.dma_semaphore, #tpu.memory_space<semaphore_mem>>
      %dma_start3A = arith.constant 0 : i32
      %dma_start3A_40 = arith.constant 0 : i32
      %dma_start3A_41 = tpu.memref_slice %arg3[%add3A, %dma_start3A, %dma_start3A_40] : memref<32x26x128xi32, #tpu.memory_space<hbm>> -> memref<1x26x128xi32, #tpu.memory_space<hbm>>
      %dma_start3A_42 = tpu.memref_squeeze %dma_start3A_41 : memref<1x26x128xi32, #tpu.memory_space<hbm>> -> memref<26x128xi32, #tpu.memory_space<hbm>>
      %dma_start3A_43 = arith.constant 0 : i32
      %dma_start3A_44 = arith.constant 0 : i32
      %dma_start3A_45 = tpu.memref_slice %arg3[%add3A, %dma_start3A_43, %dma_start3A_44] : memref<32x26x128xi32, #tpu.memory_space<hbm>> -> memref<1x26x128xi32, #tpu.memory_space<hbm>>
      %dma_start3A_46 = tpu.memref_squeeze %dma_start3A_45 : memref<1x26x128xi32, #tpu.memory_space<hbm>> -> memref<26x128xi32, #tpu.memory_space<hbm>>
      tpu.enqueue_dma source(%dma_start3A_46 : memref<26x128xi32, #tpu.memory_space<hbm>>) target(%arg5 : memref<26x128xi32, #tpu.memory_space<vmem>>) target_semaphore(%run_scoped3A : memref<!tpu.dma_semaphore, #tpu.memory_space<semaphore_mem>>)
      %dma_wait3A = arith.constant 0 : i32
      %dma_wait3A_47 = arith.constant 0 : i32
      %dma_wait3A_48 = tpu.memref_slice %arg3[%add3A, %dma_wait3A, %dma_wait3A_47] : memref<32x26x128xi32, #tpu.memory_space<hbm>> -> memref<1x26x128xi32, #tpu.memory_space<hbm>>
      %dma_wait3A_49 = tpu.memref_squeeze %dma_wait3A_48 : memref<1x26x128xi32, #tpu.memory_space<hbm>> -> memref<26x128xi32, #tpu.memory_space<hbm>>
      %dma_wait3A_50 = arith.constant 0 : i32
      %dma_wait3A_51 = arith.constant 0 : i32
      %dma_wait3A_52 = tpu.memref_slice %arg3[%add3A, %dma_wait3A_50, %dma_wait3A_51] : memref<32x26x128xi32, #tpu.memory_space<hbm>> -> memref<1x26x128xi32, #tpu.memory_space<hbm>>
      %dma_wait3A_53 = tpu.memref_squeeze %dma_wait3A_52 : memref<1x26x128xi32, #tpu.memory_space<hbm>> -> memref<26x128xi32, #tpu.memory_space<hbm>>
      tpu.wait_dma2 semaphore(%run_scoped3A : memref<!tpu.dma_semaphore, #tpu.memory_space<semaphore_mem>>) src(%dma_wait3A_53 : memref<26x128xi32, #tpu.memory_space<hbm>>) dst(%arg5 : memref<26x128xi32, #tpu.memory_space<vmem>>)
      tpu.yield
    }) : () -> ()
    %broadcast_in_dim3A = arith.constant 0.000000e+00 : f32
    %broadcast_in_dim3A_1 = vector.broadcast %broadcast_in_dim3A : f32 to vector<16xf32>
    %scan3A = arith.constant 0 : i32
    %scan3A_2 = arith.constant 128 : i32
    %scan3A_3 = arith.addi %scan3A, %scan3A_2 : i32
    %scan3A_4 = arith.constant 1 : i32
    scf.for %scan3A_40 = %scan3A to %scan3A_3 step %scan3A_4  : i32 {
      %mul3A_41 = arith.constant 1 : i32
      %mul3A_42 = arith.muli %scan3A_40, %mul3A_41 : i32
      %add3A_43 = arith.constant 0 : i32
      %add3A_44 = arith.addi %add3A_43, %mul3A_42 : i32
      %swap3A = arith.index_cast %add3A_44 : i32 to index
      %swap3A_45 = arith.constant 0 : index
      %swap3A_46 = tpu.vector_load %arg6[%swap3A, %swap3A_45] {strides = array<i32>} : memref<128x128xf32, #tpu.memory_space<vmem>>, vector<1x16xf32>,
      %swap3A_47 = vector.shape_cast %swap3A_46 : vector<1x16xf32> to vector<16xf32>
      %swap3A_48 = vector.shape_cast %broadcast_in_dim3A_1 : vector<16xf32> to vector<1x16xf32>
      tpu.vector_store %arg6[%swap3A, %swap3A_45], %swap3A_48 {strides = array<i32>} : memref<128x128xf32, #tpu.memory_space<vmem>>, vector<1x16xf32>,
      %swap3A_49 = arith.index_cast %add3A_44 : i32 to index
      %swap3A_50 = arith.constant 16 : index
      %swap3A_51 = tpu.vector_load %arg6[%swap3A_49, %swap3A_50] {strides = array<i32>} : memref<128x128xf32, #tpu.memory_space<vmem>>, vector<1x16xf32>,
      %swap3A_52 = vector.shape_cast %swap3A_51 : vector<1x16xf32> to vector<16xf32>
      %swap3A_53 = vector.shape_cast %broadcast_in_dim3A_1 : vector<16xf32> to vector<1x16xf32>
      tpu.vector_store %arg6[%swap3A_49, %swap3A_50], %swap3A_53 {strides = array<i32>} : memref<128x128xf32, #tpu.memory_space<vmem>>, vector<1x16xf32>,
      %swap3A_54 = arith.index_cast %add3A_44 : i32 to index
      %swap3A_55 = arith.constant 32 : index
      %swap3A_56 = tpu.vector_load %arg6[%swap3A_54, %swap3A_55] {strides = array<i32>} : memref<128x128xf32, #tpu.memory_space<vmem>>, vector<1x16xf32>,
      %swap3A_57 = vector.shape_cast %swap3A_56 : vector<1x16xf32> to vector<16xf32>
      %swap3A_58 = vector.shape_cast %broadcast_in_dim3A_1 : vector<16xf32> to vector<1x16xf32>
      tpu.vector_store %arg6[%swap3A_54, %swap3A_55], %swap3A_58 {strides = array<i32>} : memref<128x128xf32, #tpu.memory_space<vmem>>, vector<1x16xf32>,
      %swap3A_59 = arith.index_cast %add3A_44 : i32 to index
      %swap3A_60 = arith.constant 48 : index
      %swap3A_61 = tpu.vector_load %arg6[%swap3A_59, %swap3A_60] {strides = array<i32>} : memref<128x128xf32, #tpu.memory_space<vmem>>, vector<1x16xf32>,
      %swap3A_62 = vector.shape_cast %swap3A_61 : vector<1x16xf32> to vector<16xf32>
      %swap3A_63 = vector.shape_cast %broadcast_in_dim3A_1 : vector<16xf32> to vector<1x16xf32>
      tpu.vector_store %arg6[%swap3A_59, %swap3A_60], %swap3A_63 {strides = array<i32>} : memref<128x128xf32, #tpu.memory_space<vmem>>, vector<1x16xf32>,
      %swap3A_64 = arith.index_cast %add3A_44 : i32 to index
      %swap3A_65 = arith.constant 64 : index
      %swap3A_66 = tpu.vector_load %arg6[%swap3A_64, %swap3A_65] {strides = array<i32>} : memref<128x128xf32, #tpu.memory_space<vmem>>, vector<1x16xf32>,
      %swap3A_67 = vector.shape_cast %swap3A_66 : vector<1x16xf32> to vector<16xf32>
      %swap3A_68 = vector.shape_cast %broadcast_in_dim3A_1 : vector<16xf32> to vector<1x16xf32>
      tpu.vector_store %arg6[%swap3A_64, %swap3A_65], %swap3A_68 {strides = array<i32>} : memref<128x128xf32, #tpu.memory_space<vmem>>, vector<1x16xf32>,
      %swap3A_69 = arith.index_cast %add3A_44 : i32 to index
      %swap3A_70 = arith.constant 80 : index
      %swap3A_71 = tpu.vector_load %arg6[%swap3A_69, %swap3A_70] {strides = array<i32>} : memref<128x128xf32, #tpu.memory_space<vmem>>, vector<1x16xf32>,
      %swap3A_72 = vector.shape_cast %swap3A_71 : vector<1x16xf32> to vector<16xf32>
      %swap3A_73 = vector.shape_cast %broadcast_in_dim3A_1 : vector<16xf32> to vector<1x16xf32>
      tpu.vector_store %arg6[%swap3A_69, %swap3A_70], %swap3A_73 {strides = array<i32>} : memref<128x128xf32, #tpu.memory_space<vmem>>, vector<1x16xf32>,
      %swap3A_74 = arith.index_cast %add3A_44 : i32 to index
      %swap3A_75 = arith.constant 96 : index
      %swap3A_76 = tpu.vector_load %arg6[%swap3A_74, %swap3A_75] {strides = array<i32>} : memref<128x128xf32, #tpu.memory_space<vmem>>, vector<1x16xf32>,
      %swap3A_77 = vector.shape_cast %swap3A_76 : vector<1x16xf32> to vector<16xf32>
      %swap3A_78 = vector.shape_cast %broadcast_in_dim3A_1 : vector<16xf32> to vector<1x16xf32>
      tpu.vector_store %arg6[%swap3A_74, %swap3A_75], %swap3A_78 {strides = array<i32>} : memref<128x128xf32, #tpu.memory_space<vmem>>, vector<1x16xf32>,
      %swap3A_79 = arith.index_cast %add3A_44 : i32 to index
      %swap3A_80 = arith.constant 112 : index
      %swap3A_81 = tpu.vector_load %arg6[%swap3A_79, %swap3A_80] {strides = array<i32>} : memref<128x128xf32, #tpu.memory_space<vmem>>, vector<1x16xf32>,
      %swap3A_82 = vector.shape_cast %swap3A_81 : vector<1x16xf32> to vector<16xf32>
      %swap3A_83 = vector.shape_cast %broadcast_in_dim3A_1 : vector<16xf32> to vector<1x16xf32>
      tpu.vector_store %arg6[%swap3A_79, %swap3A_80], %swap3A_83 {strides = array<i32>} : memref<128x128xf32, #tpu.memory_space<vmem>>, vector<1x16xf32>,
    }
    %scan3A_5 = arith.constant 128 : i32
    %mul3A_6 = arith.constant 640 : i32
    %mul3A_7 = arith.muli %arg1, %mul3A_6 : i32
    %add3A_8 = arith.constant 0 : i32
    %add3A_9 = arith.addi %mul3A_7, %add3A_8 : i32
    "tpu.region"() ({
      %run_scoped3A = tpu.sem_alloc : memref<!tpu.dma_semaphore, #tpu.memory_space<semaphore_mem>>
      %dma_start3A = arith.constant 0 : i32
      %dma_start3A_40 = tpu.memref_slice %arg8[%add3A_9, %dma_start3A] : memref<10240x128xf32, #tpu.memory_space<vmem_shared>> -> memref<128x128xf32, #tpu.memory_space<vmem_shared>>
      %dma_start3A_41 = arith.constant 0 : i32
      %dma_start3A_42 = tpu.memref_slice %arg8[%add3A_9, %dma_start3A_41] : memref<10240x128xf32, #tpu.memory_space<vmem_shared>> -> memref<128x128xf32, #tpu.memory_space<vmem_shared>>
      tpu.enqueue_dma source(%arg6 : memref<128x128xf32, #tpu.memory_space<vmem>>) target(%dma_start3A_42 : memref<128x128xf32, #tpu.memory_space<vmem_shared>>) target_semaphore(%run_scoped3A : memref<!tpu.dma_semaphore, #tpu.memory_space<semaphore_mem>>)
      %dma_wait3A = arith.constant 0 : i32
      %dma_wait3A_43 = tpu.memref_slice %arg8[%add3A_9, %dma_wait3A] : memref<10240x128xf32, #tpu.memory_space<vmem_shared>> -> memref<128x128xf32, #tpu.memory_space<vmem_shared>>
      %dma_wait3A_44 = arith.constant 0 : i32
      %dma_wait3A_45 = tpu.memref_slice %arg8[%add3A_9, %dma_wait3A_44] : memref<10240x128xf32, #tpu.memory_space<vmem_shared>> -> memref<128x128xf32, #tpu.memory_space<vmem_shared>>
      tpu.wait_dma2 semaphore(%run_scoped3A : memref<!tpu.dma_semaphore, #tpu.memory_space<semaphore_mem>>) src(%arg6 : memref<128x128xf32, #tpu.memory_space<vmem>>) dst(%dma_wait3A_45 : memref<128x128xf32, #tpu.memory_space<vmem_shared>>)
      tpu.yield
    }) : () -> ()
    %mul3A_10 = arith.constant 640 : i32
    %mul3A_11 = arith.muli %arg1, %mul3A_10 : i32
    %add3A_12 = arith.constant 128 : i32
    %add3A_13 = arith.addi %mul3A_11, %add3A_12 : i32
    "tpu.region"() ({
      %run_scoped3A = tpu.sem_alloc : memref<!tpu.dma_semaphore, #tpu.memory_space<semaphore_mem>>
      %dma_start3A = arith.constant 0 : i32
      %dma_start3A_40 = tpu.memref_slice %arg8[%add3A_13, %dma_start3A] : memref<10240x128xf32, #tpu.memory_space<vmem_shared>> -> memref<128x128xf32, #tpu.memory_space<vmem_shared>>
      %dma_start3A_41 = arith.constant 0 : i32
      %dma_start3A_42 = tpu.memref_slice %arg8[%add3A_13, %dma_start3A_41] : memref<10240x128xf32, #tpu.memory_space<vmem_shared>> -> memref<128x128xf32, #tpu.memory_space<vmem_shared>>
      tpu.enqueue_dma source(%arg6 : memref<128x128xf32, #tpu.memory_space<vmem>>) target(%dma_start3A_42 : memref<128x128xf32, #tpu.memory_space<vmem_shared>>) target_semaphore(%run_scoped3A : memref<!tpu.dma_semaphore, #tpu.memory_space<semaphore_mem>>)
      %dma_wait3A = arith.constant 0 : i32
      %dma_wait3A_43 = tpu.memref_slice %arg8[%add3A_13, %dma_wait3A] : memref<10240x128xf32, #tpu.memory_space<vmem_shared>> -> memref<128x128xf32, #tpu.memory_space<vmem_shared>>
      %dma_wait3A_44 = arith.constant 0 : i32
      %dma_wait3A_45 = tpu.memref_slice %arg8[%add3A_13, %dma_wait3A_44] : memref<10240x128xf32, #tpu.memory_space<vmem_shared>> -> memref<128x128xf32, #tpu.memory_space<vmem_shared>>
      tpu.wait_dma2 semaphore(%run_scoped3A : memref<!tpu.dma_semaphore, #tpu.memory_space<semaphore_mem>>) src(%arg6 : memref<128x128xf32, #tpu.memory_space<vmem>>) dst(%dma_wait3A_45 : memref<128x128xf32, #tpu.memory_space<vmem_shared>>)
      tpu.yield
    }) : () -> ()
    %mul3A_14 = arith.constant 640 : i32
    %mul3A_15 = arith.muli %arg1, %mul3A_14 : i32
    %add3A_16 = arith.constant 256 : i32
    %add3A_17 = arith.addi %mul3A_15, %add3A_16 : i32
    "tpu.region"() ({
      %run_scoped3A = tpu.sem_alloc : memref<!tpu.dma_semaphore, #tpu.memory_space<semaphore_mem>>
      %dma_start3A = arith.constant 0 : i32
      %dma_start3A_40 = tpu.memref_slice %arg8[%add3A_17, %dma_start3A] : memref<10240x128xf32, #tpu.memory_space<vmem_shared>> -> memref<128x128xf32, #tpu.memory_space<vmem_shared>>
      %dma_start3A_41 = arith.constant 0 : i32
      %dma_start3A_42 = tpu.memref_slice %arg8[%add3A_17, %dma_start3A_41] : memref<10240x128xf32, #tpu.memory_space<vmem_shared>> -> memref<128x128xf32, #tpu.memory_space<vmem_shared>>
      tpu.enqueue_dma source(%arg6 : memref<128x128xf32, #tpu.memory_space<vmem>>) target(%dma_start3A_42 : memref<128x128xf32, #tpu.memory_space<vmem_shared>>) target_semaphore(%run_scoped3A : memref<!tpu.dma_semaphore, #tpu.memory_space<semaphore_mem>>)
      %dma_wait3A = arith.constant 0 : i32
      %dma_wait3A_43 = tpu.memref_slice %arg8[%add3A_17, %dma_wait3A] : memref<10240x128xf32, #tpu.memory_space<vmem_shared>> -> memref<128x128xf32, #tpu.memory_space<vmem_shared>>
      %dma_wait3A_44 = arith.constant 0 : i32
      %dma_wait3A_45 = tpu.memref_slice %arg8[%add3A_17, %dma_wait3A_44] : memref<10240x128xf32, #tpu.memory_space<vmem_shared>> -> memref<128x128xf32, #tpu.memory_space<vmem_shared>>
      tpu.wait_dma2 semaphore(%run_scoped3A : memref<!tpu.dma_semaphore, #tpu.memory_space<semaphore_mem>>) src(%arg6 : memref<128x128xf32, #tpu.memory_space<vmem>>) dst(%dma_wait3A_45 : memref<128x128xf32, #tpu.memory_space<vmem_shared>>)
      tpu.yield
    }) : () -> ()
    %mul3A_18 = arith.constant 640 : i32
    %mul3A_19 = arith.muli %arg1, %mul3A_18 : i32
    %add3A_20 = arith.constant 384 : i32
    %add3A_21 = arith.addi %mul3A_19, %add3A_20 : i32
    "tpu.region"() ({
      %run_scoped3A = tpu.sem_alloc : memref<!tpu.dma_semaphore, #tpu.memory_space<semaphore_mem>>
      %dma_start3A = arith.constant 0 : i32
      %dma_start3A_40 = tpu.memref_slice %arg8[%add3A_21, %dma_start3A] : memref<10240x128xf32, #tpu.memory_space<vmem_shared>> -> memref<128x128xf32, #tpu.memory_space<vmem_shared>>
      %dma_start3A_41 = arith.constant 0 : i32
      %dma_start3A_42 = tpu.memref_slice %arg8[%add3A_21, %dma_start3A_41] : memref<10240x128xf32, #tpu.memory_space<vmem_shared>> -> memref<128x128xf32, #tpu.memory_space<vmem_shared>>
      tpu.enqueue_dma source(%arg6 : memref<128x128xf32, #tpu.memory_space<vmem>>) target(%dma_start3A_42 : memref<128x128xf32, #tpu.memory_space<vmem_shared>>) target_semaphore(%run_scoped3A : memref<!tpu.dma_semaphore, #tpu.memory_space<semaphore_mem>>)
      %dma_wait3A = arith.constant 0 : i32
      %dma_wait3A_43 = tpu.memref_slice %arg8[%add3A_21, %dma_wait3A] : memref<10240x128xf32, #tpu.memory_space<vmem_shared>> -> memref<128x128xf32, #tpu.memory_space<vmem_shared>>
      %dma_wait3A_44 = arith.constant 0 : i32
      %dma_wait3A_45 = tpu.memref_slice %arg8[%add3A_21, %dma_wait3A_44] : memref<10240x128xf32, #tpu.memory_space<vmem_shared>> -> memref<128x128xf32, #tpu.memory_space<vmem_shared>>
      tpu.wait_dma2 semaphore(%run_scoped3A : memref<!tpu.dma_semaphore, #tpu.memory_space<semaphore_mem>>) src(%arg6 : memref<128x128xf32, #tpu.memory_space<vmem>>) dst(%dma_wait3A_45 : memref<128x128xf32, #tpu.memory_space<vmem_shared>>)
      tpu.yield
    }) : () -> ()
    %mul3A_22 = arith.constant 640 : i32
    %mul3A_23 = arith.muli %arg1, %mul3A_22 : i32
    %add3A_24 = arith.constant 512 : i32
    %add3A_25 = arith.addi %mul3A_23, %add3A_24 : i32
    "tpu.region"() ({
      %run_scoped3A = tpu.sem_alloc : memref<!tpu.dma_semaphore, #tpu.memory_space<semaphore_mem>>
      %dma_start3A = arith.constant 0 : i32
      %dma_start3A_40 = tpu.memref_slice %arg8[%add3A_25, %dma_start3A] : memref<10240x128xf32, #tpu.memory_space<vmem_shared>> -> memref<128x128xf32, #tpu.memory_space<vmem_shared>>
      %dma_start3A_41 = arith.constant 0 : i32
      %dma_start3A_42 = tpu.memref_slice %arg8[%add3A_25, %dma_start3A_41] : memref<10240x128xf32, #tpu.memory_space<vmem_shared>> -> memref<128x128xf32, #tpu.memory_space<vmem_shared>>
      tpu.enqueue_dma source(%arg6 : memref<128x128xf32, #tpu.memory_space<vmem>>) target(%dma_start3A_42 : memref<128x128xf32, #tpu.memory_space<vmem_shared>>) target_semaphore(%run_scoped3A : memref<!tpu.dma_semaphore, #tpu.memory_space<semaphore_mem>>)
      %dma_wait3A = arith.constant 0 : i32
      %dma_wait3A_43 = tpu.memref_slice %arg8[%add3A_25, %dma_wait3A] : memref<10240x128xf32, #tpu.memory_space<vmem_shared>> -> memref<128x128xf32, #tpu.memory_space<vmem_shared>>
      %dma_wait3A_44 = arith.constant 0 : i32
      %dma_wait3A_45 = tpu.memref_slice %arg8[%add3A_25, %dma_wait3A_44] : memref<10240x128xf32, #tpu.memory_space<vmem_shared>> -> memref<128x128xf32, #tpu.memory_space<vmem_shared>>
      tpu.wait_dma2 semaphore(%run_scoped3A : memref<!tpu.dma_semaphore, #tpu.memory_space<semaphore_mem>>) src(%arg6 : memref<128x128xf32, #tpu.memory_space<vmem>>) dst(%dma_wait3A_45 : memref<128x128xf32, #tpu.memory_space<vmem_shared>>)
      tpu.yield
    }) : () -> ()
    %barrier3A = arith.constant 0 : index
    tpu.barrier barrier_id(%barrier3A)
    %add3A_26 = arith.constant 0 : i32
    %add3A_27 = arith.addi %add3A, %add3A_26 : i32
    %lt3A = arith.constant 800 : i32
    %lt3A_28 = arith.cmpi slt, %add3A_27, %lt3A : i32
    %convert_element_type3A = arith.extui %lt3A_28 : i1 to i32
    %cond3A = arith.constant 0 : i32
    %cond3A_29 = arith.cmpi ne, %convert_element_type3A, %cond3A : i32
    scf.if %cond3A_29 {
      %dma_start3A = arith.constant 0 : i32
      %dma_start3A_40 = arith.constant 0 : i32
      %dma_start3A_41 = tpu.memref_slice %arg2[%add3A_27, %dma_start3A, %dma_start3A_40] : memref<800x128x128xf32, #tpu.memory_space<hbm>> -> memref<1x128x128xf32, #tpu.memory_space<hbm>>
      %dma_start3A_42 = tpu.memref_squeeze %dma_start3A_41 : memref<1x128x128xf32, #tpu.memory_space<hbm>> -> memref<128x128xf32, #tpu.memory_space<hbm>>
      %dma_start3A_43 = arith.constant 0 : i32
      %dma_start3A_44 = arith.constant 0 : i32
      %dma_start3A_45 = tpu.memref_slice %arg2[%add3A_27, %dma_start3A_43, %dma_start3A_44] : memref<800x128x128xf32, #tpu.memory_space<hbm>> -> memref<1x128x128xf32, #tpu.memory_space<hbm>>
      %dma_start3A_46 = tpu.memref_squeeze %dma_start3A_45 : memref<1x128x128xf32, #tpu.memory_space<hbm>> -> memref<128x128xf32, #tpu.memory_space<hbm>>
      tpu.enqueue_dma source(%dma_start3A_46 : memref<128x128xf32, #tpu.memory_space<hbm>>) target(%arg6 : memref<128x128xf32, #tpu.memory_space<vmem>>) target_semaphore(%arg9 : memref<!tpu.dma_semaphore, #tpu.memory_space<semaphore_mem>>)
    } else {
    }
    %scan3A_30 = arith.constant 0 : i32
    %scan3A_31 = arith.constant 13 : i32
    %scan3A_32 = arith.addi %scan3A_30, %scan3A_31 : i32
    %scan3A_33 = arith.constant 1 : i32
    scf.for %scan3A_40 = %scan3A_30 to %scan3A_32 step %scan3A_33  : i32 {
      %mul3A_41 = arith.constant 2 : i32
      %mul3A_42 = arith.muli %scan3A_40, %mul3A_41 : i32
      %add3A_43 = arith.constant 0 : i32
      %add3A_44 = arith.addi %add3A_43, %mul3A_42 : i32
      %add3A_45 = arith.constant 1 : i32
      %add3A_46 = arith.addi %add3A_44, %add3A_45 : i32
      %mul3A_47 = arith.constant 32 : i32
      %mul3A_48 = arith.muli %mul3A_47, %add3A_46 : i32
      %add3A_49 = arith.addi %add3A, %mul3A_48 : i32
      %lt3A_50 = arith.constant 800 : i32
      %lt3A_51 = arith.cmpi slt, %add3A_49, %lt3A_50 : i32
      %convert_element_type3A_52 = arith.extui %lt3A_51 : i1 to i32
      %cond3A_53 = arith.constant 0 : i32
      %cond3A_54 = arith.cmpi ne, %convert_element_type3A_52, %cond3A_53 : i32
      scf.if %cond3A_54 {
        %dma_start3A = arith.constant 0 : i32
        %dma_start3A_83 = arith.constant 0 : i32
        %dma_start3A_84 = tpu.memref_slice %arg2[%add3A_49, %dma_start3A, %dma_start3A_83] : memref<800x128x128xf32, #tpu.memory_space<hbm>> -> memref<1x128x128xf32, #tpu.memory_space<hbm>>
        %dma_start3A_85 = tpu.memref_squeeze %dma_start3A_84 : memref<1x128x128xf32, #tpu.memory_space<hbm>> -> memref<128x128xf32, #tpu.memory_space<hbm>>
        %dma_start3A_86 = arith.constant 0 : i32
        %dma_start3A_87 = arith.constant 0 : i32
        %dma_start3A_88 = tpu.memref_slice %arg2[%add3A_49, %dma_start3A_86, %dma_start3A_87] : memref<800x128x128xf32, #tpu.memory_space<hbm>> -> memref<1x128x128xf32, #tpu.memory_space<hbm>>
        %dma_start3A_89 = tpu.memref_squeeze %dma_start3A_88 : memref<1x128x128xf32, #tpu.memory_space<hbm>> -> memref<128x128xf32, #tpu.memory_space<hbm>>
        tpu.enqueue_dma source(%dma_start3A_89 : memref<128x128xf32, #tpu.memory_space<hbm>>) target(%arg7 : memref<128x128xf32, #tpu.memory_space<vmem>>) target_semaphore(%arg10 : memref<!tpu.dma_semaphore, #tpu.memory_space<semaphore_mem>>)
      } else {
      }
      %mul3A_55 = arith.constant 32 : i32
      %mul3A_56 = arith.muli %mul3A_55, %add3A_44 : i32
      %add3A_57 = arith.addi %add3A, %mul3A_56 : i32
      %lt3A_58 = arith.constant 800 : i32
      %lt3A_59 = arith.cmpi slt, %add3A_57, %lt3A_58 : i32
      %convert_element_type3A_60 = arith.extui %lt3A_59 : i1 to i32
      %cond3A_61 = arith.constant 0 : i32
      %cond3A_62 = arith.cmpi ne, %convert_element_type3A_60, %cond3A_61 : i32
      scf.if %cond3A_62 {
        %dma_wait3A = arith.constant 0 : i32
        %dma_wait3A_83 = arith.constant 0 : i32
        %dma_wait3A_84 = tpu.memref_slice %arg2[%add3A_57, %dma_wait3A, %dma_wait3A_83] : memref<800x128x128xf32, #tpu.memory_space<hbm>> -> memref<1x128x128xf32, #tpu.memory_space<hbm>>
        %dma_wait3A_85 = tpu.memref_squeeze %dma_wait3A_84 : memref<1x128x128xf32, #tpu.memory_space<hbm>> -> memref<128x128xf32, #tpu.memory_space<hbm>>
        %dma_wait3A_86 = arith.constant 0 : i32
        %dma_wait3A_87 = arith.constant 0 : i32
        %dma_wait3A_88 = tpu.memref_slice %arg2[%add3A_57, %dma_wait3A_86, %dma_wait3A_87] : memref<800x128x128xf32, #tpu.memory_space<hbm>> -> memref<1x128x128xf32, #tpu.memory_space<hbm>>
        %dma_wait3A_89 = tpu.memref_squeeze %dma_wait3A_88 : memref<1x128x128xf32, #tpu.memory_space<hbm>> -> memref<128x128xf32, #tpu.memory_space<hbm>>
        tpu.wait_dma2 semaphore(%arg9 : memref<!tpu.dma_semaphore, #tpu.memory_space<semaphore_mem>>) src(%dma_wait3A_89 : memref<128x128xf32, #tpu.memory_space<hbm>>) dst(%arg6 : memref<128x128xf32, #tpu.memory_space<vmem>>)
        "tpu.region"() ({
          %run_scoped3A = tpu.sem_alloc : memref<!tpu.dma_semaphore, #tpu.memory_space<semaphore_mem>>
          %dma_start3A = arith.constant 0 : i32
          %dma_start3A_90 = tpu.memref_slice %arg5[%add3A_44, %dma_start3A] : memref<26x128xi32, #tpu.memory_space<vmem>> -> memref<1x128xi32, #tpu.memory_space<vmem>>
          %dma_start3A_91 = tpu.memref_squeeze %dma_start3A_90 : memref<1x128xi32, #tpu.memory_space<vmem>> -> memref<128xi32, #tpu.memory_space<vmem>>
          %dma_start3A_92 = arith.constant 0 : i32
          %dma_start3A_93 = arith.constant 0 : i32
          %dma_start3A_94 = tpu.memref_slice %arg8[%dma_start3A_92, %dma_start3A_93] : memref<10240x128xf32, #tpu.memory_space<vmem_shared>> -> memref<10240x128xf32, #tpu.memory_space<vmem_shared>>
          tpu.enqueue_indirect_dma source(%arg6 : memref<128x128xf32, #tpu.memory_space<vmem>>) target(%dma_start3A_94 : memref<10240x128xf32, #tpu.memory_space<vmem_shared>>) offsets(%dma_start3A_91 : memref<128xi32, #tpu.memory_space<vmem>>) semaphore(%run_scoped3A : memref<!tpu.dma_semaphore, #tpu.memory_space<semaphore_mem>>) {add = true}
          %dma_wait3A_95 = arith.constant 0 : i32
          %dma_wait3A_96 = tpu.memref_slice %arg5[%add3A_44, %dma_wait3A_95] : memref<26x128xi32, #tpu.memory_space<vmem>> -> memref<1x128xi32, #tpu.memory_space<vmem>>
          %dma_wait3A_97 = tpu.memref_squeeze %dma_wait3A_96 : memref<1x128xi32, #tpu.memory_space<vmem>> -> memref<128xi32, #tpu.memory_space<vmem>>
          %dma_wait3A_98 = arith.constant 0 : i32
          %dma_wait3A_99 = arith.constant 0 : i32
          %dma_wait3A_100 = tpu.memref_slice %arg8[%dma_wait3A_98, %dma_wait3A_99] : memref<10240x128xf32, #tpu.memory_space<vmem_shared>> -> memref<10240x128xf32, #tpu.memory_space<vmem_shared>>
          tpu.wait_indirect_dma semaphore(%run_scoped3A : memref<!tpu.dma_semaphore, #tpu.memory_space<semaphore_mem>>) src(%arg6 : memref<128x128xf32, #tpu.memory_space<vmem>>) dst(%dma_wait3A_100 : memref<10240x128xf32, #tpu.memory_space<vmem_shared>>)
          tpu.yield
        }) : () -> ()
      } else {
      }
      %add3A_63 = arith.constant 2 : i32
      %add3A_64 = arith.addi %add3A_44, %add3A_63 : i32
      %mul3A_65 = arith.constant 32 : i32
      %mul3A_66 = arith.muli %mul3A_65, %add3A_64 : i32
      %add3A_67 = arith.addi %add3A, %mul3A_66 : i32
      %lt3A_68 = arith.constant 800 : i32
      %lt3A_69 = arith.cmpi slt, %add3A_67, %lt3A_68 : i32
      %convert_element_type3A_70 = arith.extui %lt3A_69 : i1 to i32
      %cond3A_71 = arith.constant 0 : i32
      %cond3A_72 = arith.cmpi ne, %convert_element_type3A_70, %cond3A_71 : i32
      scf.if %cond3A_72 {
        %dma_start3A = arith.constant 0 : i32
        %dma_start3A_83 = arith.constant 0 : i32
        %dma_start3A_84 = tpu.memref_slice %arg2[%add3A_67, %dma_start3A, %dma_start3A_83] : memref<800x128x128xf32, #tpu.memory_space<hbm>> -> memref<1x128x128xf32, #tpu.memory_space<hbm>>
        %dma_start3A_85 = tpu.memref_squeeze %dma_start3A_84 : memref<1x128x128xf32, #tpu.memory_space<hbm>> -> memref<128x128xf32, #tpu.memory_space<hbm>>
        %dma_start3A_86 = arith.constant 0 : i32
        %dma_start3A_87 = arith.constant 0 : i32
        %dma_start3A_88 = tpu.memref_slice %arg2[%add3A_67, %dma_start3A_86, %dma_start3A_87] : memref<800x128x128xf32, #tpu.memory_space<hbm>> -> memref<1x128x128xf32, #tpu.memory_space<hbm>>
        %dma_start3A_89 = tpu.memref_squeeze %dma_start3A_88 : memref<1x128x128xf32, #tpu.memory_space<hbm>> -> memref<128x128xf32, #tpu.memory_space<hbm>>
        tpu.enqueue_dma source(%dma_start3A_89 : memref<128x128xf32, #tpu.memory_space<hbm>>) target(%arg6 : memref<128x128xf32, #tpu.memory_space<vmem>>) target_semaphore(%arg9 : memref<!tpu.dma_semaphore, #tpu.memory_space<semaphore_mem>>)
      } else {
      }
      %add3A_73 = arith.constant 1 : i32
      %add3A_74 = arith.addi %add3A_44, %add3A_73 : i32
      %mul3A_75 = arith.constant 32 : i32
      %mul3A_76 = arith.muli %mul3A_75, %add3A_74 : i32
      %add3A_77 = arith.addi %add3A, %mul3A_76 : i32
      %lt3A_78 = arith.constant 800 : i32
      %lt3A_79 = arith.cmpi slt, %add3A_77, %lt3A_78 : i32
      %convert_element_type3A_80 = arith.extui %lt3A_79 : i1 to i32
      %cond3A_81 = arith.constant 0 : i32
      %cond3A_82 = arith.cmpi ne, %convert_element_type3A_80, %cond3A_81 : i32
      scf.if %cond3A_82 {
        %dma_wait3A = arith.constant 0 : i32
        %dma_wait3A_83 = arith.constant 0 : i32
        %dma_wait3A_84 = tpu.memref_slice %arg2[%add3A_77, %dma_wait3A, %dma_wait3A_83] : memref<800x128x128xf32, #tpu.memory_space<hbm>> -> memref<1x128x128xf32, #tpu.memory_space<hbm>>
        %dma_wait3A_85 = tpu.memref_squeeze %dma_wait3A_84 : memref<1x128x128xf32, #tpu.memory_space<hbm>> -> memref<128x128xf32, #tpu.memory_space<hbm>>
        %dma_wait3A_86 = arith.constant 0 : i32
        %dma_wait3A_87 = arith.constant 0 : i32
        %dma_wait3A_88 = tpu.memref_slice %arg2[%add3A_77, %dma_wait3A_86, %dma_wait3A_87] : memref<800x128x128xf32, #tpu.memory_space<hbm>> -> memref<1x128x128xf32, #tpu.memory_space<hbm>>
        %dma_wait3A_89 = tpu.memref_squeeze %dma_wait3A_88 : memref<1x128x128xf32, #tpu.memory_space<hbm>> -> memref<128x128xf32, #tpu.memory_space<hbm>>
        tpu.wait_dma2 semaphore(%arg10 : memref<!tpu.dma_semaphore, #tpu.memory_space<semaphore_mem>>) src(%dma_wait3A_89 : memref<128x128xf32, #tpu.memory_space<hbm>>) dst(%arg7 : memref<128x128xf32, #tpu.memory_space<vmem>>)
        "tpu.region"() ({
          %run_scoped3A = tpu.sem_alloc : memref<!tpu.dma_semaphore, #tpu.memory_space<semaphore_mem>>
          %dma_start3A = arith.constant 0 : i32
          %dma_start3A_90 = tpu.memref_slice %arg5[%add3A_74, %dma_start3A] : memref<26x128xi32, #tpu.memory_space<vmem>> -> memref<1x128xi32, #tpu.memory_space<vmem>>
          %dma_start3A_91 = tpu.memref_squeeze %dma_start3A_90 : memref<1x128xi32, #tpu.memory_space<vmem>> -> memref<128xi32, #tpu.memory_space<vmem>>
          %dma_start3A_92 = arith.constant 0 : i32
          %dma_start3A_93 = arith.constant 0 : i32
          %dma_start3A_94 = tpu.memref_slice %arg8[%dma_start3A_92, %dma_start3A_93] : memref<10240x128xf32, #tpu.memory_space<vmem_shared>> -> memref<10240x128xf32, #tpu.memory_space<vmem_shared>>
          tpu.enqueue_indirect_dma source(%arg7 : memref<128x128xf32, #tpu.memory_space<vmem>>) target(%dma_start3A_94 : memref<10240x128xf32, #tpu.memory_space<vmem_shared>>) offsets(%dma_start3A_91 : memref<128xi32, #tpu.memory_space<vmem>>) semaphore(%run_scoped3A : memref<!tpu.dma_semaphore, #tpu.memory_space<semaphore_mem>>) {add = true}
          %dma_wait3A_95 = arith.constant 0 : i32
          %dma_wait3A_96 = tpu.memref_slice %arg5[%add3A_74, %dma_wait3A_95] : memref<26x128xi32, #tpu.memory_space<vmem>> -> memref<1x128xi32, #tpu.memory_space<vmem>>
          %dma_wait3A_97 = tpu.memref_squeeze %dma_wait3A_96 : memref<1x128xi32, #tpu.memory_space<vmem>> -> memref<128xi32, #tpu.memory_space<vmem>>
          %dma_wait3A_98 = arith.constant 0 : i32
          %dma_wait3A_99 = arith.constant 0 : i32
          %dma_wait3A_100 = tpu.memref_slice %arg8[%dma_wait3A_98, %dma_wait3A_99] : memref<10240x128xf32, #tpu.memory_space<vmem_shared>> -> memref<10240x128xf32, #tpu.memory_space<vmem_shared>>
          tpu.wait_indirect_dma semaphore(%run_scoped3A : memref<!tpu.dma_semaphore, #tpu.memory_space<semaphore_mem>>) src(%arg7 : memref<128x128xf32, #tpu.memory_space<vmem>>) dst(%dma_wait3A_100 : memref<10240x128xf32, #tpu.memory_space<vmem_shared>>)
          tpu.yield
        }) : () -> ()
      } else {
      }
    }
    %scan3A_34 = arith.constant 13 : i32
    %barrier3A_35 = arith.constant 0 : index
    tpu.barrier barrier_id(%barrier3A_35)
    %mul3A_36 = arith.constant 640 : i32
    %mul3A_37 = arith.muli %arg1, %mul3A_36 : i32
    %mul3A_38 = arith.constant 640 : i32
    %mul3A_39 = arith.muli %arg1, %mul3A_38 : i32
    "tpu.region"() ({
      %run_scoped3A = tpu.sem_alloc : memref<!tpu.dma_semaphore, #tpu.memory_space<semaphore_mem>>
      %dma_start3A = arith.constant 0 : i32
      %dma_start3A_40 = tpu.memref_slice %arg4[%arg0, %mul3A_39, %dma_start3A] : memref<2x10240x128xf32, #tpu.memory_space<hbm>> -> memref<1x640x128xf32, #tpu.memory_space<hbm>>
      %dma_start3A_41 = tpu.memref_squeeze %dma_start3A_40 : memref<1x640x128xf32, #tpu.memory_space<hbm>> -> memref<640x128xf32, #tpu.memory_space<hbm>>
      %dma_start3A_42 = arith.constant 0 : i32
      %dma_start3A_43 = tpu.memref_slice %arg8[%mul3A_37, %dma_start3A_42] : memref<10240x128xf32, #tpu.memory_space<vmem_shared>> -> memref<640x128xf32, #tpu.memory_space<vmem_shared>>
      tpu.enqueue_dma source(%dma_start3A_43 : memref<640x128xf32, #tpu.memory_space<vmem_shared>>) target(%dma_start3A_41 : memref<640x128xf32, #tpu.memory_space<hbm>>) target_semaphore(%run_scoped3A : memref<!tpu.dma_semaphore, #tpu.memory_space<semaphore_mem>>)
      %dma_wait3A = arith.constant 0 : i32
      %dma_wait3A_44 = tpu.memref_slice %arg4[%arg0, %mul3A_39, %dma_wait3A] : memref<2x10240x128xf32, #tpu.memory_space<hbm>> -> memref<1x640x128xf32, #tpu.memory_space<hbm>>
      %dma_wait3A_45 = tpu.memref_squeeze %dma_wait3A_44 : memref<1x640x128xf32, #tpu.memory_space<hbm>> -> memref<640x128xf32, #tpu.memory_space<hbm>>
      %dma_wait3A_46 = arith.constant 0 : i32
      %dma_wait3A_47 = tpu.memref_slice %arg8[%mul3A_37, %dma_wait3A_46] : memref<10240x128xf32, #tpu.memory_space<vmem_shared>> -> memref<640x128xf32, #tpu.memory_space<vmem_shared>>
      tpu.wait_dma2 semaphore(%run_scoped3A : memref<!tpu.dma_semaphore, #tpu.memory_space<semaphore_mem>>) src(%dma_wait3A_47 : memref<640x128xf32, #tpu.memory_space<vmem_shared>>) dst(%dma_wait3A_45 : memref<640x128xf32, #tpu.memory_space<hbm>>)
      tpu.yield
    }) : () -> ()
    return
  }
}

#map = affine_map<(d0, d1) -> (0, 0, 0)>
module attributes {stable_mosaic.version = 14 : i64} {
  func.func @_scatter_body(%arg0: i32, %arg1: i32, %arg2: memref<800x128x128xf32, #tpu.memory_space<hbm>>, %arg3: memref<32x26x128xi32, #tpu.memory_space<hbm>>, %arg4: memref<2x10240x128xf32, #tpu.memory_space<hbm>>, %arg5: memref<26x128xi32, #tpu.memory_space<vmem>>, %arg6: memref<128x128xf32, #tpu.memory_space<vmem>>, %arg7: memref<128x128xf32, #tpu.memory_space<vmem>>, %arg8: memref<10240x128xf32, #tpu.memory_space<vmem_shared>>, %arg9: memref<!tpu.dma_semaphore, #tpu.memory_space<semaphore_mem>>, %arg10: memref<!tpu.dma_semaphore, #tpu.memory_space<semaphore_mem>>) attributes {dimension_semantics = [#tpu.dimension_semantics<core_parallel>, #tpu.dimension_semantics<subcore_parallel>], iteration_bounds = array<i64: 2, 16>, scalar_prefetch = 0 : i64, scratch_operands = 6 : i64, tpu.core_type = #tpu.core_type<sc_vector_subcore>, window_params = [{transform_indices = #map}, {transform_indices = #map}, {transform_indices = #map}]} {
    %mul3A = arith.constant 2 : i32
    %mul3A_0 = arith.muli %arg1, %mul3A : i32
    %add3A = arith.addi %mul3A_0, %arg0 : i32
    "tpu.region"() ({
      %run_scoped3A = tpu.sem_alloc : memref<!tpu.dma_semaphore, #tpu.memory_space<semaphore_mem>>
      %dma_start3A = arith.constant 0 : i32
      %dma_start3A_40 = arith.constant 0 : i32
      %dma_start3A_41 = tpu.memref_slice %arg3[%add3A, %dma_start3A, %dma_start3A_40] : memref<32x26x128xi32, #tpu.memory_space<hbm>> -> memref<1x26x128xi32, #tpu.memory_space<hbm>>
      %dma_start3A_42 = tpu.memref_squeeze %dma_start3A_41 : memref<1x26x128xi32, #tpu.memory_space<hbm>> -> memref<26x128xi32, #tpu.memory_space<hbm>>
      %dma_start3A_43 = arith.constant 0 : i32
      %dma_start3A_44 = arith.constant 0 : i32
      %dma_start3A_45 = tpu.memref_slice %arg3[%add3A, %dma_start3A_43, %dma_start3A_44] : memref<32x26x128xi32, #tpu.memory_space<hbm>> -> memref<1x26x128xi32, #tpu.memory_space<hbm>>
      %dma_start3A_46 = tpu.memref_squeeze %dma_start3A_45 : memref<1x26x128xi32, #tpu.memory_space<hbm>> -> memref<26x128xi32, #tpu.memory_space<hbm>>
      tpu.enqueue_dma source(%dma_start3A_46 : memref<26x128xi32, #tpu.memory_space<hbm>>) target(%arg5 : memref<26x128xi32, #tpu.memory_space<vmem>>) target_semaphore(%run_scoped3A : memref<!tpu.dma_semaphore, #tpu.memory_space<semaphore_mem>>)
      %dma_wait3A = arith.constant 0 : i32
      %dma_wait3A_47 = arith.constant 0 : i32
      %dma_wait3A_48 = tpu.memref_slice %arg3[%add3A, %dma_wait3A, %dma_wait3A_47] : memref<32x26x128xi32, #tpu.memory_space<hbm>> -> memref<1x26x128xi32, #tpu.memory_space<hbm>>
      %dma_wait3A_49 = tpu.memref_squeeze %dma_wait3A_48 : memref<1x26x128xi32, #tpu.memory_space<hbm>> -> memref<26x128xi32, #tpu.memory_space<hbm>>
      %dma_wait3A_50 = arith.constant 0 : i32
      %dma_wait3A_51 = arith.constant 0 : i32
      %dma_wait3A_52 = tpu.memref_slice %arg3[%add3A, %dma_wait3A_50, %dma_wait3A_51] : memref<32x26x128xi32, #tpu.memory_space<hbm>> -> memref<1x26x128xi32, #tpu.memory_space<hbm>>
      %dma_wait3A_53 = tpu.memref_squeeze %dma_wait3A_52 : memref<1x26x128xi32, #tpu.memory_space<hbm>> -> memref<26x128xi32, #tpu.memory_space<hbm>>
      tpu.wait_dma2 semaphore(%run_scoped3A : memref<!tpu.dma_semaphore, #tpu.memory_space<semaphore_mem>>) src(%dma_wait3A_53 : memref<26x128xi32, #tpu.memory_space<hbm>>) dst(%arg5 : memref<26x128xi32, #tpu.memory_space<vmem>>)
      tpu.yield
    }) : () -> ()
    %broadcast_in_dim3A = arith.constant 0.000000e+00 : f32
    %broadcast_in_dim3A_1 = vector.broadcast %broadcast_in_dim3A : f32 to vector<16xf32>
    %scan3A = arith.constant 0 : i32
    %scan3A_2 = arith.constant 128 : i32
    %scan3A_3 = arith.addi %scan3A, %scan3A_2 : i32
    %scan3A_4 = arith.constant 1 : i32
    scf.for %scan3A_40 = %scan3A to %scan3A_3 step %scan3A_4  : i32 {
      %mul3A_41 = arith.constant 1 : i32
      %mul3A_42 = arith.muli %scan3A_40, %mul3A_41 : i32
      %add3A_43 = arith.constant 0 : i32
      %add3A_44 = arith.addi %add3A_43, %mul3A_42 : i32
      %swap3A = arith.index_cast %add3A_44 : i32 to index
      %swap3A_45 = arith.constant 0 : index
      %swap3A_46 = tpu.vector_load %arg6[%swap3A, %swap3A_45] {strides = array<i32>} : memref<128x128xf32, #tpu.memory_space<vmem>>, vector<1x16xf32>,
      %swap3A_47 = vector.shape_cast %swap3A_46 : vector<1x16xf32> to vector<16xf32>
      %swap3A_48 = vector.shape_cast %broadcast_in_dim3A_1 : vector<16xf32> to vector<1x16xf32>
      tpu.vector_store %arg6[%swap3A, %swap3A_45], %swap3A_48 {strides = array<i32>} : memref<128x128xf32, #tpu.memory_space<vmem>>, vector<1x16xf32>,
      %swap3A_49 = arith.index_cast %add3A_44 : i32 to index
      %swap3A_50 = arith.constant 16 : index
      %swap3A_51 = tpu.vector_load %arg6[%swap3A_49, %swap3A_50] {strides = array<i32>} : memref<128x128xf32, #tpu.memory_space<vmem>>, vector<1x16xf32>,
      %swap3A_52 = vector.shape_cast %swap3A_51 : vector<1x16xf32> to vector<16xf32>
      %swap3A_53 = vector.shape_cast %broadcast_in_dim3A_1 : vector<16xf32> to vector<1x16xf32>
      tpu.vector_store %arg6[%swap3A_49, %swap3A_50], %swap3A_53 {strides = array<i32>} : memref<128x128xf32, #tpu.memory_space<vmem>>, vector<1x16xf32>,
      %swap3A_54 = arith.index_cast %add3A_44 : i32 to index
      %swap3A_55 = arith.constant 32 : index
      %swap3A_56 = tpu.vector_load %arg6[%swap3A_54, %swap3A_55] {strides = array<i32>} : memref<128x128xf32, #tpu.memory_space<vmem>>, vector<1x16xf32>,
      %swap3A_57 = vector.shape_cast %swap3A_56 : vector<1x16xf32> to vector<16xf32>
      %swap3A_58 = vector.shape_cast %broadcast_in_dim3A_1 : vector<16xf32> to vector<1x16xf32>
      tpu.vector_store %arg6[%swap3A_54, %swap3A_55], %swap3A_58 {strides = array<i32>} : memref<128x128xf32, #tpu.memory_space<vmem>>, vector<1x16xf32>,
      %swap3A_59 = arith.index_cast %add3A_44 : i32 to index
      %swap3A_60 = arith.constant 48 : index
      %swap3A_61 = tpu.vector_load %arg6[%swap3A_59, %swap3A_60] {strides = array<i32>} : memref<128x128xf32, #tpu.memory_space<vmem>>, vector<1x16xf32>,
      %swap3A_62 = vector.shape_cast %swap3A_61 : vector<1x16xf32> to vector<16xf32>
      %swap3A_63 = vector.shape_cast %broadcast_in_dim3A_1 : vector<16xf32> to vector<1x16xf32>
      tpu.vector_store %arg6[%swap3A_59, %swap3A_60], %swap3A_63 {strides = array<i32>} : memref<128x128xf32, #tpu.memory_space<vmem>>, vector<1x16xf32>,
      %swap3A_64 = arith.index_cast %add3A_44 : i32 to index
      %swap3A_65 = arith.constant 64 : index
      %swap3A_66 = tpu.vector_load %arg6[%swap3A_64, %swap3A_65] {strides = array<i32>} : memref<128x128xf32, #tpu.memory_space<vmem>>, vector<1x16xf32>,
      %swap3A_67 = vector.shape_cast %swap3A_66 : vector<1x16xf32> to vector<16xf32>
      %swap3A_68 = vector.shape_cast %broadcast_in_dim3A_1 : vector<16xf32> to vector<1x16xf32>
      tpu.vector_store %arg6[%swap3A_64, %swap3A_65], %swap3A_68 {strides = array<i32>} : memref<128x128xf32, #tpu.memory_space<vmem>>, vector<1x16xf32>,
      %swap3A_69 = arith.index_cast %add3A_44 : i32 to index
      %swap3A_70 = arith.constant 80 : index
      %swap3A_71 = tpu.vector_load %arg6[%swap3A_69, %swap3A_70] {strides = array<i32>} : memref<128x128xf32, #tpu.memory_space<vmem>>, vector<1x16xf32>,
      %swap3A_72 = vector.shape_cast %swap3A_71 : vector<1x16xf32> to vector<16xf32>
      %swap3A_73 = vector.shape_cast %broadcast_in_dim3A_1 : vector<16xf32> to vector<1x16xf32>
      tpu.vector_store %arg6[%swap3A_69, %swap3A_70], %swap3A_73 {strides = array<i32>} : memref<128x128xf32, #tpu.memory_space<vmem>>, vector<1x16xf32>,
      %swap3A_74 = arith.index_cast %add3A_44 : i32 to index
      %swap3A_75 = arith.constant 96 : index
      %swap3A_76 = tpu.vector_load %arg6[%swap3A_74, %swap3A_75] {strides = array<i32>} : memref<128x128xf32, #tpu.memory_space<vmem>>, vector<1x16xf32>,
      %swap3A_77 = vector.shape_cast %swap3A_76 : vector<1x16xf32> to vector<16xf32>
      %swap3A_78 = vector.shape_cast %broadcast_in_dim3A_1 : vector<16xf32> to vector<1x16xf32>
      tpu.vector_store %arg6[%swap3A_74, %swap3A_75], %swap3A_78 {strides = array<i32>} : memref<128x128xf32, #tpu.memory_space<vmem>>, vector<1x16xf32>,
      %swap3A_79 = arith.index_cast %add3A_44 : i32 to index
      %swap3A_80 = arith.constant 112 : index
      %swap3A_81 = tpu.vector_load %arg6[%swap3A_79, %swap3A_80] {strides = array<i32>} : memref<128x128xf32, #tpu.memory_space<vmem>>, vector<1x16xf32>,
      %swap3A_82 = vector.shape_cast %swap3A_81 : vector<1x16xf32> to vector<16xf32>
      %swap3A_83 = vector.shape_cast %broadcast_in_dim3A_1 : vector<16xf32> to vector<1x16xf32>
      tpu.vector_store %arg6[%swap3A_79, %swap3A_80], %swap3A_83 {strides = array<i32>} : memref<128x128xf32, #tpu.memory_space<vmem>>, vector<1x16xf32>,
    }
    %scan3A_5 = arith.constant 128 : i32
    %mul3A_6 = arith.constant 640 : i32
    %mul3A_7 = arith.muli %arg1, %mul3A_6 : i32
    %add3A_8 = arith.constant 0 : i32
    %add3A_9 = arith.addi %mul3A_7, %add3A_8 : i32
    "tpu.region"() ({
      %run_scoped3A = tpu.sem_alloc : memref<!tpu.dma_semaphore, #tpu.memory_space<semaphore_mem>>
      %dma_start3A = arith.constant 0 : i32
      %dma_start3A_40 = tpu.memref_slice %arg8[%add3A_9, %dma_start3A] : memref<10240x128xf32, #tpu.memory_space<vmem_shared>> -> memref<128x128xf32, #tpu.memory_space<vmem_shared>>
      %dma_start3A_41 = arith.constant 0 : i32
      %dma_start3A_42 = tpu.memref_slice %arg8[%add3A_9, %dma_start3A_41] : memref<10240x128xf32, #tpu.memory_space<vmem_shared>> -> memref<128x128xf32, #tpu.memory_space<vmem_shared>>
      tpu.enqueue_dma source(%arg6 : memref<128x128xf32, #tpu.memory_space<vmem>>) target(%dma_start3A_42 : memref<128x128xf32, #tpu.memory_space<vmem_shared>>) target_semaphore(%run_scoped3A : memref<!tpu.dma_semaphore, #tpu.memory_space<semaphore_mem>>)
      %dma_wait3A = arith.constant 0 : i32
      %dma_wait3A_43 = tpu.memref_slice %arg8[%add3A_9, %dma_wait3A] : memref<10240x128xf32, #tpu.memory_space<vmem_shared>> -> memref<128x128xf32, #tpu.memory_space<vmem_shared>>
      %dma_wait3A_44 = arith.constant 0 : i32
      %dma_wait3A_45 = tpu.memref_slice %arg8[%add3A_9, %dma_wait3A_44] : memref<10240x128xf32, #tpu.memory_space<vmem_shared>> -> memref<128x128xf32, #tpu.memory_space<vmem_shared>>
      tpu.wait_dma2 semaphore(%run_scoped3A : memref<!tpu.dma_semaphore, #tpu.memory_space<semaphore_mem>>) src(%arg6 : memref<128x128xf32, #tpu.memory_space<vmem>>) dst(%dma_wait3A_45 : memref<128x128xf32, #tpu.memory_space<vmem_shared>>)
      tpu.yield
    }) : () -> ()
    %mul3A_10 = arith.constant 640 : i32
    %mul3A_11 = arith.muli %arg1, %mul3A_10 : i32
    %add3A_12 = arith.constant 128 : i32
    %add3A_13 = arith.addi %mul3A_11, %add3A_12 : i32
    "tpu.region"() ({
      %run_scoped3A = tpu.sem_alloc : memref<!tpu.dma_semaphore, #tpu.memory_space<semaphore_mem>>
      %dma_start3A = arith.constant 0 : i32
      %dma_start3A_40 = tpu.memref_slice %arg8[%add3A_13, %dma_start3A] : memref<10240x128xf32, #tpu.memory_space<vmem_shared>> -> memref<128x128xf32, #tpu.memory_space<vmem_shared>>
      %dma_start3A_41 = arith.constant 0 : i32
      %dma_start3A_42 = tpu.memref_slice %arg8[%add3A_13, %dma_start3A_41] : memref<10240x128xf32, #tpu.memory_space<vmem_shared>> -> memref<128x128xf32, #tpu.memory_space<vmem_shared>>
      tpu.enqueue_dma source(%arg6 : memref<128x128xf32, #tpu.memory_space<vmem>>) target(%dma_start3A_42 : memref<128x128xf32, #tpu.memory_space<vmem_shared>>) target_semaphore(%run_scoped3A : memref<!tpu.dma_semaphore, #tpu.memory_space<semaphore_mem>>)
      %dma_wait3A = arith.constant 0 : i32
      %dma_wait3A_43 = tpu.memref_slice %arg8[%add3A_13, %dma_wait3A] : memref<10240x128xf32, #tpu.memory_space<vmem_shared>> -> memref<128x128xf32, #tpu.memory_space<vmem_shared>>
      %dma_wait3A_44 = arith.constant 0 : i32
      %dma_wait3A_45 = tpu.memref_slice %arg8[%add3A_13, %dma_wait3A_44] : memref<10240x128xf32, #tpu.memory_space<vmem_shared>> -> memref<128x128xf32, #tpu.memory_space<vmem_shared>>
      tpu.wait_dma2 semaphore(%run_scoped3A : memref<!tpu.dma_semaphore, #tpu.memory_space<semaphore_mem>>) src(%arg6 : memref<128x128xf32, #tpu.memory_space<vmem>>) dst(%dma_wait3A_45 : memref<128x128xf32, #tpu.memory_space<vmem_shared>>)
      tpu.yield
    }) : () -> ()
    %mul3A_14 = arith.constant 640 : i32
    %mul3A_15 = arith.muli %arg1, %mul3A_14 : i32
    %add3A_16 = arith.constant 256 : i32
    %add3A_17 = arith.addi %mul3A_15, %add3A_16 : i32
    "tpu.region"() ({
      %run_scoped3A = tpu.sem_alloc : memref<!tpu.dma_semaphore, #tpu.memory_space<semaphore_mem>>
      %dma_start3A = arith.constant 0 : i32
      %dma_start3A_40 = tpu.memref_slice %arg8[%add3A_17, %dma_start3A] : memref<10240x128xf32, #tpu.memory_space<vmem_shared>> -> memref<128x128xf32, #tpu.memory_space<vmem_shared>>
      %dma_start3A_41 = arith.constant 0 : i32
      %dma_start3A_42 = tpu.memref_slice %arg8[%add3A_17, %dma_start3A_41] : memref<10240x128xf32, #tpu.memory_space<vmem_shared>> -> memref<128x128xf32, #tpu.memory_space<vmem_shared>>
      tpu.enqueue_dma source(%arg6 : memref<128x128xf32, #tpu.memory_space<vmem>>) target(%dma_start3A_42 : memref<128x128xf32, #tpu.memory_space<vmem_shared>>) target_semaphore(%run_scoped3A : memref<!tpu.dma_semaphore, #tpu.memory_space<semaphore_mem>>)
      %dma_wait3A = arith.constant 0 : i32
      %dma_wait3A_43 = tpu.memref_slice %arg8[%add3A_17, %dma_wait3A] : memref<10240x128xf32, #tpu.memory_space<vmem_shared>> -> memref<128x128xf32, #tpu.memory_space<vmem_shared>>
      %dma_wait3A_44 = arith.constant 0 : i32
      %dma_wait3A_45 = tpu.memref_slice %arg8[%add3A_17, %dma_wait3A_44] : memref<10240x128xf32, #tpu.memory_space<vmem_shared>> -> memref<128x128xf32, #tpu.memory_space<vmem_shared>>
      tpu.wait_dma2 semaphore(%run_scoped3A : memref<!tpu.dma_semaphore, #tpu.memory_space<semaphore_mem>>) src(%arg6 : memref<128x128xf32, #tpu.memory_space<vmem>>) dst(%dma_wait3A_45 : memref<128x128xf32, #tpu.memory_space<vmem_shared>>)
      tpu.yield
    }) : () -> ()
    %mul3A_18 = arith.constant 640 : i32
    %mul3A_19 = arith.muli %arg1, %mul3A_18 : i32
    %add3A_20 = arith.constant 384 : i32
    %add3A_21 = arith.addi %mul3A_19, %add3A_20 : i32
    "tpu.region"() ({
      %run_scoped3A = tpu.sem_alloc : memref<!tpu.dma_semaphore, #tpu.memory_space<semaphore_mem>>
      %dma_start3A = arith.constant 0 : i32
      %dma_start3A_40 = tpu.memref_slice %arg8[%add3A_21, %dma_start3A] : memref<10240x128xf32, #tpu.memory_space<vmem_shared>> -> memref<128x128xf32, #tpu.memory_space<vmem_shared>>
      %dma_start3A_41 = arith.constant 0 : i32
      %dma_start3A_42 = tpu.memref_slice %arg8[%add3A_21, %dma_start3A_41] : memref<10240x128xf32, #tpu.memory_space<vmem_shared>> -> memref<128x128xf32, #tpu.memory_space<vmem_shared>>
      tpu.enqueue_dma source(%arg6 : memref<128x128xf32, #tpu.memory_space<vmem>>) target(%dma_start3A_42 : memref<128x128xf32, #tpu.memory_space<vmem_shared>>) target_semaphore(%run_scoped3A : memref<!tpu.dma_semaphore, #tpu.memory_space<semaphore_mem>>)
      %dma_wait3A = arith.constant 0 : i32
      %dma_wait3A_43 = tpu.memref_slice %arg8[%add3A_21, %dma_wait3A] : memref<10240x128xf32, #tpu.memory_space<vmem_shared>> -> memref<128x128xf32, #tpu.memory_space<vmem_shared>>
      %dma_wait3A_44 = arith.constant 0 : i32
      %dma_wait3A_45 = tpu.memref_slice %arg8[%add3A_21, %dma_wait3A_44] : memref<10240x128xf32, #tpu.memory_space<vmem_shared>> -> memref<128x128xf32, #tpu.memory_space<vmem_shared>>
      tpu.wait_dma2 semaphore(%run_scoped3A : memref<!tpu.dma_semaphore, #tpu.memory_space<semaphore_mem>>) src(%arg6 : memref<128x128xf32, #tpu.memory_space<vmem>>) dst(%dma_wait3A_45 : memref<128x128xf32, #tpu.memory_space<vmem_shared>>)
      tpu.yield
    }) : () -> ()
    %mul3A_22 = arith.constant 640 : i32
    %mul3A_23 = arith.muli %arg1, %mul3A_22 : i32
    %add3A_24 = arith.constant 512 : i32
    %add3A_25 = arith.addi %mul3A_23, %add3A_24 : i32
    "tpu.region"() ({
      %run_scoped3A = tpu.sem_alloc : memref<!tpu.dma_semaphore, #tpu.memory_space<semaphore_mem>>
      %dma_start3A = arith.constant 0 : i32
      %dma_start3A_40 = tpu.memref_slice %arg8[%add3A_25, %dma_start3A] : memref<10240x128xf32, #tpu.memory_space<vmem_shared>> -> memref<128x128xf32, #tpu.memory_space<vmem_shared>>
      %dma_start3A_41 = arith.constant 0 : i32
      %dma_start3A_42 = tpu.memref_slice %arg8[%add3A_25, %dma_start3A_41] : memref<10240x128xf32, #tpu.memory_space<vmem_shared>> -> memref<128x128xf32, #tpu.memory_space<vmem_shared>>
      tpu.enqueue_dma source(%arg6 : memref<128x128xf32, #tpu.memory_space<vmem>>) target(%dma_start3A_42 : memref<128x128xf32, #tpu.memory_space<vmem_shared>>) target_semaphore(%run_scoped3A : memref<!tpu.dma_semaphore, #tpu.memory_space<semaphore_mem>>)
      %dma_wait3A = arith.constant 0 : i32
      %dma_wait3A_43 = tpu.memref_slice %arg8[%add3A_25, %dma_wait3A] : memref<10240x128xf32, #tpu.memory_space<vmem_shared>> -> memref<128x128xf32, #tpu.memory_space<vmem_shared>>
      %dma_wait3A_44 = arith.constant 0 : i32
      %dma_wait3A_45 = tpu.memref_slice %arg8[%add3A_25, %dma_wait3A_44] : memref<10240x128xf32, #tpu.memory_space<vmem_shared>> -> memref<128x128xf32, #tpu.memory_space<vmem_shared>>
      tpu.wait_dma2 semaphore(%run_scoped3A : memref<!tpu.dma_semaphore, #tpu.memory_space<semaphore_mem>>) src(%arg6 : memref<128x128xf32, #tpu.memory_space<vmem>>) dst(%dma_wait3A_45 : memref<128x128xf32, #tpu.memory_space<vmem_shared>>)
      tpu.yield
    }) : () -> ()
    %barrier3A = arith.constant 0 : index
    tpu.barrier barrier_id(%barrier3A)
    %add3A_26 = arith.constant 0 : i32
    %add3A_27 = arith.addi %add3A, %add3A_26 : i32
    %lt3A = arith.constant 800 : i32
    %lt3A_28 = arith.cmpi slt, %add3A_27, %lt3A : i32
    %convert_element_type3A = arith.extui %lt3A_28 : i1 to i32
    %cond3A = arith.constant 0 : i32
    %cond3A_29 = arith.cmpi ne, %convert_element_type3A, %cond3A : i32
    scf.if %cond3A_29 {
      %dma_start3A = arith.constant 0 : i32
      %dma_start3A_40 = arith.constant 0 : i32
      %dma_start3A_41 = tpu.memref_slice %arg2[%add3A_27, %dma_start3A, %dma_start3A_40] : memref<800x128x128xf32, #tpu.memory_space<hbm>> -> memref<1x128x128xf32, #tpu.memory_space<hbm>>
      %dma_start3A_42 = tpu.memref_squeeze %dma_start3A_41 : memref<1x128x128xf32, #tpu.memory_space<hbm>> -> memref<128x128xf32, #tpu.memory_space<hbm>>
      %dma_start3A_43 = arith.constant 0 : i32
      %dma_start3A_44 = arith.constant 0 : i32
      %dma_start3A_45 = tpu.memref_slice %arg2[%add3A_27, %dma_start3A_43, %dma_start3A_44] : memref<800x128x128xf32, #tpu.memory_space<hbm>> -> memref<1x128x128xf32, #tpu.memory_space<hbm>>
      %dma_start3A_46 = tpu.memref_squeeze %dma_start3A_45 : memref<1x128x128xf32, #tpu.memory_space<hbm>> -> memref<128x128xf32, #tpu.memory_space<hbm>>
      tpu.enqueue_dma source(%dma_start3A_46 : memref<128x128xf32, #tpu.memory_space<hbm>>) target(%arg6 : memref<128x128xf32, #tpu.memory_space<vmem>>) target_semaphore(%arg9 : memref<!tpu.dma_semaphore, #tpu.memory_space<semaphore_mem>>)
    } else {
    }
    %scan3A_30 = arith.constant 0 : i32
    %scan3A_31 = arith.constant 13 : i32
    %scan3A_32 = arith.addi %scan3A_30, %scan3A_31 : i32
    %scan3A_33 = arith.constant 1 : i32
    scf.for %scan3A_40 = %scan3A_30 to %scan3A_32 step %scan3A_33  : i32 {
      %mul3A_41 = arith.constant 2 : i32
      %mul3A_42 = arith.muli %scan3A_40, %mul3A_41 : i32
      %add3A_43 = arith.constant 0 : i32
      %add3A_44 = arith.addi %add3A_43, %mul3A_42 : i32
      %add3A_45 = arith.constant 1 : i32
      %add3A_46 = arith.addi %add3A_44, %add3A_45 : i32
      %mul3A_47 = arith.constant 32 : i32
      %mul3A_48 = arith.muli %mul3A_47, %add3A_46 : i32
      %add3A_49 = arith.addi %add3A, %mul3A_48 : i32
      %lt3A_50 = arith.constant 800 : i32
      %lt3A_51 = arith.cmpi slt, %add3A_49, %lt3A_50 : i32
      %convert_element_type3A_52 = arith.extui %lt3A_51 : i1 to i32
      %cond3A_53 = arith.constant 0 : i32
      %cond3A_54 = arith.cmpi ne, %convert_element_type3A_52, %cond3A_53 : i32
      scf.if %cond3A_54 {
        %dma_start3A = arith.constant 0 : i32
        %dma_start3A_83 = arith.constant 0 : i32
        %dma_start3A_84 = tpu.memref_slice %arg2[%add3A_49, %dma_start3A, %dma_start3A_83] : memref<800x128x128xf32, #tpu.memory_space<hbm>> -> memref<1x128x128xf32, #tpu.memory_space<hbm>>
        %dma_start3A_85 = tpu.memref_squeeze %dma_start3A_84 : memref<1x128x128xf32, #tpu.memory_space<hbm>> -> memref<128x128xf32, #tpu.memory_space<hbm>>
        %dma_start3A_86 = arith.constant 0 : i32
        %dma_start3A_87 = arith.constant 0 : i32
        %dma_start3A_88 = tpu.memref_slice %arg2[%add3A_49, %dma_start3A_86, %dma_start3A_87] : memref<800x128x128xf32, #tpu.memory_space<hbm>> -> memref<1x128x128xf32, #tpu.memory_space<hbm>>
        %dma_start3A_89 = tpu.memref_squeeze %dma_start3A_88 : memref<1x128x128xf32, #tpu.memory_space<hbm>> -> memref<128x128xf32, #tpu.memory_space<hbm>>
        tpu.enqueue_dma source(%dma_start3A_89 : memref<128x128xf32, #tpu.memory_space<hbm>>) target(%arg7 : memref<128x128xf32, #tpu.memory_space<vmem>>) target_semaphore(%arg10 : memref<!tpu.dma_semaphore, #tpu.memory_space<semaphore_mem>>)
      } else {
      }
      %mul3A_55 = arith.constant 32 : i32
      %mul3A_56 = arith.muli %mul3A_55, %add3A_44 : i32
      %add3A_57 = arith.addi %add3A, %mul3A_56 : i32
      %lt3A_58 = arith.constant 800 : i32
      %lt3A_59 = arith.cmpi slt, %add3A_57, %lt3A_58 : i32
      %convert_element_type3A_60 = arith.extui %lt3A_59 : i1 to i32
      %cond3A_61 = arith.constant 0 : i32
      %cond3A_62 = arith.cmpi ne, %convert_element_type3A_60, %cond3A_61 : i32
      scf.if %cond3A_62 {
        %dma_wait3A = arith.constant 0 : i32
        %dma_wait3A_83 = arith.constant 0 : i32
        %dma_wait3A_84 = tpu.memref_slice %arg2[%add3A_57, %dma_wait3A, %dma_wait3A_83] : memref<800x128x128xf32, #tpu.memory_space<hbm>> -> memref<1x128x128xf32, #tpu.memory_space<hbm>>
        %dma_wait3A_85 = tpu.memref_squeeze %dma_wait3A_84 : memref<1x128x128xf32, #tpu.memory_space<hbm>> -> memref<128x128xf32, #tpu.memory_space<hbm>>
        %dma_wait3A_86 = arith.constant 0 : i32
        %dma_wait3A_87 = arith.constant 0 : i32
        %dma_wait3A_88 = tpu.memref_slice %arg2[%add3A_57, %dma_wait3A_86, %dma_wait3A_87] : memref<800x128x128xf32, #tpu.memory_space<hbm>> -> memref<1x128x128xf32, #tpu.memory_space<hbm>>
        %dma_wait3A_89 = tpu.memref_squeeze %dma_wait3A_88 : memref<1x128x128xf32, #tpu.memory_space<hbm>> -> memref<128x128xf32, #tpu.memory_space<hbm>>
        tpu.wait_dma2 semaphore(%arg9 : memref<!tpu.dma_semaphore, #tpu.memory_space<semaphore_mem>>) src(%dma_wait3A_89 : memref<128x128xf32, #tpu.memory_space<hbm>>) dst(%arg6 : memref<128x128xf32, #tpu.memory_space<vmem>>)
        "tpu.region"() ({
          %run_scoped3A = tpu.sem_alloc : memref<!tpu.dma_semaphore, #tpu.memory_space<semaphore_mem>>
          %dma_start3A = arith.constant 0 : i32
          %dma_start3A_90 = tpu.memref_slice %arg5[%add3A_44, %dma_start3A] : memref<26x128xi32, #tpu.memory_space<vmem>> -> memref<1x128xi32, #tpu.memory_space<vmem>>
          %dma_start3A_91 = tpu.memref_squeeze %dma_start3A_90 : memref<1x128xi32, #tpu.memory_space<vmem>> -> memref<128xi32, #tpu.memory_space<vmem>>
          %dma_start3A_92 = arith.constant 0 : i32
          %dma_start3A_93 = arith.constant 0 : i32
          %dma_start3A_94 = tpu.memref_slice %arg8[%dma_start3A_92, %dma_start3A_93] : memref<10240x128xf32, #tpu.memory_space<vmem_shared>> -> memref<10240x128xf32, #tpu.memory_space<vmem_shared>>
          tpu.enqueue_indirect_dma source(%arg6 : memref<128x128xf32, #tpu.memory_space<vmem>>) target(%dma_start3A_94 : memref<10240x128xf32, #tpu.memory_space<vmem_shared>>) offsets(%dma_start3A_91 : memref<128xi32, #tpu.memory_space<vmem>>) semaphore(%run_scoped3A : memref<!tpu.dma_semaphore, #tpu.memory_space<semaphore_mem>>) {add = true}
          %dma_wait3A_95 = arith.constant 0 : i32
          %dma_wait3A_96 = tpu.memref_slice %arg5[%add3A_44, %dma_wait3A_95] : memref<26x128xi32, #tpu.memory_space<vmem>> -> memref<1x128xi32, #tpu.memory_space<vmem>>
          %dma_wait3A_97 = tpu.memref_squeeze %dma_wait3A_96 : memref<1x128xi32, #tpu.memory_space<vmem>> -> memref<128xi32, #tpu.memory_space<vmem>>
          %dma_wait3A_98 = arith.constant 0 : i32
          %dma_wait3A_99 = arith.constant 0 : i32
          %dma_wait3A_100 = tpu.memref_slice %arg8[%dma_wait3A_98, %dma_wait3A_99] : memref<10240x128xf32, #tpu.memory_space<vmem_shared>> -> memref<10240x128xf32, #tpu.memory_space<vmem_shared>>
          tpu.wait_indirect_dma semaphore(%run_scoped3A : memref<!tpu.dma_semaphore, #tpu.memory_space<semaphore_mem>>) src(%arg6 : memref<128x128xf32, #tpu.memory_space<vmem>>) dst(%dma_wait3A_100 : memref<10240x128xf32, #tpu.memory_space<vmem_shared>>)
          tpu.yield
        }) : () -> ()
      } else {
      }
      %add3A_63 = arith.constant 2 : i32
      %add3A_64 = arith.addi %add3A_44, %add3A_63 : i32
      %mul3A_65 = arith.constant 32 : i32
      %mul3A_66 = arith.muli %mul3A_65, %add3A_64 : i32
      %add3A_67 = arith.addi %add3A, %mul3A_66 : i32
      %lt3A_68 = arith.constant 800 : i32
      %lt3A_69 = arith.cmpi slt, %add3A_67, %lt3A_68 : i32
      %convert_element_type3A_70 = arith.extui %lt3A_69 : i1 to i32
      %cond3A_71 = arith.constant 0 : i32
      %cond3A_72 = arith.cmpi ne, %convert_element_type3A_70, %cond3A_71 : i32
      scf.if %cond3A_72 {
        %dma_start3A = arith.constant 0 : i32
        %dma_start3A_83 = arith.constant 0 : i32
        %dma_start3A_84 = tpu.memref_slice %arg2[%add3A_67, %dma_start3A, %dma_start3A_83] : memref<800x128x128xf32, #tpu.memory_space<hbm>> -> memref<1x128x128xf32, #tpu.memory_space<hbm>>
        %dma_start3A_85 = tpu.memref_squeeze %dma_start3A_84 : memref<1x128x128xf32, #tpu.memory_space<hbm>> -> memref<128x128xf32, #tpu.memory_space<hbm>>
        %dma_start3A_86 = arith.constant 0 : i32
        %dma_start3A_87 = arith.constant 0 : i32
        %dma_start3A_88 = tpu.memref_slice %arg2[%add3A_67, %dma_start3A_86, %dma_start3A_87] : memref<800x128x128xf32, #tpu.memory_space<hbm>> -> memref<1x128x128xf32, #tpu.memory_space<hbm>>
        %dma_start3A_89 = tpu.memref_squeeze %dma_start3A_88 : memref<1x128x128xf32, #tpu.memory_space<hbm>> -> memref<128x128xf32, #tpu.memory_space<hbm>>
        tpu.enqueue_dma source(%dma_start3A_89 : memref<128x128xf32, #tpu.memory_space<hbm>>) target(%arg6 : memref<128x128xf32, #tpu.memory_space<vmem>>) target_semaphore(%arg9 : memref<!tpu.dma_semaphore, #tpu.memory_space<semaphore_mem>>)
      } else {
      }
      %add3A_73 = arith.constant 1 : i32
      %add3A_74 = arith.addi %add3A_44, %add3A_73 : i32
      %mul3A_75 = arith.constant 32 : i32
      %mul3A_76 = arith.muli %mul3A_75, %add3A_74 : i32
      %add3A_77 = arith.addi %add3A, %mul3A_76 : i32
      %lt3A_78 = arith.constant 800 : i32
      %lt3A_79 = arith.cmpi slt, %add3A_77, %lt3A_78 : i32
      %convert_element_type3A_80 = arith.extui %lt3A_79 : i1 to i32
      %cond3A_81 = arith.constant 0 : i32
      %cond3A_82 = arith.cmpi ne, %convert_element_type3A_80, %cond3A_81 : i32
      scf.if %cond3A_82 {
        %dma_wait3A = arith.constant 0 : i32
        %dma_wait3A_83 = arith.constant 0 : i32
        %dma_wait3A_84 = tpu.memref_slice %arg2[%add3A_77, %dma_wait3A, %dma_wait3A_83] : memref<800x128x128xf32, #tpu.memory_space<hbm>> -> memref<1x128x128xf32, #tpu.memory_space<hbm>>
        %dma_wait3A_85 = tpu.memref_squeeze %dma_wait3A_84 : memref<1x128x128xf32, #tpu.memory_space<hbm>> -> memref<128x128xf32, #tpu.memory_space<hbm>>
        %dma_wait3A_86 = arith.constant 0 : i32
        %dma_wait3A_87 = arith.constant 0 : i32
        %dma_wait3A_88 = tpu.memref_slice %arg2[%add3A_77, %dma_wait3A_86, %dma_wait3A_87] : memref<800x128x128xf32, #tpu.memory_space<hbm>> -> memref<1x128x128xf32, #tpu.memory_space<hbm>>
        %dma_wait3A_89 = tpu.memref_squeeze %dma_wait3A_88 : memref<1x128x128xf32, #tpu.memory_space<hbm>> -> memref<128x128xf32, #tpu.memory_space<hbm>>
        tpu.wait_dma2 semaphore(%arg10 : memref<!tpu.dma_semaphore, #tpu.memory_space<semaphore_mem>>) src(%dma_wait3A_89 : memref<128x128xf32, #tpu.memory_space<hbm>>) dst(%arg7 : memref<128x128xf32, #tpu.memory_space<vmem>>)
        "tpu.region"() ({
          %run_scoped3A = tpu.sem_alloc : memref<!tpu.dma_semaphore, #tpu.memory_space<semaphore_mem>>
          %dma_start3A = arith.constant 0 : i32
          %dma_start3A_90 = tpu.memref_slice %arg5[%add3A_74, %dma_start3A] : memref<26x128xi32, #tpu.memory_space<vmem>> -> memref<1x128xi32, #tpu.memory_space<vmem>>
          %dma_start3A_91 = tpu.memref_squeeze %dma_start3A_90 : memref<1x128xi32, #tpu.memory_space<vmem>> -> memref<128xi32, #tpu.memory_space<vmem>>
          %dma_start3A_92 = arith.constant 0 : i32
          %dma_start3A_93 = arith.constant 0 : i32
          %dma_start3A_94 = tpu.memref_slice %arg8[%dma_start3A_92, %dma_start3A_93] : memref<10240x128xf32, #tpu.memory_space<vmem_shared>> -> memref<10240x128xf32, #tpu.memory_space<vmem_shared>>
          tpu.enqueue_indirect_dma source(%arg7 : memref<128x128xf32, #tpu.memory_space<vmem>>) target(%dma_start3A_94 : memref<10240x128xf32, #tpu.memory_space<vmem_shared>>) offsets(%dma_start3A_91 : memref<128xi32, #tpu.memory_space<vmem>>) semaphore(%run_scoped3A : memref<!tpu.dma_semaphore, #tpu.memory_space<semaphore_mem>>) {add = true}
          %dma_wait3A_95 = arith.constant 0 : i32
          %dma_wait3A_96 = tpu.memref_slice %arg5[%add3A_74, %dma_wait3A_95] : memref<26x128xi32, #tpu.memory_space<vmem>> -> memref<1x128xi32, #tpu.memory_space<vmem>>
          %dma_wait3A_97 = tpu.memref_squeeze %dma_wait3A_96 : memref<1x128xi32, #tpu.memory_space<vmem>> -> memref<128xi32, #tpu.memory_space<vmem>>
          %dma_wait3A_98 = arith.constant 0 : i32
          %dma_wait3A_99 = arith.constant 0 : i32
          %dma_wait3A_100 = tpu.memref_slice %arg8[%dma_wait3A_98, %dma_wait3A_99] : memref<10240x128xf32, #tpu.memory_space<vmem_shared>> -> memref<10240x128xf32, #tpu.memory_space<vmem_shared>>
          tpu.wait_indirect_dma semaphore(%run_scoped3A : memref<!tpu.dma_semaphore, #tpu.memory_space<semaphore_mem>>) src(%arg7 : memref<128x128xf32, #tpu.memory_space<vmem>>) dst(%dma_wait3A_100 : memref<10240x128xf32, #tpu.memory_space<vmem_shared>>)
          tpu.yield
        }) : () -> ()
      } else {
      }
    }
    %scan3A_34 = arith.constant 13 : i32
    %barrier3A_35 = arith.constant 0 : index
    tpu.barrier barrier_id(%barrier3A_35)
    %mul3A_36 = arith.constant 640 : i32
    %mul3A_37 = arith.muli %arg1, %mul3A_36 : i32
    %mul3A_38 = arith.constant 640 : i32
    %mul3A_39 = arith.muli %arg1, %mul3A_38 : i32
    "tpu.region"() ({
      %run_scoped3A = tpu.sem_alloc : memref<!tpu.dma_semaphore, #tpu.memory_space<semaphore_mem>>
      %dma_start3A = arith.constant 0 : i32
      %dma_start3A_40 = tpu.memref_slice %arg4[%arg0, %mul3A_39, %dma_start3A] : memref<2x10240x128xf32, #tpu.memory_space<hbm>> -> memref<1x640x128xf32, #tpu.memory_space<hbm>>
      %dma_start3A_41 = tpu.memref_squeeze %dma_start3A_40 : memref<1x640x128xf32, #tpu.memory_space<hbm>> -> memref<640x128xf32, #tpu.memory_space<hbm>>
      %dma_start3A_42 = arith.constant 0 : i32
      %dma_start3A_43 = tpu.memref_slice %arg8[%mul3A_37, %dma_start3A_42] : memref<10240x128xf32, #tpu.memory_space<vmem_shared>> -> memref<640x128xf32, #tpu.memory_space<vmem_shared>>
      tpu.enqueue_dma source(%dma_start3A_43 : memref<640x128xf32, #tpu.memory_space<vmem_shared>>) target(%dma_start3A_41 : memref<640x128xf32, #tpu.memory_space<hbm>>) target_semaphore(%run_scoped3A : memref<!tpu.dma_semaphore, #tpu.memory_space<semaphore_mem>>)
      %dma_wait3A = arith.constant 0 : i32
      %dma_wait3A_44 = tpu.memref_slice %arg4[%arg0, %mul3A_39, %dma_wait3A] : memref<2x10240x128xf32, #tpu.memory_space<hbm>> -> memref<1x640x128xf32, #tpu.memory_space<hbm>>
      %dma_wait3A_45 = tpu.memref_squeeze %dma_wait3A_44 : memref<1x640x128xf32, #tpu.memory_space<hbm>> -> memref<640x128xf32, #tpu.memory_space<hbm>>
      %dma_wait3A_46 = arith.constant 0 : i32
      %dma_wait3A_47 = tpu.memref_slice %arg8[%mul3A_37, %dma_wait3A_46] : memref<10240x128xf32, #tpu.memory_space<vmem_shared>> -> memref<640x128xf32, #tpu.memory_space<vmem_shared>>
      tpu.wait_dma2 semaphore(%run_scoped3A : memref<!tpu.dma_semaphore, #tpu.memory_space<semaphore_mem>>) src(%dma_wait3A_47 : memref<640x128xf32, #tpu.memory_space<vmem_shared>>) dst(%dma_wait3A_45 : memref<640x128xf32, #tpu.memory_space<hbm>>)
      tpu.yield
    }) : () -> ()
    return
  }
}

#map = affine_map<(d0, d1) -> (0, 0, 0)>
module attributes {stable_mosaic.version = 14 : i64} {
  func.func @_scatter_body(%arg0: i32, %arg1: i32, %arg2: memref<200x128x128xf32, #tpu.memory_space<hbm>>, %arg3: memref<32x8x128xi32, #tpu.memory_space<hbm>>, %arg4: memref<2x10240x128xf32, #tpu.memory_space<hbm>>, %arg5: memref<8x128xi32, #tpu.memory_space<vmem>>, %arg6: memref<128x128xf32, #tpu.memory_space<vmem>>, %arg7: memref<128x128xf32, #tpu.memory_space<vmem>>, %arg8: memref<10240x128xf32, #tpu.memory_space<vmem_shared>>, %arg9: memref<!tpu.dma_semaphore, #tpu.memory_space<semaphore_mem>>, %arg10: memref<!tpu.dma_semaphore, #tpu.memory_space<semaphore_mem>>) attributes {dimension_semantics = [#tpu.dimension_semantics<core_parallel>, #tpu.dimension_semantics<subcore_parallel>], iteration_bounds = array<i64: 2, 16>, scalar_prefetch = 0 : i64, scratch_operands = 6 : i64, tpu.core_type = #tpu.core_type<sc_vector_subcore>, window_params = [{transform_indices = #map}, {transform_indices = #map}, {transform_indices = #map}]} {
    %mul3A = arith.constant 2 : i32
    %mul3A_0 = arith.muli %arg1, %mul3A : i32
    %add3A = arith.addi %mul3A_0, %arg0 : i32
    "tpu.region"() ({
      %run_scoped3A = tpu.sem_alloc : memref<!tpu.dma_semaphore, #tpu.memory_space<semaphore_mem>>
      %dma_start3A = arith.constant 0 : i32
      %dma_start3A_40 = arith.constant 0 : i32
      %dma_start3A_41 = tpu.memref_slice %arg3[%add3A, %dma_start3A, %dma_start3A_40] : memref<32x8x128xi32, #tpu.memory_space<hbm>> -> memref<1x8x128xi32, #tpu.memory_space<hbm>>
      %dma_start3A_42 = tpu.memref_squeeze %dma_start3A_41 : memref<1x8x128xi32, #tpu.memory_space<hbm>> -> memref<8x128xi32, #tpu.memory_space<hbm>>
      %dma_start3A_43 = arith.constant 0 : i32
      %dma_start3A_44 = arith.constant 0 : i32
      %dma_start3A_45 = tpu.memref_slice %arg3[%add3A, %dma_start3A_43, %dma_start3A_44] : memref<32x8x128xi32, #tpu.memory_space<hbm>> -> memref<1x8x128xi32, #tpu.memory_space<hbm>>
      %dma_start3A_46 = tpu.memref_squeeze %dma_start3A_45 : memref<1x8x128xi32, #tpu.memory_space<hbm>> -> memref<8x128xi32, #tpu.memory_space<hbm>>
      tpu.enqueue_dma source(%dma_start3A_46 : memref<8x128xi32, #tpu.memory_space<hbm>>) target(%arg5 : memref<8x128xi32, #tpu.memory_space<vmem>>) target_semaphore(%run_scoped3A : memref<!tpu.dma_semaphore, #tpu.memory_space<semaphore_mem>>)
      %dma_wait3A = arith.constant 0 : i32
      %dma_wait3A_47 = arith.constant 0 : i32
      %dma_wait3A_48 = tpu.memref_slice %arg3[%add3A, %dma_wait3A, %dma_wait3A_47] : memref<32x8x128xi32, #tpu.memory_space<hbm>> -> memref<1x8x128xi32, #tpu.memory_space<hbm>>
      %dma_wait3A_49 = tpu.memref_squeeze %dma_wait3A_48 : memref<1x8x128xi32, #tpu.memory_space<hbm>> -> memref<8x128xi32, #tpu.memory_space<hbm>>
      %dma_wait3A_50 = arith.constant 0 : i32
      %dma_wait3A_51 = arith.constant 0 : i32
      %dma_wait3A_52 = tpu.memref_slice %arg3[%add3A, %dma_wait3A_50, %dma_wait3A_51] : memref<32x8x128xi32, #tpu.memory_space<hbm>> -> memref<1x8x128xi32, #tpu.memory_space<hbm>>
      %dma_wait3A_53 = tpu.memref_squeeze %dma_wait3A_52 : memref<1x8x128xi32, #tpu.memory_space<hbm>> -> memref<8x128xi32, #tpu.memory_space<hbm>>
      tpu.wait_dma2 semaphore(%run_scoped3A : memref<!tpu.dma_semaphore, #tpu.memory_space<semaphore_mem>>) src(%dma_wait3A_53 : memref<8x128xi32, #tpu.memory_space<hbm>>) dst(%arg5 : memref<8x128xi32, #tpu.memory_space<vmem>>)
      tpu.yield
    }) : () -> ()
    %broadcast_in_dim3A = arith.constant 0.000000e+00 : f32
    %broadcast_in_dim3A_1 = vector.broadcast %broadcast_in_dim3A : f32 to vector<16xf32>
    %scan3A = arith.constant 0 : i32
    %scan3A_2 = arith.constant 128 : i32
    %scan3A_3 = arith.addi %scan3A, %scan3A_2 : i32
    %scan3A_4 = arith.constant 1 : i32
    scf.for %scan3A_40 = %scan3A to %scan3A_3 step %scan3A_4  : i32 {
      %mul3A_41 = arith.constant 1 : i32
      %mul3A_42 = arith.muli %scan3A_40, %mul3A_41 : i32
      %add3A_43 = arith.constant 0 : i32
      %add3A_44 = arith.addi %add3A_43, %mul3A_42 : i32
      %swap3A = arith.index_cast %add3A_44 : i32 to index
      %swap3A_45 = arith.constant 0 : index
      %swap3A_46 = tpu.vector_load %arg6[%swap3A, %swap3A_45] {strides = array<i32>} : memref<128x128xf32, #tpu.memory_space<vmem>>, vector<1x16xf32>,
      %swap3A_47 = vector.shape_cast %swap3A_46 : vector<1x16xf32> to vector<16xf32>
      %swap3A_48 = vector.shape_cast %broadcast_in_dim3A_1 : vector<16xf32> to vector<1x16xf32>
      tpu.vector_store %arg6[%swap3A, %swap3A_45], %swap3A_48 {strides = array<i32>} : memref<128x128xf32, #tpu.memory_space<vmem>>, vector<1x16xf32>,
      %swap3A_49 = arith.index_cast %add3A_44 : i32 to index
      %swap3A_50 = arith.constant 16 : index
      %swap3A_51 = tpu.vector_load %arg6[%swap3A_49, %swap3A_50] {strides = array<i32>} : memref<128x128xf32, #tpu.memory_space<vmem>>, vector<1x16xf32>,
      %swap3A_52 = vector.shape_cast %swap3A_51 : vector<1x16xf32> to vector<16xf32>
      %swap3A_53 = vector.shape_cast %broadcast_in_dim3A_1 : vector<16xf32> to vector<1x16xf32>
      tpu.vector_store %arg6[%swap3A_49, %swap3A_50], %swap3A_53 {strides = array<i32>} : memref<128x128xf32, #tpu.memory_space<vmem>>, vector<1x16xf32>,
      %swap3A_54 = arith.index_cast %add3A_44 : i32 to index
      %swap3A_55 = arith.constant 32 : index
      %swap3A_56 = tpu.vector_load %arg6[%swap3A_54, %swap3A_55] {strides = array<i32>} : memref<128x128xf32, #tpu.memory_space<vmem>>, vector<1x16xf32>,
      %swap3A_57 = vector.shape_cast %swap3A_56 : vector<1x16xf32> to vector<16xf32>
      %swap3A_58 = vector.shape_cast %broadcast_in_dim3A_1 : vector<16xf32> to vector<1x16xf32>
      tpu.vector_store %arg6[%swap3A_54, %swap3A_55], %swap3A_58 {strides = array<i32>} : memref<128x128xf32, #tpu.memory_space<vmem>>, vector<1x16xf32>,
      %swap3A_59 = arith.index_cast %add3A_44 : i32 to index
      %swap3A_60 = arith.constant 48 : index
      %swap3A_61 = tpu.vector_load %arg6[%swap3A_59, %swap3A_60] {strides = array<i32>} : memref<128x128xf32, #tpu.memory_space<vmem>>, vector<1x16xf32>,
      %swap3A_62 = vector.shape_cast %swap3A_61 : vector<1x16xf32> to vector<16xf32>
      %swap3A_63 = vector.shape_cast %broadcast_in_dim3A_1 : vector<16xf32> to vector<1x16xf32>
      tpu.vector_store %arg6[%swap3A_59, %swap3A_60], %swap3A_63 {strides = array<i32>} : memref<128x128xf32, #tpu.memory_space<vmem>>, vector<1x16xf32>,
      %swap3A_64 = arith.index_cast %add3A_44 : i32 to index
      %swap3A_65 = arith.constant 64 : index
      %swap3A_66 = tpu.vector_load %arg6[%swap3A_64, %swap3A_65] {strides = array<i32>} : memref<128x128xf32, #tpu.memory_space<vmem>>, vector<1x16xf32>,
      %swap3A_67 = vector.shape_cast %swap3A_66 : vector<1x16xf32> to vector<16xf32>
      %swap3A_68 = vector.shape_cast %broadcast_in_dim3A_1 : vector<16xf32> to vector<1x16xf32>
      tpu.vector_store %arg6[%swap3A_64, %swap3A_65], %swap3A_68 {strides = array<i32>} : memref<128x128xf32, #tpu.memory_space<vmem>>, vector<1x16xf32>,
      %swap3A_69 = arith.index_cast %add3A_44 : i32 to index
      %swap3A_70 = arith.constant 80 : index
      %swap3A_71 = tpu.vector_load %arg6[%swap3A_69, %swap3A_70] {strides = array<i32>} : memref<128x128xf32, #tpu.memory_space<vmem>>, vector<1x16xf32>,
      %swap3A_72 = vector.shape_cast %swap3A_71 : vector<1x16xf32> to vector<16xf32>
      %swap3A_73 = vector.shape_cast %broadcast_in_dim3A_1 : vector<16xf32> to vector<1x16xf32>
      tpu.vector_store %arg6[%swap3A_69, %swap3A_70], %swap3A_73 {strides = array<i32>} : memref<128x128xf32, #tpu.memory_space<vmem>>, vector<1x16xf32>,
      %swap3A_74 = arith.index_cast %add3A_44 : i32 to index
      %swap3A_75 = arith.constant 96 : index
      %swap3A_76 = tpu.vector_load %arg6[%swap3A_74, %swap3A_75] {strides = array<i32>} : memref<128x128xf32, #tpu.memory_space<vmem>>, vector<1x16xf32>,
      %swap3A_77 = vector.shape_cast %swap3A_76 : vector<1x16xf32> to vector<16xf32>
      %swap3A_78 = vector.shape_cast %broadcast_in_dim3A_1 : vector<16xf32> to vector<1x16xf32>
      tpu.vector_store %arg6[%swap3A_74, %swap3A_75], %swap3A_78 {strides = array<i32>} : memref<128x128xf32, #tpu.memory_space<vmem>>, vector<1x16xf32>,
      %swap3A_79 = arith.index_cast %add3A_44 : i32 to index
      %swap3A_80 = arith.constant 112 : index
      %swap3A_81 = tpu.vector_load %arg6[%swap3A_79, %swap3A_80] {strides = array<i32>} : memref<128x128xf32, #tpu.memory_space<vmem>>, vector<1x16xf32>,
      %swap3A_82 = vector.shape_cast %swap3A_81 : vector<1x16xf32> to vector<16xf32>
      %swap3A_83 = vector.shape_cast %broadcast_in_dim3A_1 : vector<16xf32> to vector<1x16xf32>
      tpu.vector_store %arg6[%swap3A_79, %swap3A_80], %swap3A_83 {strides = array<i32>} : memref<128x128xf32, #tpu.memory_space<vmem>>, vector<1x16xf32>,
    }
    %scan3A_5 = arith.constant 128 : i32
    %mul3A_6 = arith.constant 640 : i32
    %mul3A_7 = arith.muli %arg1, %mul3A_6 : i32
    %add3A_8 = arith.constant 0 : i32
    %add3A_9 = arith.addi %mul3A_7, %add3A_8 : i32
    "tpu.region"() ({
      %run_scoped3A = tpu.sem_alloc : memref<!tpu.dma_semaphore, #tpu.memory_space<semaphore_mem>>
      %dma_start3A = arith.constant 0 : i32
      %dma_start3A_40 = tpu.memref_slice %arg8[%add3A_9, %dma_start3A] : memref<10240x128xf32, #tpu.memory_space<vmem_shared>> -> memref<128x128xf32, #tpu.memory_space<vmem_shared>>
      %dma_start3A_41 = arith.constant 0 : i32
      %dma_start3A_42 = tpu.memref_slice %arg8[%add3A_9, %dma_start3A_41] : memref<10240x128xf32, #tpu.memory_space<vmem_shared>> -> memref<128x128xf32, #tpu.memory_space<vmem_shared>>
      tpu.enqueue_dma source(%arg6 : memref<128x128xf32, #tpu.memory_space<vmem>>) target(%dma_start3A_42 : memref<128x128xf32, #tpu.memory_space<vmem_shared>>) target_semaphore(%run_scoped3A : memref<!tpu.dma_semaphore, #tpu.memory_space<semaphore_mem>>)
      %dma_wait3A = arith.constant 0 : i32
      %dma_wait3A_43 = tpu.memref_slice %arg8[%add3A_9, %dma_wait3A] : memref<10240x128xf32, #tpu.memory_space<vmem_shared>> -> memref<128x128xf32, #tpu.memory_space<vmem_shared>>
      %dma_wait3A_44 = arith.constant 0 : i32
      %dma_wait3A_45 = tpu.memref_slice %arg8[%add3A_9, %dma_wait3A_44] : memref<10240x128xf32, #tpu.memory_space<vmem_shared>> -> memref<128x128xf32, #tpu.memory_space<vmem_shared>>
      tpu.wait_dma2 semaphore(%run_scoped3A : memref<!tpu.dma_semaphore, #tpu.memory_space<semaphore_mem>>) src(%arg6 : memref<128x128xf32, #tpu.memory_space<vmem>>) dst(%dma_wait3A_45 : memref<128x128xf32, #tpu.memory_space<vmem_shared>>)
      tpu.yield
    }) : () -> ()
    %mul3A_10 = arith.constant 640 : i32
    %mul3A_11 = arith.muli %arg1, %mul3A_10 : i32
    %add3A_12 = arith.constant 128 : i32
    %add3A_13 = arith.addi %mul3A_11, %add3A_12 : i32
    "tpu.region"() ({
      %run_scoped3A = tpu.sem_alloc : memref<!tpu.dma_semaphore, #tpu.memory_space<semaphore_mem>>
      %dma_start3A = arith.constant 0 : i32
      %dma_start3A_40 = tpu.memref_slice %arg8[%add3A_13, %dma_start3A] : memref<10240x128xf32, #tpu.memory_space<vmem_shared>> -> memref<128x128xf32, #tpu.memory_space<vmem_shared>>
      %dma_start3A_41 = arith.constant 0 : i32
      %dma_start3A_42 = tpu.memref_slice %arg8[%add3A_13, %dma_start3A_41] : memref<10240x128xf32, #tpu.memory_space<vmem_shared>> -> memref<128x128xf32, #tpu.memory_space<vmem_shared>>
      tpu.enqueue_dma source(%arg6 : memref<128x128xf32, #tpu.memory_space<vmem>>) target(%dma_start3A_42 : memref<128x128xf32, #tpu.memory_space<vmem_shared>>) target_semaphore(%run_scoped3A : memref<!tpu.dma_semaphore, #tpu.memory_space<semaphore_mem>>)
      %dma_wait3A = arith.constant 0 : i32
      %dma_wait3A_43 = tpu.memref_slice %arg8[%add3A_13, %dma_wait3A] : memref<10240x128xf32, #tpu.memory_space<vmem_shared>> -> memref<128x128xf32, #tpu.memory_space<vmem_shared>>
      %dma_wait3A_44 = arith.constant 0 : i32
      %dma_wait3A_45 = tpu.memref_slice %arg8[%add3A_13, %dma_wait3A_44] : memref<10240x128xf32, #tpu.memory_space<vmem_shared>> -> memref<128x128xf32, #tpu.memory_space<vmem_shared>>
      tpu.wait_dma2 semaphore(%run_scoped3A : memref<!tpu.dma_semaphore, #tpu.memory_space<semaphore_mem>>) src(%arg6 : memref<128x128xf32, #tpu.memory_space<vmem>>) dst(%dma_wait3A_45 : memref<128x128xf32, #tpu.memory_space<vmem_shared>>)
      tpu.yield
    }) : () -> ()
    %mul3A_14 = arith.constant 640 : i32
    %mul3A_15 = arith.muli %arg1, %mul3A_14 : i32
    %add3A_16 = arith.constant 256 : i32
    %add3A_17 = arith.addi %mul3A_15, %add3A_16 : i32
    "tpu.region"() ({
      %run_scoped3A = tpu.sem_alloc : memref<!tpu.dma_semaphore, #tpu.memory_space<semaphore_mem>>
      %dma_start3A = arith.constant 0 : i32
      %dma_start3A_40 = tpu.memref_slice %arg8[%add3A_17, %dma_start3A] : memref<10240x128xf32, #tpu.memory_space<vmem_shared>> -> memref<128x128xf32, #tpu.memory_space<vmem_shared>>
      %dma_start3A_41 = arith.constant 0 : i32
      %dma_start3A_42 = tpu.memref_slice %arg8[%add3A_17, %dma_start3A_41] : memref<10240x128xf32, #tpu.memory_space<vmem_shared>> -> memref<128x128xf32, #tpu.memory_space<vmem_shared>>
      tpu.enqueue_dma source(%arg6 : memref<128x128xf32, #tpu.memory_space<vmem>>) target(%dma_start3A_42 : memref<128x128xf32, #tpu.memory_space<vmem_shared>>) target_semaphore(%run_scoped3A : memref<!tpu.dma_semaphore, #tpu.memory_space<semaphore_mem>>)
      %dma_wait3A = arith.constant 0 : i32
      %dma_wait3A_43 = tpu.memref_slice %arg8[%add3A_17, %dma_wait3A] : memref<10240x128xf32, #tpu.memory_space<vmem_shared>> -> memref<128x128xf32, #tpu.memory_space<vmem_shared>>
      %dma_wait3A_44 = arith.constant 0 : i32
      %dma_wait3A_45 = tpu.memref_slice %arg8[%add3A_17, %dma_wait3A_44] : memref<10240x128xf32, #tpu.memory_space<vmem_shared>> -> memref<128x128xf32, #tpu.memory_space<vmem_shared>>
      tpu.wait_dma2 semaphore(%run_scoped3A : memref<!tpu.dma_semaphore, #tpu.memory_space<semaphore_mem>>) src(%arg6 : memref<128x128xf32, #tpu.memory_space<vmem>>) dst(%dma_wait3A_45 : memref<128x128xf32, #tpu.memory_space<vmem_shared>>)
      tpu.yield
    }) : () -> ()
    %mul3A_18 = arith.constant 640 : i32
    %mul3A_19 = arith.muli %arg1, %mul3A_18 : i32
    %add3A_20 = arith.constant 384 : i32
    %add3A_21 = arith.addi %mul3A_19, %add3A_20 : i32
    "tpu.region"() ({
      %run_scoped3A = tpu.sem_alloc : memref<!tpu.dma_semaphore, #tpu.memory_space<semaphore_mem>>
      %dma_start3A = arith.constant 0 : i32
      %dma_start3A_40 = tpu.memref_slice %arg8[%add3A_21, %dma_start3A] : memref<10240x128xf32, #tpu.memory_space<vmem_shared>> -> memref<128x128xf32, #tpu.memory_space<vmem_shared>>
      %dma_start3A_41 = arith.constant 0 : i32
      %dma_start3A_42 = tpu.memref_slice %arg8[%add3A_21, %dma_start3A_41] : memref<10240x128xf32, #tpu.memory_space<vmem_shared>> -> memref<128x128xf32, #tpu.memory_space<vmem_shared>>
      tpu.enqueue_dma source(%arg6 : memref<128x128xf32, #tpu.memory_space<vmem>>) target(%dma_start3A_42 : memref<128x128xf32, #tpu.memory_space<vmem_shared>>) target_semaphore(%run_scoped3A : memref<!tpu.dma_semaphore, #tpu.memory_space<semaphore_mem>>)
      %dma_wait3A = arith.constant 0 : i32
      %dma_wait3A_43 = tpu.memref_slice %arg8[%add3A_21, %dma_wait3A] : memref<10240x128xf32, #tpu.memory_space<vmem_shared>> -> memref<128x128xf32, #tpu.memory_space<vmem_shared>>
      %dma_wait3A_44 = arith.constant 0 : i32
      %dma_wait3A_45 = tpu.memref_slice %arg8[%add3A_21, %dma_wait3A_44] : memref<10240x128xf32, #tpu.memory_space<vmem_shared>> -> memref<128x128xf32, #tpu.memory_space<vmem_shared>>
      tpu.wait_dma2 semaphore(%run_scoped3A : memref<!tpu.dma_semaphore, #tpu.memory_space<semaphore_mem>>) src(%arg6 : memref<128x128xf32, #tpu.memory_space<vmem>>) dst(%dma_wait3A_45 : memref<128x128xf32, #tpu.memory_space<vmem_shared>>)
      tpu.yield
    }) : () -> ()
    %mul3A_22 = arith.constant 640 : i32
    %mul3A_23 = arith.muli %arg1, %mul3A_22 : i32
    %add3A_24 = arith.constant 512 : i32
    %add3A_25 = arith.addi %mul3A_23, %add3A_24 : i32
    "tpu.region"() ({
      %run_scoped3A = tpu.sem_alloc : memref<!tpu.dma_semaphore, #tpu.memory_space<semaphore_mem>>
      %dma_start3A = arith.constant 0 : i32
      %dma_start3A_40 = tpu.memref_slice %arg8[%add3A_25, %dma_start3A] : memref<10240x128xf32, #tpu.memory_space<vmem_shared>> -> memref<128x128xf32, #tpu.memory_space<vmem_shared>>
      %dma_start3A_41 = arith.constant 0 : i32
      %dma_start3A_42 = tpu.memref_slice %arg8[%add3A_25, %dma_start3A_41] : memref<10240x128xf32, #tpu.memory_space<vmem_shared>> -> memref<128x128xf32, #tpu.memory_space<vmem_shared>>
      tpu.enqueue_dma source(%arg6 : memref<128x128xf32, #tpu.memory_space<vmem>>) target(%dma_start3A_42 : memref<128x128xf32, #tpu.memory_space<vmem_shared>>) target_semaphore(%run_scoped3A : memref<!tpu.dma_semaphore, #tpu.memory_space<semaphore_mem>>)
      %dma_wait3A = arith.constant 0 : i32
      %dma_wait3A_43 = tpu.memref_slice %arg8[%add3A_25, %dma_wait3A] : memref<10240x128xf32, #tpu.memory_space<vmem_shared>> -> memref<128x128xf32, #tpu.memory_space<vmem_shared>>
      %dma_wait3A_44 = arith.constant 0 : i32
      %dma_wait3A_45 = tpu.memref_slice %arg8[%add3A_25, %dma_wait3A_44] : memref<10240x128xf32, #tpu.memory_space<vmem_shared>> -> memref<128x128xf32, #tpu.memory_space<vmem_shared>>
      tpu.wait_dma2 semaphore(%run_scoped3A : memref<!tpu.dma_semaphore, #tpu.memory_space<semaphore_mem>>) src(%arg6 : memref<128x128xf32, #tpu.memory_space<vmem>>) dst(%dma_wait3A_45 : memref<128x128xf32, #tpu.memory_space<vmem_shared>>)
      tpu.yield
    }) : () -> ()
    %barrier3A = arith.constant 0 : index
    tpu.barrier barrier_id(%barrier3A)
    %add3A_26 = arith.constant 0 : i32
    %add3A_27 = arith.addi %add3A, %add3A_26 : i32
    %lt3A = arith.constant 200 : i32
    %lt3A_28 = arith.cmpi slt, %add3A_27, %lt3A : i32
    %convert_element_type3A = arith.extui %lt3A_28 : i1 to i32
    %cond3A = arith.constant 0 : i32
    %cond3A_29 = arith.cmpi ne, %convert_element_type3A, %cond3A : i32
    scf.if %cond3A_29 {
      %dma_start3A = arith.constant 0 : i32
      %dma_start3A_40 = arith.constant 0 : i32
      %dma_start3A_41 = tpu.memref_slice %arg2[%add3A_27, %dma_start3A, %dma_start3A_40] : memref<200x128x128xf32, #tpu.memory_space<hbm>> -> memref<1x128x128xf32, #tpu.memory_space<hbm>>
      %dma_start3A_42 = tpu.memref_squeeze %dma_start3A_41 : memref<1x128x128xf32, #tpu.memory_space<hbm>> -> memref<128x128xf32, #tpu.memory_space<hbm>>
      %dma_start3A_43 = arith.constant 0 : i32
      %dma_start3A_44 = arith.constant 0 : i32
      %dma_start3A_45 = tpu.memref_slice %arg2[%add3A_27, %dma_start3A_43, %dma_start3A_44] : memref<200x128x128xf32, #tpu.memory_space<hbm>> -> memref<1x128x128xf32, #tpu.memory_space<hbm>>
      %dma_start3A_46 = tpu.memref_squeeze %dma_start3A_45 : memref<1x128x128xf32, #tpu.memory_space<hbm>> -> memref<128x128xf32, #tpu.memory_space<hbm>>
      tpu.enqueue_dma source(%dma_start3A_46 : memref<128x128xf32, #tpu.memory_space<hbm>>) target(%arg6 : memref<128x128xf32, #tpu.memory_space<vmem>>) target_semaphore(%arg9 : memref<!tpu.dma_semaphore, #tpu.memory_space<semaphore_mem>>)
    } else {
    }
    %scan3A_30 = arith.constant 0 : i32
    %scan3A_31 = arith.constant 4 : i32
    %scan3A_32 = arith.addi %scan3A_30, %scan3A_31 : i32
    %scan3A_33 = arith.constant 1 : i32
    scf.for %scan3A_40 = %scan3A_30 to %scan3A_32 step %scan3A_33  : i32 {
      %mul3A_41 = arith.constant 2 : i32
      %mul3A_42 = arith.muli %scan3A_40, %mul3A_41 : i32
      %add3A_43 = arith.constant 0 : i32
      %add3A_44 = arith.addi %add3A_43, %mul3A_42 : i32
      %add3A_45 = arith.constant 1 : i32
      %add3A_46 = arith.addi %add3A_44, %add3A_45 : i32
      %mul3A_47 = arith.constant 32 : i32
      %mul3A_48 = arith.muli %mul3A_47, %add3A_46 : i32
      %add3A_49 = arith.addi %add3A, %mul3A_48 : i32
      %lt3A_50 = arith.constant 200 : i32
      %lt3A_51 = arith.cmpi slt, %add3A_49, %lt3A_50 : i32
      %convert_element_type3A_52 = arith.extui %lt3A_51 : i1 to i32
      %cond3A_53 = arith.constant 0 : i32
      %cond3A_54 = arith.cmpi ne, %convert_element_type3A_52, %cond3A_53 : i32
      scf.if %cond3A_54 {
        %dma_start3A = arith.constant 0 : i32
        %dma_start3A_83 = arith.constant 0 : i32
        %dma_start3A_84 = tpu.memref_slice %arg2[%add3A_49, %dma_start3A, %dma_start3A_83] : memref<200x128x128xf32, #tpu.memory_space<hbm>> -> memref<1x128x128xf32, #tpu.memory_space<hbm>>
        %dma_start3A_85 = tpu.memref_squeeze %dma_start3A_84 : memref<1x128x128xf32, #tpu.memory_space<hbm>> -> memref<128x128xf32, #tpu.memory_space<hbm>>
        %dma_start3A_86 = arith.constant 0 : i32
        %dma_start3A_87 = arith.constant 0 : i32
        %dma_start3A_88 = tpu.memref_slice %arg2[%add3A_49, %dma_start3A_86, %dma_start3A_87] : memref<200x128x128xf32, #tpu.memory_space<hbm>> -> memref<1x128x128xf32, #tpu.memory_space<hbm>>
        %dma_start3A_89 = tpu.memref_squeeze %dma_start3A_88 : memref<1x128x128xf32, #tpu.memory_space<hbm>> -> memref<128x128xf32, #tpu.memory_space<hbm>>
        tpu.enqueue_dma source(%dma_start3A_89 : memref<128x128xf32, #tpu.memory_space<hbm>>) target(%arg7 : memref<128x128xf32, #tpu.memory_space<vmem>>) target_semaphore(%arg10 : memref<!tpu.dma_semaphore, #tpu.memory_space<semaphore_mem>>)
      } else {
      }
      %mul3A_55 = arith.constant 32 : i32
      %mul3A_56 = arith.muli %mul3A_55, %add3A_44 : i32
      %add3A_57 = arith.addi %add3A, %mul3A_56 : i32
      %lt3A_58 = arith.constant 200 : i32
      %lt3A_59 = arith.cmpi slt, %add3A_57, %lt3A_58 : i32
      %convert_element_type3A_60 = arith.extui %lt3A_59 : i1 to i32
      %cond3A_61 = arith.constant 0 : i32
      %cond3A_62 = arith.cmpi ne, %convert_element_type3A_60, %cond3A_61 : i32
      scf.if %cond3A_62 {
        %dma_wait3A = arith.constant 0 : i32
        %dma_wait3A_83 = arith.constant 0 : i32
        %dma_wait3A_84 = tpu.memref_slice %arg2[%add3A_57, %dma_wait3A, %dma_wait3A_83] : memref<200x128x128xf32, #tpu.memory_space<hbm>> -> memref<1x128x128xf32, #tpu.memory_space<hbm>>
        %dma_wait3A_85 = tpu.memref_squeeze %dma_wait3A_84 : memref<1x128x128xf32, #tpu.memory_space<hbm>> -> memref<128x128xf32, #tpu.memory_space<hbm>>
        %dma_wait3A_86 = arith.constant 0 : i32
        %dma_wait3A_87 = arith.constant 0 : i32
        %dma_wait3A_88 = tpu.memref_slice %arg2[%add3A_57, %dma_wait3A_86, %dma_wait3A_87] : memref<200x128x128xf32, #tpu.memory_space<hbm>> -> memref<1x128x128xf32, #tpu.memory_space<hbm>>
        %dma_wait3A_89 = tpu.memref_squeeze %dma_wait3A_88 : memref<1x128x128xf32, #tpu.memory_space<hbm>> -> memref<128x128xf32, #tpu.memory_space<hbm>>
        tpu.wait_dma2 semaphore(%arg9 : memref<!tpu.dma_semaphore, #tpu.memory_space<semaphore_mem>>) src(%dma_wait3A_89 : memref<128x128xf32, #tpu.memory_space<hbm>>) dst(%arg6 : memref<128x128xf32, #tpu.memory_space<vmem>>)
        "tpu.region"() ({
          %run_scoped3A = tpu.sem_alloc : memref<!tpu.dma_semaphore, #tpu.memory_space<semaphore_mem>>
          %dma_start3A = arith.constant 0 : i32
          %dma_start3A_90 = tpu.memref_slice %arg5[%add3A_44, %dma_start3A] : memref<8x128xi32, #tpu.memory_space<vmem>> -> memref<1x128xi32, #tpu.memory_space<vmem>>
          %dma_start3A_91 = tpu.memref_squeeze %dma_start3A_90 : memref<1x128xi32, #tpu.memory_space<vmem>> -> memref<128xi32, #tpu.memory_space<vmem>>
          %dma_start3A_92 = arith.constant 0 : i32
          %dma_start3A_93 = arith.constant 0 : i32
          %dma_start3A_94 = tpu.memref_slice %arg8[%dma_start3A_92, %dma_start3A_93] : memref<10240x128xf32, #tpu.memory_space<vmem_shared>> -> memref<10240x128xf32, #tpu.memory_space<vmem_shared>>
          tpu.enqueue_indirect_dma source(%arg6 : memref<128x128xf32, #tpu.memory_space<vmem>>) target(%dma_start3A_94 : memref<10240x128xf32, #tpu.memory_space<vmem_shared>>) offsets(%dma_start3A_91 : memref<128xi32, #tpu.memory_space<vmem>>) semaphore(%run_scoped3A : memref<!tpu.dma_semaphore, #tpu.memory_space<semaphore_mem>>) {add = true}
          %dma_wait3A_95 = arith.constant 0 : i32
          %dma_wait3A_96 = tpu.memref_slice %arg5[%add3A_44, %dma_wait3A_95] : memref<8x128xi32, #tpu.memory_space<vmem>> -> memref<1x128xi32, #tpu.memory_space<vmem>>
          %dma_wait3A_97 = tpu.memref_squeeze %dma_wait3A_96 : memref<1x128xi32, #tpu.memory_space<vmem>> -> memref<128xi32, #tpu.memory_space<vmem>>
          %dma_wait3A_98 = arith.constant 0 : i32
          %dma_wait3A_99 = arith.constant 0 : i32
          %dma_wait3A_100 = tpu.memref_slice %arg8[%dma_wait3A_98, %dma_wait3A_99] : memref<10240x128xf32, #tpu.memory_space<vmem_shared>> -> memref<10240x128xf32, #tpu.memory_space<vmem_shared>>
          tpu.wait_indirect_dma semaphore(%run_scoped3A : memref<!tpu.dma_semaphore, #tpu.memory_space<semaphore_mem>>) src(%arg6 : memref<128x128xf32, #tpu.memory_space<vmem>>) dst(%dma_wait3A_100 : memref<10240x128xf32, #tpu.memory_space<vmem_shared>>)
          tpu.yield
        }) : () -> ()
      } else {
      }
      %add3A_63 = arith.constant 2 : i32
      %add3A_64 = arith.addi %add3A_44, %add3A_63 : i32
      %mul3A_65 = arith.constant 32 : i32
      %mul3A_66 = arith.muli %mul3A_65, %add3A_64 : i32
      %add3A_67 = arith.addi %add3A, %mul3A_66 : i32
      %lt3A_68 = arith.constant 200 : i32
      %lt3A_69 = arith.cmpi slt, %add3A_67, %lt3A_68 : i32
      %convert_element_type3A_70 = arith.extui %lt3A_69 : i1 to i32
      %cond3A_71 = arith.constant 0 : i32
      %cond3A_72 = arith.cmpi ne, %convert_element_type3A_70, %cond3A_71 : i32
      scf.if %cond3A_72 {
        %dma_start3A = arith.constant 0 : i32
        %dma_start3A_83 = arith.constant 0 : i32
        %dma_start3A_84 = tpu.memref_slice %arg2[%add3A_67, %dma_start3A, %dma_start3A_83] : memref<200x128x128xf32, #tpu.memory_space<hbm>> -> memref<1x128x128xf32, #tpu.memory_space<hbm>>
        %dma_start3A_85 = tpu.memref_squeeze %dma_start3A_84 : memref<1x128x128xf32, #tpu.memory_space<hbm>> -> memref<128x128xf32, #tpu.memory_space<hbm>>
        %dma_start3A_86 = arith.constant 0 : i32
        %dma_start3A_87 = arith.constant 0 : i32
        %dma_start3A_88 = tpu.memref_slice %arg2[%add3A_67, %dma_start3A_86, %dma_start3A_87] : memref<200x128x128xf32, #tpu.memory_space<hbm>> -> memref<1x128x128xf32, #tpu.memory_space<hbm>>
        %dma_start3A_89 = tpu.memref_squeeze %dma_start3A_88 : memref<1x128x128xf32, #tpu.memory_space<hbm>> -> memref<128x128xf32, #tpu.memory_space<hbm>>
        tpu.enqueue_dma source(%dma_start3A_89 : memref<128x128xf32, #tpu.memory_space<hbm>>) target(%arg6 : memref<128x128xf32, #tpu.memory_space<vmem>>) target_semaphore(%arg9 : memref<!tpu.dma_semaphore, #tpu.memory_space<semaphore_mem>>)
      } else {
      }
      %add3A_73 = arith.constant 1 : i32
      %add3A_74 = arith.addi %add3A_44, %add3A_73 : i32
      %mul3A_75 = arith.constant 32 : i32
      %mul3A_76 = arith.muli %mul3A_75, %add3A_74 : i32
      %add3A_77 = arith.addi %add3A, %mul3A_76 : i32
      %lt3A_78 = arith.constant 200 : i32
      %lt3A_79 = arith.cmpi slt, %add3A_77, %lt3A_78 : i32
      %convert_element_type3A_80 = arith.extui %lt3A_79 : i1 to i32
      %cond3A_81 = arith.constant 0 : i32
      %cond3A_82 = arith.cmpi ne, %convert_element_type3A_80, %cond3A_81 : i32
      scf.if %cond3A_82 {
        %dma_wait3A = arith.constant 0 : i32
        %dma_wait3A_83 = arith.constant 0 : i32
        %dma_wait3A_84 = tpu.memref_slice %arg2[%add3A_77, %dma_wait3A, %dma_wait3A_83] : memref<200x128x128xf32, #tpu.memory_space<hbm>> -> memref<1x128x128xf32, #tpu.memory_space<hbm>>
        %dma_wait3A_85 = tpu.memref_squeeze %dma_wait3A_84 : memref<1x128x128xf32, #tpu.memory_space<hbm>> -> memref<128x128xf32, #tpu.memory_space<hbm>>
        %dma_wait3A_86 = arith.constant 0 : i32
        %dma_wait3A_87 = arith.constant 0 : i32
        %dma_wait3A_88 = tpu.memref_slice %arg2[%add3A_77, %dma_wait3A_86, %dma_wait3A_87] : memref<200x128x128xf32, #tpu.memory_space<hbm>> -> memref<1x128x128xf32, #tpu.memory_space<hbm>>
        %dma_wait3A_89 = tpu.memref_squeeze %dma_wait3A_88 : memref<1x128x128xf32, #tpu.memory_space<hbm>> -> memref<128x128xf32, #tpu.memory_space<hbm>>
        tpu.wait_dma2 semaphore(%arg10 : memref<!tpu.dma_semaphore, #tpu.memory_space<semaphore_mem>>) src(%dma_wait3A_89 : memref<128x128xf32, #tpu.memory_space<hbm>>) dst(%arg7 : memref<128x128xf32, #tpu.memory_space<vmem>>)
        "tpu.region"() ({
          %run_scoped3A = tpu.sem_alloc : memref<!tpu.dma_semaphore, #tpu.memory_space<semaphore_mem>>
          %dma_start3A = arith.constant 0 : i32
          %dma_start3A_90 = tpu.memref_slice %arg5[%add3A_74, %dma_start3A] : memref<8x128xi32, #tpu.memory_space<vmem>> -> memref<1x128xi32, #tpu.memory_space<vmem>>
          %dma_start3A_91 = tpu.memref_squeeze %dma_start3A_90 : memref<1x128xi32, #tpu.memory_space<vmem>> -> memref<128xi32, #tpu.memory_space<vmem>>
          %dma_start3A_92 = arith.constant 0 : i32
          %dma_start3A_93 = arith.constant 0 : i32
          %dma_start3A_94 = tpu.memref_slice %arg8[%dma_start3A_92, %dma_start3A_93] : memref<10240x128xf32, #tpu.memory_space<vmem_shared>> -> memref<10240x128xf32, #tpu.memory_space<vmem_shared>>
          tpu.enqueue_indirect_dma source(%arg7 : memref<128x128xf32, #tpu.memory_space<vmem>>) target(%dma_start3A_94 : memref<10240x128xf32, #tpu.memory_space<vmem_shared>>) offsets(%dma_start3A_91 : memref<128xi32, #tpu.memory_space<vmem>>) semaphore(%run_scoped3A : memref<!tpu.dma_semaphore, #tpu.memory_space<semaphore_mem>>) {add = true}
          %dma_wait3A_95 = arith.constant 0 : i32
          %dma_wait3A_96 = tpu.memref_slice %arg5[%add3A_74, %dma_wait3A_95] : memref<8x128xi32, #tpu.memory_space<vmem>> -> memref<1x128xi32, #tpu.memory_space<vmem>>
          %dma_wait3A_97 = tpu.memref_squeeze %dma_wait3A_96 : memref<1x128xi32, #tpu.memory_space<vmem>> -> memref<128xi32, #tpu.memory_space<vmem>>
          %dma_wait3A_98 = arith.constant 0 : i32
          %dma_wait3A_99 = arith.constant 0 : i32
          %dma_wait3A_100 = tpu.memref_slice %arg8[%dma_wait3A_98, %dma_wait3A_99] : memref<10240x128xf32, #tpu.memory_space<vmem_shared>> -> memref<10240x128xf32, #tpu.memory_space<vmem_shared>>
          tpu.wait_indirect_dma semaphore(%run_scoped3A : memref<!tpu.dma_semaphore, #tpu.memory_space<semaphore_mem>>) src(%arg7 : memref<128x128xf32, #tpu.memory_space<vmem>>) dst(%dma_wait3A_100 : memref<10240x128xf32, #tpu.memory_space<vmem_shared>>)
          tpu.yield
        }) : () -> ()
      } else {
      }
    }
    %scan3A_34 = arith.constant 4 : i32
    %barrier3A_35 = arith.constant 0 : index
    tpu.barrier barrier_id(%barrier3A_35)
    %mul3A_36 = arith.constant 640 : i32
    %mul3A_37 = arith.muli %arg1, %mul3A_36 : i32
    %mul3A_38 = arith.constant 640 : i32
    %mul3A_39 = arith.muli %arg1, %mul3A_38 : i32
    "tpu.region"() ({
      %run_scoped3A = tpu.sem_alloc : memref<!tpu.dma_semaphore, #tpu.memory_space<semaphore_mem>>
      %dma_start3A = arith.constant 0 : i32
      %dma_start3A_40 = tpu.memref_slice %arg4[%arg0, %mul3A_39, %dma_start3A] : memref<2x10240x128xf32, #tpu.memory_space<hbm>> -> memref<1x640x128xf32, #tpu.memory_space<hbm>>
      %dma_start3A_41 = tpu.memref_squeeze %dma_start3A_40 : memref<1x640x128xf32, #tpu.memory_space<hbm>> -> memref<640x128xf32, #tpu.memory_space<hbm>>
      %dma_start3A_42 = arith.constant 0 : i32
      %dma_start3A_43 = tpu.memref_slice %arg8[%mul3A_37, %dma_start3A_42] : memref<10240x128xf32, #tpu.memory_space<vmem_shared>> -> memref<640x128xf32, #tpu.memory_space<vmem_shared>>
      tpu.enqueue_dma source(%dma_start3A_43 : memref<640x128xf32, #tpu.memory_space<vmem_shared>>) target(%dma_start3A_41 : memref<640x128xf32, #tpu.memory_space<hbm>>) target_semaphore(%run_scoped3A : memref<!tpu.dma_semaphore, #tpu.memory_space<semaphore_mem>>)
      %dma_wait3A = arith.constant 0 : i32
      %dma_wait3A_44 = tpu.memref_slice %arg4[%arg0, %mul3A_39, %dma_wait3A] : memref<2x10240x128xf32, #tpu.memory_space<hbm>> -> memref<1x640x128xf32, #tpu.memory_space<hbm>>
      %dma_wait3A_45 = tpu.memref_squeeze %dma_wait3A_44 : memref<1x640x128xf32, #tpu.memory_space<hbm>> -> memref<640x128xf32, #tpu.memory_space<hbm>>
      %dma_wait3A_46 = arith.constant 0 : i32
      %dma_wait3A_47 = tpu.memref_slice %arg8[%mul3A_37, %dma_wait3A_46] : memref<10240x128xf32, #tpu.memory_space<vmem_shared>> -> memref<640x128xf32, #tpu.memory_space<vmem_shared>>
      tpu.wait_dma2 semaphore(%run_scoped3A : memref<!tpu.dma_semaphore, #tpu.memory_space<semaphore_mem>>) src(%dma_wait3A_47 : memref<640x128xf32, #tpu.memory_space<vmem_shared>>) dst(%dma_wait3A_45 : memref<640x128xf32, #tpu.memory_space<hbm>>)
      tpu.yield
    }) : () -> ()
    return
  }
}

module attributes {stable_mosaic.version = 14 : i64} {
  func.func @_edge_body(%arg0: i32, %arg1: memref<16x12800xf32, #tpu.memory_space<vmem>>, %arg2: memref<12800x128xf32, #tpu.memory_space<vmem>>, %arg3: memref<16x128xf32, #tpu.memory_space<vmem>>, %arg4: memref<12800x128xf32, #tpu.memory_space<vmem>>) attributes {dimension_semantics = [#tpu.dimension_semantics<arbitrary>], iteration_bounds = array<i64: 2>, scalar_prefetch = 0 : i64, scratch_operands = 0 : i64, tpu.core_type = #tpu.core_type<tc>, window_params = [{transform_indices = @transform_0, window_bounds = array<i64: 16, 12800>}, {transform_indices = @transform_1, window_bounds = array<i64: 12800, 128>}, {pipeline_mode = #tpu.pipeline_mode<synchronous>, transform_indices = @transform_2, window_bounds = array<i64: 16, 128>}, {transform_indices = @transform_3, window_bounds = array<i64: 12800, 128>}]} {
    %get3A = arith.constant 0 : index
    %get3A_0 = arith.constant 0 : index
    %get3A_1 = vector.load %arg1[%get3A, %get3A_0] : memref<16x12800xf32, #tpu.memory_space<vmem>>, vector<16x12800xf32>
    %get3A_2 = arith.constant 0 : index
    %get3A_3 = arith.constant 0 : index
    %get3A_4 = vector.load %arg3[%get3A_2, %get3A_3] : memref<16x128xf32, #tpu.memory_space<vmem>>, vector<16x128xf32>
    %dot_general3A = arith.constant dense<0.000000e+00> : vector<12800x128xf32>
    %dot_general3A_5 = tpu.matmul %get3A_1, %get3A_4, %dot_general3A {dimension_numbers = #tpu.dot_dimension_numbers<[0], [0], [1], [1], [0, 1, 1, 1], [], []>, transpose_lhs_hint = false} : vector<16x12800xf32>, vector<16x128xf32>, vector<12800x128xf32> -> vector<12800x128xf32>
    %get3A_6 = arith.constant 0 : index
    %get3A_7 = arith.constant 0 : index
    %get3A_8 = vector.load %arg2[%get3A_6, %get3A_7] : memref<12800x128xf32, #tpu.memory_space<vmem>>, vector<12800x128xf32>
    %mul3A = arith.mulf %dot_general3A_5, %get3A_8 : vector<12800x128xf32>
    %swap3A = arith.constant 0 : index
    %swap3A_9 = arith.constant 0 : index
    %swap3A_10 = vector.load %arg4[%swap3A, %swap3A_9] : memref<12800x128xf32, #tpu.memory_space<vmem>>, vector<12800x128xf32>
    tpu.vector_store %arg4[%swap3A, %swap3A_9], %mul3A {strides = array<i32>} : memref<12800x128xf32, #tpu.memory_space<vmem>>, vector<12800x128xf32>,
    return
  }
  func.func @transform_0(%arg0: i32) -> (i32, i32) {
    %add3A = arith.constant 0 : i32
    %add3A_0 = arith.addi %arg0, %add3A : i32
    %c0_i32 = arith.constant 0 : i32
    %c0_i32_1 = arith.constant 0 : i32
    return %c0_i32, %add3A_0 : i32, i32
  }
  func.func @transform_1(%arg0: i32) -> (i32, i32) {
    %add3A = arith.constant 0 : i32
    %add3A_0 = arith.addi %arg0, %add3A : i32
    %c0_i32 = arith.constant 0 : i32
    %c0_i32_1 = arith.constant 0 : i32
    return %add3A_0, %c0_i32 : i32, i32
  }
  func.func @transform_2(%arg0: i32) -> (i32, i32) {
    %c0_i32 = arith.constant 0 : i32
    %c0_i32_0 = arith.constant 0 : i32
    %c0_i32_1 = arith.constant 0 : i32
    return %c0_i32, %c0_i32_0 : i32, i32
  }
  func.func @transform_3(%arg0: i32) -> (i32, i32) {
    %c0_i32 = arith.constant 0 : i32
    %c0_i32_0 = arith.constant 0 : i32
    return %arg0, %c0_i32 : i32, i32
  }
}

module attributes {stable_mosaic.version = 14 : i64} {
  func.func @_edge_body_chained(%arg0: i32, %arg1: memref<16x12800xf32, #tpu.memory_space<vmem>>, %arg2: memref<12800x128xf32, #tpu.memory_space<vmem>>, %arg3: memref<16x128xf32, #tpu.memory_space<vmem>>, %arg4: memref<8x128xf32, #tpu.memory_space<vmem>>, %arg5: memref<12800x128xf32, #tpu.memory_space<vmem>>) attributes {dimension_semantics = [#tpu.dimension_semantics<arbitrary>], iteration_bounds = array<i64: 7>, scalar_prefetch = 0 : i64, scratch_operands = 0 : i64, tpu.core_type = #tpu.core_type<tc>, window_params = [{transform_indices = @transform_0, window_bounds = array<i64: 16, 12800>}, {transform_indices = @transform_1, window_bounds = array<i64: 12800, 128>}, {pipeline_mode = #tpu.pipeline_mode<synchronous>, transform_indices = @transform_2, window_bounds = array<i64: 16, 128>}, {transform_indices = @transform_3, window_bounds = array<i64: 8, 128>}, {transform_indices = @transform_4, window_bounds = array<i64: 12800, 128>}]} {
    %get3A = arith.constant 0 : index
    %get3A_0 = arith.constant 0 : index
    %get3A_1 = vector.load %arg1[%get3A, %get3A_0] : memref<16x12800xf32, #tpu.memory_space<vmem>>, vector<16x12800xf32>
    %get3A_2 = arith.constant 0 : index
    %get3A_3 = arith.constant 0 : index
    %get3A_4 = vector.load %arg3[%get3A_2, %get3A_3] : memref<16x128xf32, #tpu.memory_space<vmem>>, vector<16x128xf32>
    %dot_general3A = arith.constant dense<0.000000e+00> : vector<12800x128xf32>
    %dot_general3A_5 = tpu.matmul %get3A_1, %get3A_4, %dot_general3A {dimension_numbers = #tpu.dot_dimension_numbers<[0], [0], [1], [1], [0, 1, 1, 1], [], []>, transpose_lhs_hint = false} : vector<16x12800xf32>, vector<16x128xf32>, vector<12800x128xf32> -> vector<12800x128xf32>
    %get3A_6 = arith.constant 0 : index
    %get3A_7 = arith.constant 0 : index
    %get3A_8 = vector.load %arg2[%get3A_6, %get3A_7] : memref<12800x128xf32, #tpu.memory_space<vmem>>, vector<12800x128xf32>
    %mul3A = arith.mulf %dot_general3A_5, %get3A_8 : vector<12800x128xf32>
    %swap3A = arith.constant 0 : index
    %swap3A_9 = arith.constant 0 : index
    %swap3A_10 = vector.load %arg5[%swap3A, %swap3A_9] : memref<12800x128xf32, #tpu.memory_space<vmem>>, vector<12800x128xf32>
    tpu.vector_store %arg5[%swap3A, %swap3A_9], %mul3A {strides = array<i32>} : memref<12800x128xf32, #tpu.memory_space<vmem>>, vector<12800x128xf32>,
    return
  }
  func.func @transform_0(%arg0: i32) -> (i32, i32) {
    %add3A = arith.constant 2 : i32
    %add3A_0 = arith.addi %arg0, %add3A : i32
    %c0_i32 = arith.constant 0 : i32
    %c0_i32_1 = arith.constant 0 : i32
    return %c0_i32, %add3A_0 : i32, i32
  }
  func.func @transform_1(%arg0: i32) -> (i32, i32) {
    %add3A = arith.constant 2 : i32
    %add3A_0 = arith.addi %arg0, %add3A : i32
    %c0_i32 = arith.constant 0 : i32
    %c0_i32_1 = arith.constant 0 : i32
    return %add3A_0, %c0_i32 : i32, i32
  }
  func.func @transform_2(%arg0: i32) -> (i32, i32) {
    %c0_i32 = arith.constant 0 : i32
    %c0_i32_0 = arith.constant 0 : i32
    %c0_i32_1 = arith.constant 0 : i32
    return %c0_i32, %c0_i32_0 : i32, i32
  }
  func.func @transform_3(%arg0: i32) -> (i32, i32) {
    %c0_i32 = arith.constant 0 : i32
    %c0_i32_0 = arith.constant 0 : i32
    %c0_i32_1 = arith.constant 0 : i32
    return %c0_i32, %c0_i32_0 : i32, i32
  }
  func.func @transform_4(%arg0: i32) -> (i32, i32) {
    %c0_i32 = arith.constant 0 : i32
    %c0_i32_0 = arith.constant 0 : i32
    return %arg0, %c0_i32 : i32, i32
  }
}

module attributes {stable_mosaic.version = 14 : i64} {
  func.func @_edge_body_chained(%arg0: i32, %arg1: memref<16x12800xf32, #tpu.memory_space<vmem>>, %arg2: memref<12800x128xf32, #tpu.memory_space<vmem>>, %arg3: memref<16x128xf32, #tpu.memory_space<vmem>>, %arg4: memref<8x128xf32, #tpu.memory_space<vmem>>, %arg5: memref<12800x128xf32, #tpu.memory_space<vmem>>) attributes {dimension_semantics = [#tpu.dimension_semantics<arbitrary>], iteration_bounds = array<i64: 8>, scalar_prefetch = 0 : i64, scratch_operands = 0 : i64, tpu.core_type = #tpu.core_type<tc>, window_params = [{transform_indices = @transform_0, window_bounds = array<i64: 16, 12800>}, {transform_indices = @transform_1, window_bounds = array<i64: 12800, 128>}, {pipeline_mode = #tpu.pipeline_mode<synchronous>, transform_indices = @transform_2, window_bounds = array<i64: 16, 128>}, {transform_indices = @transform_3, window_bounds = array<i64: 8, 128>}, {transform_indices = @transform_4, window_bounds = array<i64: 12800, 128>}]} {
    %get3A = arith.constant 0 : index
    %get3A_0 = arith.constant 0 : index
    %get3A_1 = vector.load %arg1[%get3A, %get3A_0] : memref<16x12800xf32, #tpu.memory_space<vmem>>, vector<16x12800xf32>
    %get3A_2 = arith.constant 0 : index
    %get3A_3 = arith.constant 0 : index
    %get3A_4 = vector.load %arg3[%get3A_2, %get3A_3] : memref<16x128xf32, #tpu.memory_space<vmem>>, vector<16x128xf32>
    %dot_general3A = arith.constant dense<0.000000e+00> : vector<12800x128xf32>
    %dot_general3A_5 = tpu.matmul %get3A_1, %get3A_4, %dot_general3A {dimension_numbers = #tpu.dot_dimension_numbers<[0], [0], [1], [1], [0, 1, 1, 1], [], []>, transpose_lhs_hint = false} : vector<16x12800xf32>, vector<16x128xf32>, vector<12800x128xf32> -> vector<12800x128xf32>
    %get3A_6 = arith.constant 0 : index
    %get3A_7 = arith.constant 0 : index
    %get3A_8 = vector.load %arg2[%get3A_6, %get3A_7] : memref<12800x128xf32, #tpu.memory_space<vmem>>, vector<12800x128xf32>
    %mul3A = arith.mulf %dot_general3A_5, %get3A_8 : vector<12800x128xf32>
    %swap3A = arith.constant 0 : index
    %swap3A_9 = arith.constant 0 : index
    %swap3A_10 = vector.load %arg5[%swap3A, %swap3A_9] : memref<12800x128xf32, #tpu.memory_space<vmem>>, vector<12800x128xf32>
    tpu.vector_store %arg5[%swap3A, %swap3A_9], %mul3A {strides = array<i32>} : memref<12800x128xf32, #tpu.memory_space<vmem>>, vector<12800x128xf32>,
    return
  }
  func.func @transform_0(%arg0: i32) -> (i32, i32) {
    %add3A = arith.constant 9 : i32
    %add3A_0 = arith.addi %arg0, %add3A : i32
    %c0_i32 = arith.constant 0 : i32
    %c0_i32_1 = arith.constant 0 : i32
    return %c0_i32, %add3A_0 : i32, i32
  }
  func.func @transform_1(%arg0: i32) -> (i32, i32) {
    %add3A = arith.constant 9 : i32
    %add3A_0 = arith.addi %arg0, %add3A : i32
    %c0_i32 = arith.constant 0 : i32
    %c0_i32_1 = arith.constant 0 : i32
    return %add3A_0, %c0_i32 : i32, i32
  }
  func.func @transform_2(%arg0: i32) -> (i32, i32) {
    %c0_i32 = arith.constant 0 : i32
    %c0_i32_0 = arith.constant 0 : i32
    %c0_i32_1 = arith.constant 0 : i32
    return %c0_i32, %c0_i32_0 : i32, i32
  }
  func.func @transform_3(%arg0: i32) -> (i32, i32) {
    %c0_i32 = arith.constant 0 : i32
    %c0_i32_0 = arith.constant 0 : i32
    %c0_i32_1 = arith.constant 0 : i32
    return %c0_i32, %c0_i32_0 : i32, i32
  }
  func.func @transform_4(%arg0: i32) -> (i32, i32) {
    %c0_i32 = arith.constant 0 : i32
    %c0_i32_0 = arith.constant 0 : i32
    return %arg0, %c0_i32 : i32, i32
  }
}

module attributes {stable_mosaic.version = 14 : i64} {
  func.func @_edge_body_chained(%arg0: i32, %arg1: memref<16x12800xf32, #tpu.memory_space<vmem>>, %arg2: memref<12800x128xf32, #tpu.memory_space<vmem>>, %arg3: memref<16x128xf32, #tpu.memory_space<vmem>>, %arg4: memref<8x128xf32, #tpu.memory_space<vmem>>, %arg5: memref<12800x128xf32, #tpu.memory_space<vmem>>) attributes {dimension_semantics = [#tpu.dimension_semantics<arbitrary>], iteration_bounds = array<i64: 8>, scalar_prefetch = 0 : i64, scratch_operands = 0 : i64, tpu.core_type = #tpu.core_type<tc>, window_params = [{transform_indices = @transform_0, window_bounds = array<i64: 16, 12800>}, {transform_indices = @transform_1, window_bounds = array<i64: 12800, 128>}, {pipeline_mode = #tpu.pipeline_mode<synchronous>, transform_indices = @transform_2, window_bounds = array<i64: 16, 128>}, {transform_indices = @transform_3, window_bounds = array<i64: 8, 128>}, {transform_indices = @transform_4, window_bounds = array<i64: 12800, 128>}]} {
    %get3A = arith.constant 0 : index
    %get3A_0 = arith.constant 0 : index
    %get3A_1 = vector.load %arg1[%get3A, %get3A_0] : memref<16x12800xf32, #tpu.memory_space<vmem>>, vector<16x12800xf32>
    %get3A_2 = arith.constant 0 : index
    %get3A_3 = arith.constant 0 : index
    %get3A_4 = vector.load %arg3[%get3A_2, %get3A_3] : memref<16x128xf32, #tpu.memory_space<vmem>>, vector<16x128xf32>
    %dot_general3A = arith.constant dense<0.000000e+00> : vector<12800x128xf32>
    %dot_general3A_5 = tpu.matmul %get3A_1, %get3A_4, %dot_general3A {dimension_numbers = #tpu.dot_dimension_numbers<[0], [0], [1], [1], [0, 1, 1, 1], [], []>, transpose_lhs_hint = false} : vector<16x12800xf32>, vector<16x128xf32>, vector<12800x128xf32> -> vector<12800x128xf32>
    %get3A_6 = arith.constant 0 : index
    %get3A_7 = arith.constant 0 : index
    %get3A_8 = vector.load %arg2[%get3A_6, %get3A_7] : memref<12800x128xf32, #tpu.memory_space<vmem>>, vector<12800x128xf32>
    %mul3A = arith.mulf %dot_general3A_5, %get3A_8 : vector<12800x128xf32>
    %swap3A = arith.constant 0 : index
    %swap3A_9 = arith.constant 0 : index
    %swap3A_10 = vector.load %arg5[%swap3A, %swap3A_9] : memref<12800x128xf32, #tpu.memory_space<vmem>>, vector<12800x128xf32>
    tpu.vector_store %arg5[%swap3A, %swap3A_9], %mul3A {strides = array<i32>} : memref<12800x128xf32, #tpu.memory_space<vmem>>, vector<12800x128xf32>,
    return
  }
  func.func @transform_0(%arg0: i32) -> (i32, i32) {
    %add3A = arith.constant 17 : i32
    %add3A_0 = arith.addi %arg0, %add3A : i32
    %c0_i32 = arith.constant 0 : i32
    %c0_i32_1 = arith.constant 0 : i32
    return %c0_i32, %add3A_0 : i32, i32
  }
  func.func @transform_1(%arg0: i32) -> (i32, i32) {
    %add3A = arith.constant 17 : i32
    %add3A_0 = arith.addi %arg0, %add3A : i32
    %c0_i32 = arith.constant 0 : i32
    %c0_i32_1 = arith.constant 0 : i32
    return %add3A_0, %c0_i32 : i32, i32
  }
  func.func @transform_2(%arg0: i32) -> (i32, i32) {
    %c0_i32 = arith.constant 0 : i32
    %c0_i32_0 = arith.constant 0 : i32
    %c0_i32_1 = arith.constant 0 : i32
    return %c0_i32, %c0_i32_0 : i32, i32
  }
  func.func @transform_3(%arg0: i32) -> (i32, i32) {
    %c0_i32 = arith.constant 0 : i32
    %c0_i32_0 = arith.constant 0 : i32
    %c0_i32_1 = arith.constant 0 : i32
    return %c0_i32, %c0_i32_0 : i32, i32
  }
  func.func @transform_4(%arg0: i32) -> (i32, i32) {
    %c0_i32 = arith.constant 0 : i32
    %c0_i32_0 = arith.constant 0 : i32
    return %arg0, %c0_i32 : i32, i32
  }
}

module attributes {stable_mosaic.version = 14 : i64} {
  func.func @_presum_body(%arg0: i32, %arg1: memref<2x2048x128xf32, #tpu.memory_space<vmem>>, %arg2: memref<2x2048x128xf32, #tpu.memory_space<vmem>>, %arg3: memref<2x2048x128xf32, #tpu.memory_space<vmem>>, %arg4: memref<2048x128xf32, #tpu.memory_space<vmem>>) attributes {dimension_semantics = [#tpu.dimension_semantics<arbitrary>], iteration_bounds = array<i64: 5>, scalar_prefetch = 0 : i64, scratch_operands = 0 : i64, tpu.core_type = #tpu.core_type<tc>, window_params = [{transform_indices = @transform_0, window_bounds = array<i64: 2, 2048, 128>}, {transform_indices = @transform_1, window_bounds = array<i64: 2, 2048, 128>}, {transform_indices = @transform_2, window_bounds = array<i64: 2, 2048, 128>}, {transform_indices = @transform_3, window_bounds = array<i64: 2048, 128>}]} {
    %get3A = arith.constant 0 : index
    %get3A_0 = arith.constant 0 : index
    %get3A_1 = arith.constant 0 : index
    %get3A_2 = vector.load %arg1[%get3A, %get3A_0, %get3A_1] : memref<2x2048x128xf32, #tpu.memory_space<vmem>>, vector<1x2048x128xf32>
    %get3A_3 = vector.shape_cast %get3A_2 : vector<1x2048x128xf32> to vector<2048x128xf32>
    %get3A_4 = arith.constant 1 : index
    %get3A_5 = arith.constant 0 : index
    %get3A_6 = arith.constant 0 : index
    %get3A_7 = vector.load %arg1[%get3A_4, %get3A_5, %get3A_6] : memref<2x2048x128xf32, #tpu.memory_space<vmem>>, vector<1x2048x128xf32>
    %get3A_8 = vector.shape_cast %get3A_7 : vector<1x2048x128xf32> to vector<2048x128xf32>
    %add3A = arith.addf %get3A_3, %get3A_8 : vector<2048x128xf32>
    %get3A_9 = arith.constant 0 : index
    %get3A_10 = arith.constant 0 : index
    %get3A_11 = arith.constant 0 : index
    %get3A_12 = vector.load %arg2[%get3A_9, %get3A_10, %get3A_11] : memref<2x2048x128xf32, #tpu.memory_space<vmem>>, vector<1x2048x128xf32>
    %get3A_13 = vector.shape_cast %get3A_12 : vector<1x2048x128xf32> to vector<2048x128xf32>
    %get3A_14 = arith.constant 1 : index
    %get3A_15 = arith.constant 0 : index
    %get3A_16 = arith.constant 0 : index
    %get3A_17 = vector.load %arg2[%get3A_14, %get3A_15, %get3A_16] : memref<2x2048x128xf32, #tpu.memory_space<vmem>>, vector<1x2048x128xf32>
    %get3A_18 = vector.shape_cast %get3A_17 : vector<1x2048x128xf32> to vector<2048x128xf32>
    %add3A_19 = arith.addf %get3A_13, %get3A_18 : vector<2048x128xf32>
    %add3A_20 = arith.addf %add3A, %add3A_19 : vector<2048x128xf32>
    %get3A_21 = arith.constant 0 : index
    %get3A_22 = arith.constant 0 : index
    %get3A_23 = arith.constant 0 : index
    %get3A_24 = vector.load %arg3[%get3A_21, %get3A_22, %get3A_23] : memref<2x2048x128xf32, #tpu.memory_space<vmem>>, vector<1x2048x128xf32>
    %get3A_25 = vector.shape_cast %get3A_24 : vector<1x2048x128xf32> to vector<2048x128xf32>
    %get3A_26 = arith.constant 1 : index
    %get3A_27 = arith.constant 0 : index
    %get3A_28 = arith.constant 0 : index
    %get3A_29 = vector.load %arg3[%get3A_26, %get3A_27, %get3A_28] : memref<2x2048x128xf32, #tpu.memory_space<vmem>>, vector<1x2048x128xf32>
    %get3A_30 = vector.shape_cast %get3A_29 : vector<1x2048x128xf32> to vector<2048x128xf32>
    %add3A_31 = arith.addf %get3A_25, %get3A_30 : vector<2048x128xf32>
    %add3A_32 = arith.addf %add3A_20, %add3A_31 : vector<2048x128xf32>
    %swap3A = arith.constant 0 : index
    %swap3A_33 = arith.constant 0 : index
    %swap3A_34 = vector.load %arg4[%swap3A, %swap3A_33] : memref<2048x128xf32, #tpu.memory_space<vmem>>, vector<2048x128xf32>
    tpu.vector_store %arg4[%swap3A, %swap3A_33], %add3A_32 {strides = array<i32>} : memref<2048x128xf32, #tpu.memory_space<vmem>>, vector<2048x128xf32>,
    return
  }
  func.func @transform_0(%arg0: i32) -> (i32, i32, i32) {
    %c0_i32 = arith.constant 0 : i32
    %c0_i32_0 = arith.constant 0 : i32
    %c0_i32_1 = arith.constant 0 : i32
    return %c0_i32, %arg0, %c0_i32_0 : i32, i32, i32
  }
  func.func @transform_1(%arg0: i32) -> (i32, i32, i32) {
    %c0_i32 = arith.constant 0 : i32
    %c0_i32_0 = arith.constant 0 : i32
    %c0_i32_1 = arith.constant 0 : i32
    return %c0_i32, %arg0, %c0_i32_0 : i32, i32, i32
  }
  func.func @transform_2(%arg0: i32) -> (i32, i32, i32) {
    %c0_i32 = arith.constant 0 : i32
    %c0_i32_0 = arith.constant 0 : i32
    %c0_i32_1 = arith.constant 0 : i32
    return %c0_i32, %arg0, %c0_i32_0 : i32, i32, i32
  }
  func.func @transform_3(%arg0: i32) -> (i32, i32) {
    %c0_i32 = arith.constant 0 : i32
    %c0_i32_0 = arith.constant 0 : i32
    return %arg0, %c0_i32 : i32, i32
  }
}

module attributes {stable_mosaic.version = 14 : i64} {
  func.func @_mlp_body(%arg0: i32, %arg1: memref<2000x128xf32, #tpu.memory_space<vmem>>, %arg2: memref<2x2000x128xf32, #tpu.memory_space<vmem>>, %arg3: memref<128x128xf32, #tpu.memory_space<vmem>>, %arg4: memref<1x128xf32, #tpu.memory_space<vmem>>, %arg5: memref<128x128xf32, #tpu.memory_space<vmem>>, %arg6: memref<1x128xf32, #tpu.memory_space<vmem>>, %arg7: memref<128x128xf32, #tpu.memory_space<vmem>>, %arg8: memref<1x128xf32, #tpu.memory_space<vmem>>, %arg9: memref<128x128xf32, #tpu.memory_space<vmem>>, %arg10: memref<1x128xf32, #tpu.memory_space<vmem>>, %arg11: memref<2000x128xf32, #tpu.memory_space<vmem>>) attributes {dimension_semantics = [#tpu.dimension_semantics<arbitrary>], iteration_bounds = array<i64: 5>, scalar_prefetch = 0 : i64, scratch_operands = 0 : i64, tpu.core_type = #tpu.core_type<tc>, window_params = [{transform_indices = @transform_0, window_bounds = array<i64: 2000, 128>}, {transform_indices = @transform_1, window_bounds = array<i64: 2, 2000, 128>}, {pipeline_mode = #tpu.pipeline_mode<synchronous>, transform_indices = @transform_2, window_bounds = array<i64: 128, 128>}, {pipeline_mode = #tpu.pipeline_mode<synchronous>, transform_indices = @transform_3, window_bounds = array<i64: 1, 128>}, {pipeline_mode = #tpu.pipeline_mode<synchronous>, transform_indices = @transform_4, window_bounds = array<i64: 128, 128>}, {pipeline_mode = #tpu.pipeline_mode<synchronous>, transform_indices = @transform_5, window_bounds = array<i64: 1, 128>}, {pipeline_mode = #tpu.pipeline_mode<synchronous>, transform_indices = @transform_6, window_bounds = array<i64: 128, 128>}, {pipeline_mode = #tpu.pipeline_mode<synchronous>, transform_indices = @transform_7, window_bounds = array<i64: 1, 128>}, {pipeline_mode = #tpu.pipeline_mode<synchronous>, transform_indices = @transform_8, window_bounds = array<i64: 128, 128>}, {pipeline_mode = #tpu.pipeline_mode<synchronous>, transform_indices = @transform_9, window_bounds = array<i64: 1, 128>}, {transform_indices = @transform_10, window_bounds = array<i64: 2000, 128>}]} {
    %get3A = arith.constant 0 : index
    %get3A_0 = arith.constant 0 : index
    %get3A_1 = vector.load %arg1[%get3A, %get3A_0] : memref<2000x128xf32, #tpu.memory_space<vmem>>, vector<2000x128xf32>
    %get3A_2 = arith.constant 0 : index
    %get3A_3 = arith.constant 0 : index
    %get3A_4 = arith.constant 0 : index
    %get3A_5 = vector.load %arg2[%get3A_2, %get3A_3, %get3A_4] : memref<2x2000x128xf32, #tpu.memory_space<vmem>>, vector<1x2000x128xf32>
    %get3A_6 = vector.shape_cast %get3A_5 : vector<1x2000x128xf32> to vector<2000x128xf32>
    %get3A_7 = arith.constant 1 : index
    %get3A_8 = arith.constant 0 : index
    %get3A_9 = arith.constant 0 : index
    %get3A_10 = vector.load %arg2[%get3A_7, %get3A_8, %get3A_9] : memref<2x2000x128xf32, #tpu.memory_space<vmem>>, vector<1x2000x128xf32>
    %get3A_11 = vector.shape_cast %get3A_10 : vector<1x2000x128xf32> to vector<2000x128xf32>
    %add3A = arith.addf %get3A_6, %get3A_11 : vector<2000x128xf32>
    %add3A_12 = arith.addf %get3A_1, %add3A : vector<2000x128xf32>
    %get3A_13 = arith.constant 0 : index
    %get3A_14 = arith.constant 0 : index
    %get3A_15 = vector.load %arg3[%get3A_13, %get3A_14] : memref<128x128xf32, #tpu.memory_space<vmem>>, vector<128x128xf32>
    %dot_general3A = arith.constant dense<0.000000e+00> : vector<2000x128xf32>
    %dot_general3A_16 = tpu.matmul %add3A_12, %get3A_15, %dot_general3A {dimension_numbers = #tpu.dot_dimension_numbers<[1], [0], [0], [1], [0, 0, 1, 1], [], []>, transpose_lhs_hint = false} : vector<2000x128xf32>, vector<128x128xf32>, vector<2000x128xf32> -> vector<2000x128xf32>
    %get3A_17 = arith.constant 0 : index
    %get3A_18 = arith.constant 0 : index
    %get3A_19 = vector.load %arg4[%get3A_17, %get3A_18] : memref<1x128xf32, #tpu.memory_space<vmem>>, vector<1x128xf32>
    %add3A_20 = vector.broadcast %get3A_19 : vector<1x128xf32> to vector<2000x128xf32>
    %add3A_21 = arith.addf %dot_general3A_16, %add3A_20 : vector<2000x128xf32>
    %logistic3A = arith.negf %add3A_21 : vector<2000x128xf32>
    %logistic3A_22 = math.exp %logistic3A : vector<2000x128xf32>
    %logistic3A_23 = arith.constant 1.000000e+00 : f32
    %logistic3A_24 = vector.broadcast %logistic3A_23 : f32 to vector<2000x128xf32>
    %logistic3A_25 = arith.addf %logistic3A_24, %logistic3A_22 : vector<2000x128xf32>
    %logistic3A_26 = arith.divf %logistic3A_24, %logistic3A_25 : vector<2000x128xf32>
    %mul3A = arith.mulf %add3A_21, %logistic3A_26 : vector<2000x128xf32>
    %get3A_27 = arith.constant 0 : index
    %get3A_28 = arith.constant 0 : index
    %get3A_29 = vector.load %arg5[%get3A_27, %get3A_28] : memref<128x128xf32, #tpu.memory_space<vmem>>, vector<128x128xf32>
    %dot_general3A_30 = arith.constant dense<0.000000e+00> : vector<2000x128xf32>
    %dot_general3A_31 = tpu.matmul %mul3A, %get3A_29, %dot_general3A_30 {dimension_numbers = #tpu.dot_dimension_numbers<[1], [0], [0], [1], [0, 0, 1, 1], [], []>, transpose_lhs_hint = false} : vector<2000x128xf32>, vector<128x128xf32>, vector<2000x128xf32> -> vector<2000x128xf32>
    %get3A_32 = arith.constant 0 : index
    %get3A_33 = arith.constant 0 : index
    %get3A_34 = vector.load %arg6[%get3A_32, %get3A_33] : memref<1x128xf32, #tpu.memory_space<vmem>>, vector<1x128xf32>
    %add3A_35 = vector.broadcast %get3A_34 : vector<1x128xf32> to vector<2000x128xf32>
    %add3A_36 = arith.addf %dot_general3A_31, %add3A_35 : vector<2000x128xf32>
    %logistic3A_37 = arith.negf %add3A_36 : vector<2000x128xf32>
    %logistic3A_38 = math.exp %logistic3A_37 : vector<2000x128xf32>
    %logistic3A_39 = arith.constant 1.000000e+00 : f32
    %logistic3A_40 = vector.broadcast %logistic3A_39 : f32 to vector<2000x128xf32>
    %logistic3A_41 = arith.addf %logistic3A_40, %logistic3A_38 : vector<2000x128xf32>
    %logistic3A_42 = arith.divf %logistic3A_40, %logistic3A_41 : vector<2000x128xf32>
    %mul3A_43 = arith.mulf %add3A_36, %logistic3A_42 : vector<2000x128xf32>
    %get3A_44 = arith.constant 0 : index
    %get3A_45 = arith.constant 0 : index
    %get3A_46 = vector.load %arg7[%get3A_44, %get3A_45] : memref<128x128xf32, #tpu.memory_space<vmem>>, vector<128x128xf32>
    %dot_general3A_47 = arith.constant dense<0.000000e+00> : vector<2000x128xf32>
    %dot_general3A_48 = tpu.matmul %mul3A_43, %get3A_46, %dot_general3A_47 {dimension_numbers = #tpu.dot_dimension_numbers<[1], [0], [0], [1], [0, 0, 1, 1], [], []>, transpose_lhs_hint = false} : vector<2000x128xf32>, vector<128x128xf32>, vector<2000x128xf32> -> vector<2000x128xf32>
    %get3A_49 = arith.constant 0 : index
    %get3A_50 = arith.constant 0 : index
    %get3A_51 = vector.load %arg8[%get3A_49, %get3A_50] : memref<1x128xf32, #tpu.memory_space<vmem>>, vector<1x128xf32>
    %add3A_52 = vector.broadcast %get3A_51 : vector<1x128xf32> to vector<2000x128xf32>
    %add3A_53 = arith.addf %dot_general3A_48, %add3A_52 : vector<2000x128xf32>
    %logistic3A_54 = arith.negf %add3A_53 : vector<2000x128xf32>
    %logistic3A_55 = math.exp %logistic3A_54 : vector<2000x128xf32>
    %logistic3A_56 = arith.constant 1.000000e+00 : f32
    %logistic3A_57 = vector.broadcast %logistic3A_56 : f32 to vector<2000x128xf32>
    %logistic3A_58 = arith.addf %logistic3A_57, %logistic3A_55 : vector<2000x128xf32>
    %logistic3A_59 = arith.divf %logistic3A_57, %logistic3A_58 : vector<2000x128xf32>
    %mul3A_60 = arith.mulf %add3A_53, %logistic3A_59 : vector<2000x128xf32>
    %get3A_61 = arith.constant 0 : index
    %get3A_62 = arith.constant 0 : index
    %get3A_63 = vector.load %arg9[%get3A_61, %get3A_62] : memref<128x128xf32, #tpu.memory_space<vmem>>, vector<128x128xf32>
    %dot_general3A_64 = arith.constant dense<0.000000e+00> : vector<2000x128xf32>
    %dot_general3A_65 = tpu.matmul %mul3A_60, %get3A_63, %dot_general3A_64 {dimension_numbers = #tpu.dot_dimension_numbers<[1], [0], [0], [1], [0, 0, 1, 1], [], []>, transpose_lhs_hint = false} : vector<2000x128xf32>, vector<128x128xf32>, vector<2000x128xf32> -> vector<2000x128xf32>
    %get3A_66 = arith.constant 0 : index
    %get3A_67 = arith.constant 0 : index
    %get3A_68 = vector.load %arg10[%get3A_66, %get3A_67] : memref<1x128xf32, #tpu.memory_space<vmem>>, vector<1x128xf32>
    %add3A_69 = vector.broadcast %get3A_68 : vector<1x128xf32> to vector<2000x128xf32>
    %add3A_70 = arith.addf %dot_general3A_65, %add3A_69 : vector<2000x128xf32>
    %swap3A = arith.constant 0 : index
    %swap3A_71 = arith.constant 0 : index
    %swap3A_72 = vector.load %arg11[%swap3A, %swap3A_71] : memref<2000x128xf32, #tpu.memory_space<vmem>>, vector<2000x128xf32>
    tpu.vector_store %arg11[%swap3A, %swap3A_71], %add3A_70 {strides = array<i32>} : memref<2000x128xf32, #tpu.memory_space<vmem>>, vector<2000x128xf32>,
    return
  }
  func.func @transform_0(%arg0: i32) -> (i32, i32) {
    %c0_i32 = arith.constant 0 : i32
    %c0_i32_0 = arith.constant 0 : i32
    return %arg0, %c0_i32 : i32, i32
  }
  func.func @transform_1(%arg0: i32) -> (i32, i32, i32) {
    %c0_i32 = arith.constant 0 : i32
    %c0_i32_0 = arith.constant 0 : i32
    %c0_i32_1 = arith.constant 0 : i32
    return %c0_i32, %arg0, %c0_i32_0 : i32, i32, i32
  }
  func.func @transform_2(%arg0: i32) -> (i32, i32) {
    %c0_i32 = arith.constant 0 : i32
    %c0_i32_0 = arith.constant 0 : i32
    %c0_i32_1 = arith.constant 0 : i32
    return %c0_i32, %c0_i32_0 : i32, i32
  }
  func.func @transform_3(%arg0: i32) -> (i32, i32) {
    %c0_i32 = arith.constant 0 : i32
    %c0_i32_0 = arith.constant 0 : i32
    %c0_i32_1 = arith.constant 0 : i32
    return %c0_i32, %c0_i32_0 : i32, i32
  }
  func.func @transform_4(%arg0: i32) -> (i32, i32) {
    %c0_i32 = arith.constant 0 : i32
    %c0_i32_0 = arith.constant 0 : i32
    %c0_i32_1 = arith.constant 0 : i32
    return %c0_i32, %c0_i32_0 : i32, i32
  }
  func.func @transform_5(%arg0: i32) -> (i32, i32) {
    %c0_i32 = arith.constant 0 : i32
    %c0_i32_0 = arith.constant 0 : i32
    %c0_i32_1 = arith.constant 0 : i32
    return %c0_i32, %c0_i32_0 : i32, i32
  }
  func.func @transform_6(%arg0: i32) -> (i32, i32) {
    %c0_i32 = arith.constant 0 : i32
    %c0_i32_0 = arith.constant 0 : i32
    %c0_i32_1 = arith.constant 0 : i32
    return %c0_i32, %c0_i32_0 : i32, i32
  }
  func.func @transform_7(%arg0: i32) -> (i32, i32) {
    %c0_i32 = arith.constant 0 : i32
    %c0_i32_0 = arith.constant 0 : i32
    %c0_i32_1 = arith.constant 0 : i32
    return %c0_i32, %c0_i32_0 : i32, i32
  }
  func.func @transform_8(%arg0: i32) -> (i32, i32) {
    %c0_i32 = arith.constant 0 : i32
    %c0_i32_0 = arith.constant 0 : i32
    %c0_i32_1 = arith.constant 0 : i32
    return %c0_i32, %c0_i32_0 : i32, i32
  }
  func.func @transform_9(%arg0: i32) -> (i32, i32) {
    %c0_i32 = arith.constant 0 : i32
    %c0_i32_0 = arith.constant 0 : i32
    %c0_i32_1 = arith.constant 0 : i32
    return %c0_i32, %c0_i32_0 : i32, i32
  }
  func.func @transform_10(%arg0: i32) -> (i32, i32) {
    %c0_i32 = arith.constant 0 : i32
    %c0_i32_0 = arith.constant 0 : i32
    return %arg0, %c0_i32 : i32, i32
  }
}

</mosaic_0001>

<sc_bundles>
// kernel: kernel.12.cloned.1.call-start
scs
__scs_entry_jumppad:
0x0: {  	(pc) =	sbr.rel $0x88, $3  }
0x1: {  	(tag) =	ssettag $0x0;
	lr =	simm.s32 $0x1  }
0x2: {  	[smem:$0x3F95] =	sst lr;
	_ =	strace $0xD0000000  }
0x3: {  	_ = 	snop  }
0x4: {  	_ = 	snop  }
0x5: {  	_ = 	snop  }
0x6: {  	_ = 	snop  }
0x7: {  	_ = 	snop  }
__scs_overlays_trampoline_lowered:
0x8: {  	[smem:$0x3FA4] =	sst s0  }
0x9: {  	[smem:$0x3FA5] =	sst s1  }
0xa: {  	[smem:$0x3FA6] =	sst s2  }
0xb: {  	[smem:$0x3FA7] =	sst s3  }
0xc: {  	[smem:$0x3FA8] =	sst s4  }
0xd: {  	[smem:$0x3FA9] =	sst s5  }
0xe: {  	[smem:$0x3FAA] =	sst s6  }
0xf: {  	[smem:$0x3FAB] =	sst s7  }
0x10: {  	[smem:$0x3FAC] =	sst s8  }
0x11: {  	[smem:$0x3FAD] =	sst s9;
	s0 =	simm.s32 @!p0 $0x0  }
0x12: {  	s1 =	sld [smem:$0x3F93];
	s0 =	simm.s32 @p0 $0x1  }
0x13: {  	[smem:$0x3FAE] =	sst s0;
	s0 =	simm.s32 @!p1 $0x0  }
0x14: {  	s2 =	sld [smem:$0x3F92];
	s0 =	simm.s32 @p1 $0x1  }
0x15: {  	[smem:$0x3FAF] =	sst s0;
	s0 =	simm.s32 @!p2 $0x0  }
0x16: {  	s3 =	sld [smem:$0x3FDB];
	s0 =	simm.s32 @p2 $0x1  }
0x17: {  	s4 =	simm.s32 $0x1BF5;
	[smem:$0x3FB1] =	sst s0  }
0x18: {  	s0 =	sld [smem:$0x3F94];
	_ =	swait.ge [sflag:s4], $0x0  }
0x19: {  	s7 =	sld [smem:$0x3F95]  }
0x1a: {  	s8 =	sadd.s32 $0xFFFFE003, lr  }
0x1b: {  	s9 =	sadd.s32 $0xFFFFFEF7, lr;
	s5 =	simm.s32 $0xFFFFFFFF;
	p2 =	slt.u32 s8, $0xFFFFF086  }
0x1c: {  	p1 =	slt.u32 s9, $0xF7A;
	s5 =	simm.s32 @!p2 $0x0  }
0x1d: {  	s5 =	simm.s32 @p1 $0x1;
	p0 =	seq.s32 s7, s2  }
0x1e: {  	s7 =	smul.u32 @!p0 $0xF7A, s2;
	p2 =	seq.s32 @!p0 s5, $0x0  }
0x1f: {  	s9 =	smul.u32 $0xF7A, s1;
	s8 =	simm.s32 @!p0 $0x1BF5;
	p2 =	por !p2, p0  }
0x20: {  	[sflag:s8] =	ssyncset.s32 @!p0 $0xFFFFF086;
	s6 =	sadd.s32 @!p0 s3, s7;
	s7 =	simm.s32 @!p0 $0x108  }
0x21: {  	s3 =	sadd.s32 s3, s9;
	s6 =	sadd.s32 @!p0 $0x88, s6;
	s7 =	simm.s32 @p2 $0x1082  }
0x22: {  	[simem:s7], [sflag:s8] =	dma.local @!p0 [hbm:s6], $0xF7A  }
0x23: {  	s9 =	sor.u32 $0xD0000000, s2;
	s6 =	simm.s32 $0x108;
	_ =	swait.ge @!p0 [sflag:s8], $0x0  }
0x24: {  	s3 =	sadd.s32 $0x88, s3;
	s6 =	simm.s32 @!p1 $0x1082;
	[sflag:s4] =	ssyncset.s32 $0xFFFFF086  }
0x25: {  	[simem:s6], [sflag:s4] =	dma.local [hbm:s3], $0xF7A  }
0x26: {  	[smem:$0x3F95] =	sst s1;
	(tag) =	ssettag s2;
	_ =	strace s9  }
0x27: {  	s1 =	sld [smem:$0x3FA5]  }
0x28: {  	s2 =	sld [smem:$0x3FA6]  }
0x29: {  	s4 =	sld [smem:$0x3FA8]  }
0x2a: {  	p0 =	seq.s32 s5, $0x0;
	s5 =	sld [smem:$0x3FA9]  }
0x2b: {  	s6 =	sld [smem:$0x3FAA]  }
0x2c: {  	s7 =	sld [smem:$0x3FAB]  }
0x2d: {  	s3 =	simm.s32 $0x108;
	s8 =	sld [smem:$0x3FAC]  }
0x2e: {  	s3 =	simm.s32 @!p0 $0x1082;
	s9 =	sld [smem:$0x3FAD]  }
0x2f: {  	lr =	sadd.s32 s0, s3;
	s0 =	sld [smem:$0x3FA4]  }
0x30: {  	s3 =	sld [smem:$0x3FA7]  }
0x31: {  	[smem:$0x3FB0] =	sst s10  }
0x32: {  	s10 =	sld [smem:$0x3FAE];
	_ =	sdelay $0x3  }
0x33: {  	p0 =	seq.s32 s10, $0x1;
	s10 =	sld [smem:$0x3FB0];
	_ =	sdelay $0x3  }
0x34: {  	[smem:$0x3FB0] =	sst s10  }
0x35: {  	s10 =	sld [smem:$0x3FAF];
	_ =	sdelay $0x3  }
0x36: {  	p1 =	seq.s32 s10, $0x1;
	s10 =	sld [smem:$0x3FB0];
	_ =	sdelay $0x3  }
0x37: {  	[smem:$0x3FB0] =	sst s10  }
0x38: {  	s10 =	sld [smem:$0x3FB1]  }
0x39: {  	_ = 	snop;
	(pc) =	sbr.ind lr, $3  }
0x3a: {  	_ = 	snop  }
0x3b: {  	_ = 	snop  }
0x3c: {  	p2 =	seq.s32 s10, $0x1;
	s10 =	sld [smem:$0x3FB0]  }
0x3d: {  	_ =	shalt  }
0x3e: {  	_ =	shalt  }
0x3f: {  	_ =	shalt  }
0x40: {  	_ =	shalt  }
0x41: {  	_ =	shalt  }
0x42: {  	_ =	shalt  }
0x43: {  	_ =	shalt  }
0x44: {  	_ =	shalt  }
0x45: {  	_ =	shalt  }
0x46: {  	_ =	shalt  }
0x47: {  	_ =	shalt  }
0x48: {  	_ =	shalt  }
0x49: {  	_ =	shalt  }
0x4a: {  	_ =	shalt  }
0x4b: {  	_ =	shalt  }
0x4c: {  	_ =	shalt  }
0x4d: {  	_ =	shalt  }
0x4e: {  	_ =	shalt  }
0x4f: {  	_ =	shalt  }
0x50: {  	_ =	shalt  }
0x51: {  	_ =	shalt  }
0x52: {  	_ =	shalt  }
0x53: {  	_ =	shalt  }
0x54: {  	_ =	shalt  }
0x55: {  	_ =	shalt  }
0x56: {  	_ =	shalt  }
0x57: {  	_ =	shalt  }
0x58: {  	_ =	shalt  }
0x59: {  	_ =	shalt  }
0x5a: {  	_ =	shalt  }
0x5b: {  	_ =	shalt  }
0x5c: {  	_ =	shalt  }
0x5d: {  	_ =	shalt  }
0x5e: {  	_ =	shalt  }
0x5f: {  	_ =	shalt  }
0x60: {  	_ =	shalt  }
0x61: {  	_ =	shalt  }
0x62: {  	_ =	shalt  }
0x63: {  	_ =	shalt  }
0x64: {  	_ =	shalt  }
0x65: {  	_ =	shalt  }
0x66: {  	_ =	shalt  }
0x67: {  	_ =	shalt  }
0x68: {  	_ =	shalt  }
0x69: {  	_ =	shalt  }
0x6a: {  	_ =	shalt  }
0x6b: {  	_ =	shalt  }
0x6c: {  	_ =	shalt  }
0x6d: {  	_ =	shalt  }
0x6e: {  	_ =	shalt  }
0x6f: {  	_ =	shalt  }
0x70: {  	_ =	shalt  }
0x71: {  	_ =	shalt  }
0x72: {  	_ =	shalt  }
0x73: {  	_ =	shalt  }
0x74: {  	_ =	shalt  }
0x75: {  	_ =	shalt  }
0x76: {  	_ =	shalt  }
0x77: {  	_ =	shalt  }
0x78: {  	_ =	shalt  }
0x79: {  	_ =	shalt  }
0x7a: {  	_ =	shalt  }
0x7b: {  	_ =	shalt  }
0x7c: {  	_ =	shalt  }
0x7d: {  	_ =	shalt  }
0x7e: {  	_ =	shalt  }
0x7f: {  	_ =	shalt  }
0x80: {  	_ =	shalt  }
0x81: {  	_ =	shalt  }
0x82: {  	_ =	shalt  }
0x83: {  	_ =	shalt  }
0x84: {  	_ =	shalt  }
0x85: {  	_ =	shalt  }
0x86: {  	_ =	shalt  }
0x87: {  	_ =	shalt  }
.Lfunc_end0:
.L_simem_size_0:
called_computation_lowered:
.L_overlay_start_0:
0x88: {  	s2 =	sld [smem:$0x3FD9]  }
0x89: {  	s3 =	sld [smem:$0x3FFE];
	_ =	sdelay $0x1  }
0x8a: {  	s1 =	srdreg.scid  }
0x8b: {  	s0 =	sand.u32 $0x1, s1  }
0x8c: {  	s16 =	sshll.u32 s0, $0xA;
	s2 =	sadd.s32 s3, s2  }
0x8d: {  	s2 =	sadd.s32 s2, s16  }
0x8e: {  	[smem:$0x3FBC] =	sst s2  }
0x8f: {  	_ = 	snop  }
0x90: {  	(tm) =	ssettm $0x1  }
0x91: {  	s17 =	sld [smem:$0x3FFB];
	_ =	sdelay $0x3  }
0x92: {  	_ =	strace s17  }
0x93: {  	s2 =	sld [smem:$0x3FFC];
	_ =	sdelay $0x3  }
0x94: {  	_ =	strace s2  }
0x95: {  	s2 =	sld [smem:$0x3FFD];
	_ =	sdelay $0x3  }
0x96: {  	_ =	strace s2  }
0x97: {  	_ =	strace $0x8FFFFFFF  }
0x98: {  	s18 =	sld [smem:$0x3FDB];
	_ =	sdelay $0x1  }
0x99: {  	s19 =	simm.s32 $_scs_section_size  }
0x9a: {  	s4 =	simm.s32 $_size__tile_overlayer_lowered;
	s5 =	simm.s32 $_tile_overlayer_lowered  }
0x9b: {  	s22 =	simm.s32 $0x1BFF;
	s21 =	sshll.u32 s5, $0x1;
	s2 =	sadd.s32 s19, s18  }
0x9c: {  	s6 =	simm.s32 $0x0;
	s20 =	sshll.u32 s4, $0x1;
	s4 =	sadd.s32 s21, s2  }
0x9d: {  	[timem:s6], [sflag:s22] =	dma.local [hbm:s4], s20  }
0x9e: {  	_ =	swait.ge [sflag:s22], s20  }
0x9f: {  	s3 =	ssub.s32 $0x0, s20;
	[sflag:s22] =	ssyncset.done $0x0  }
0xa0: {  	[sflag:s22] =	ssyncadd.s32 s3;
	_ =	sdelay $0x1  }
0xa1: {  	s23 =	simm.s32 $0x1B8B  }
0xa2: {  	_ =	swait.ge [sflag:s23], $0x1  }
0xa3: {  	[sflag:s23] =	ssyncset.done $0x0  }
0xa4: {  	s25 =	simm.s32 $0x1B8E;
	s24 =	sld [smem:$0x3FFE];
	[sflag:s23] =	ssyncadd.s32 $0xFFFFFFFF  }
0xa5: {  	s26 =	simm.s32 $execute0_lowered;
	[smem:$0x3FD2] =	sst s25  }
0xa6: {  	s4 =	sshll.u32 s26, $0x1;
	_ =	strace $0x80000046;
	[dreg:$0x1] =	wrdreg $0xFFFFFFFF  }
0xa7: {  	s28 =	simm.s32 $_size_execute0_lowered;
	s2 =	sadd.s32 s2, s4;
	[dreg:$0x0] =	wrdreg $0x0  }
0xa8: {  	s4 =	sshll.u32 s28, $0x1;
	[dreg:$0x2] =	wrdreg s2  }
0xa9: {  	[dreg:$0x3] =	wrdreg s4  }
0xaa: {  	[dreg:$0x4] =	wrdreg $0xC0  }
0xab: {  	_ =	task [dreg:s6], $0x5FFFF  }
0xac: {  	[dreg:$0x1] =	wrdreg $0xFFFFFFFF  }
0xad: {  	[dreg:$0x0] =	wrdreg $0x60  }
0xae: {  	[dreg:$0x2] =	wrdreg s24  }
0xaf: {  	[dreg:$0x3] =	wrdreg $0x84000  }
0xb0: {  	[dreg:$0x4] =	wrdreg $0x9  }
0xb1: {  	_ =	task.clear_ibuf [dreg:s6], $0x5FFFF;
	_ =	strace $0x90000046  }
0xb2: {  	s29 =	simm.s32 $0x9;
	_ =	strace $0x80000048  }
0xb3: {  	_ =	swait.ge [sflag:s29], $0x1  }
0xb4: {  	[sflag:s29] =	ssyncadd.s32 $0xFFFFFFFF  }
0xb5: {  	_ =	strace $0x90000048  }
0xb6: {  	_ =	sfence  }
0xb7: {  	s30 =	sld [smem:$0x0];
	_ =	sdelay $0x2  }
0xb8: {  	s31 =	sshll.u32 s1, $0xD;
	s1 =	sshrl.u32 s1, $0x2  }
0xb9: {  	s3 =	sand.u32 $0x4000, s31;
	s1 =	sadd.s32 s1, s30  }
0xba: {  	s0 =	sor.u32 s3, s0;
	s1 =	sshll.u32 s1, $0x11  }
0xbb: {  	s0 =	sor.u32 s1, s0  }
0xbc: {  	s0 =	sadd.s32 $0x8F2B, s0  }
0xbd: {  	[sflag:s0] =	ssyncadd.remote.s32 $0x1  }
0xbe: {  	_ =	sfence.sel $0xFFFF  }
0xbf: {  	[dreg:$0x0] =	wrdreg $0xFFFFFFFF;
	(pc) =	sbr.abs _section_cstart, $3  }
0xc0: {  	[dreg:$0x1] =	wrdreg $0xFFFFFFFF  }
0xc1: {  	_ =	task.clear_ibuf [dreg:s6], $0x2FFFF;
	_ =	strace $0x9FFFFFFF  }
0xc2: {  	(tm) =	ssettm $0x7FFFFFFF  }
0xc3: {  	_ =	shalt  }
tec
execute0_lowered:
.L_overlay_start_1:
0x0: {  	(tag) =	ssettag $0x1  }
0x1: {  	s0 =	rddreg [dreg:$0x0]  }
0x2: {  	s1 =	rddreg [dreg:$0x1];
	s2 =	srdreg.scid  }
0x3: {  	s3 =	simm.s32 $0x0;
	s26 =	stileid.u32;
	s19 =	simm.s32 $0x3  }
0x4: {  	s20 =	simm.s32 $0x400;
	s21 =	simm.s32 $0x4400;
	s28 =	simm.s32 $0x180  }
0x5: {  	s29 =	simm.s32 $0x200;
	s30 =	simm.s32 $0x280;
	s31 =	simm.s32 $0x0  }
0x6: {  	s2 =	sand.u32 $0x1, s2;
	[smem:$0x7FF] =	sst s3;
	s6 =	smul.u32 $0x14000, s26  }
0x7: {  	s5 =	sshll.u32 s26, $0x1;
	s18 =	sadd.s32 $0x3E00, s0;
	s22 =	smul.u32 $0x50000, s26  }
0x8: {  	p1 =	sgt.u32 s26, $0x3;
	s4 =	smul.u32 $0x140000, s2;
	s16 =	sor.u32 s2, s5  }
0x9: {  	_ =	strace $0x80000047;
	s2 =	ssub.s32 $0x2, s2;
	s5 =	sshll.u32 s16, $0x7  }
0xa: {  	s23 =	sshrl.u32 s2, $0x1;
	s10 =	sshll.u32 s16, $0xB;
	s24 =	sor.u32 $0xC0, s16  }
0xb: {  	s4 =	sadd.s32 s6, s4;
	s5 =	sadd.s32 s5, s0;
	s6 =	sshrl.u32 s22, $0x2  }
0xc: {  	s2 =	ssub.s32 s2, s23;
	s10 =	sadd.s32 s18, s10;
	s25 =	sshll.u32 s24, $0xB  }
0xd: {  	p0 =	sgt.u32 s24, $0xC7;
	s22 =	simm.s32 $0x1;
	s23 =	simm.s32 $0x80  }
0xe: {  	s24 =	simm.s32 $0x4;
	s4 =	sshrl.u32 s4, $0x3;
	s12 =	smax.u32 s2, $0x1  }
0xf: {  	s13 =	sadd.s32 $0x10000, s10;
	s14 =	sadd.s32 $0x20000, s10;
	s15 =	sadd.s32 $0x30000, s10  }
0x10: {  	s16 =	sadd.s32 $0x40000, s10;
	s17 =	sadd.s32 $0x50000, s10;
	s18 =	sadd.s32 s18, s25  }
0x11: {  	s0 =	sadd.s32 s4, s0;
	s4 =	sadd.s32 $0x2E00, s5;
	s5 =	sadd.s32 s6, s1  }
0x12: {  	s25 =	simm.s32 $0x2;
	s6 =	sadd.s32 $0x4000, s5;
	s7 =	sadd.s32 $0x8000, s5  }
0x13: {  	v0 =	vimm.f32 $0.0e+00;
	s8 =	sadd.s32 $0xC000, s5;
	s9 =	sadd.s32 $0x10000, s5;
	s11 =	sadd.s32 $0x67E00, s0  }
.LBB2_1:
0x14: {  	[tilespmem:s3], [sflag:$0x3] =	stream.linear.gather [hbm4b:s4+s3], $0x400, $0x38;
	[tilespmem:$0x1C400] =	vst v63  }
0x15: {  	_ =	swait.ge [sflag:s19], $0x400  }
0x16: {  	[sflag:s19] =	ssyncset.done $0x0  }
0x17: {  	s0 =	simm.s32 $0x0;
	s2 =	simm.s32 $0x200;
	[sflag:s19] =	ssyncadd.s32 $0xFFFFFC00  }
.LBB2_2:
0x18: {  	p2 =	sne.s32 s2, $0xFE00;
	[tilespmem:s0+$0x470] =	vst v0  }
0x19: {  	[tilespmem:s0+$0x400] =	vst v0  }
0x1a: {  	[tilespmem:s0+$0x410] =	vst v0  }
.Ltmp0:
0x1b: {  	[tilespmem:s0+$0x420] =	vst v0;
	(pc) =	sbr.rel @p2 .LBB2_2-.Ltmp0, $4  }
0x1c: {  	[tilespmem:s0+$0x430] =	vst v0  }
0x1d: {  	[tilespmem:s0+$0x440] =	vst v0  }
0x1e: {  	[tilespmem:s0+$0x450] =	vst v0  }
0x1f: {  	[tilespmem:s0+$0x460] =	vst v0;
	s0 =	sshra.s32 s2, $0x2;
	s2 =	sadd.s32 $0x200, s2  }
0x20: {  	[tilespmem:s0+$0x470] =	vst v0  }
0x21: {  	[tilespmem:s0+$0x400] =	vst v0  }
0x22: {  	[tilespmem:s0+$0x410] =	vst v0  }
0x23: {  	[tilespmem:s0+$0x420] =	vst v0  }
0x24: {  	[tilespmem:s0+$0x430] =	vst v0  }
0x25: {  	[tilespmem:s0+$0x440] =	vst v0  }
0x26: {  	[tilespmem:s0+$0x450] =	vst v0  }
0x27: {  	[tilespmem:s0+$0x460] =	vst v0  }
0x28: {  	[spmem:s5] =	stream.linear.scatter [tilespmem:s20], [sflag:$0x3], $0x4000, $0x38;
	[tilespmem:$0x1C400] =	vst v63  }
0x29: {  	_ =	swait.ge [sflag:s19], $0x4000  }
0x2a: {  	[sflag:s19] =	ssyncset.done $0x0  }
0x2b: {  	[sflag:s19] =	ssyncadd.s32 $0xFFFFC000  }
0x2c: {  	[spmem:s6] =	stream.linear.scatter [tilespmem:s20], [sflag:$0x3], $0x4000, $0x38;
	[tilespmem:$0x1C400] =	vst v63  }
0x2d: {  	_ =	swait.ge [sflag:s19], $0x4000  }
0x2e: {  	[sflag:s19] =	ssyncset.done $0x0  }
0x2f: {  	[sflag:s19] =	ssyncadd.s32 $0xFFFFC000  }
0x30: {  	[spmem:s7] =	stream.linear.scatter [tilespmem:s20], [sflag:$0x3], $0x4000, $0x38;
	[tilespmem:$0x1C400] =	vst v63  }
0x31: {  	_ =	swait.ge [sflag:s19], $0x4000  }
0x32: {  	[sflag:s19] =	ssyncset.done $0x0  }
0x33: {  	[sflag:s19] =	ssyncadd.s32 $0xFFFFC000  }
0x34: {  	[spmem:s8] =	stream.linear.scatter [tilespmem:s20], [sflag:$0x3], $0x4000, $0x38;
	[tilespmem:$0x1C400] =	vst v63  }
0x35: {  	_ =	swait.ge [sflag:s19], $0x4000  }
0x36: {  	[sflag:s19] =	ssyncset.done $0x0  }
0x37: {  	[sflag:s19] =	ssyncadd.s32 $0xFFFFC000  }
0x38: {  	[spmem:s9] =	stream.linear.scatter [tilespmem:s20], [sflag:$0x3], $0x4000, $0x38;
	[tilespmem:$0x1C400] =	vst v63  }
0x39: {  	_ =	swait.ge [sflag:s19], $0x4000  }
0x3a: {  	[sflag:s19] =	ssyncset.done $0x0  }
0x3b: {  	[sflag:s19] =	ssyncadd.s32 $0xFFFFC000  }
0x3c: {  	[bflag:$0x0] =	sbarrier.arrive $0xFFFF  }
0x3d: {  	[tilespmem:s20], [sflag:$0x1] =	stream.linear.gather [hbm4b:s10+s3], $0x4000, $0x38;
	[tilespmem:$0x1C400] =	vst v63  }
0x3e: {  	_ = 	snop  }
0x3f: {  	[tilespmem:s21], [sflag:$0x2] =	stream.linear.gather [hbm4b:s13+s3], $0x4000, $0x38;
	[tilespmem:$0x1C400] =	vst v63  }
0x40: {  	_ =	swait.ge [sflag:s22], $0x4000  }
0x41: {  	[sflag:s22] =	ssyncset.done $0x0  }
0x42: {  	[sflag:s22] =	ssyncadd.s32 $0xFFFFC000  }
0x43: {  	[spmem:s1] =	stream.indirect.scatter.add.f32 [tilespmem:s20], [sflag:$0x4], $0x80, s3, s23, $0xb8;
	[tilespmem:$0x1C400] =	vst v63  }
0x44: {  	_ =	swait.ge [sflag:s24], $0x4000  }
0x45: {  	[sflag:s24] =	ssyncset.done $0x0  }
0x46: {  	[sflag:s24] =	ssyncadd.s32 $0xFFFFC000  }
0x47: {  	[tilespmem:s20], [sflag:$0x1] =	stream.linear.gather [hbm4b:s14+s3], $0x4000, $0x38;
	[tilespmem:$0x1C400] =	vst v63  }
0x48: {  	_ =	swait.ge [sflag:s25], $0x4000  }
0x49: {  	[sflag:s25] =	ssyncset.done $0x0  }
0x4a: {  	[sflag:s25] =	ssyncadd.s32 $0xFFFFC000  }
0x4b: {  	[spmem:s1] =	stream.indirect.scatter.add.f32 [tilespmem:s21], [sflag:$0x3], $0x80, s23, s23, $0xb8;
	[tilespmem:$0x1C400] =	vst v63  }
0x4c: {  	_ =	swait.ge [sflag:s19], $0x4000  }
0x4d: {  	[sflag:s19] =	ssyncset.done $0x0  }
0x4e: {  	[sflag:s19] =	ssyncadd.s32 $0xFFFFC000  }
0x4f: {  	[tilespmem:s21], [sflag:$0x2] =	stream.linear.gather [hbm4b:s15+s3], $0x4000, $0x38;
	[tilespmem:$0x1C400] =	vst v63  }
0x50: {  	_ =	swait.ge [sflag:s22], $0x4000  }
0x51: {  	[sflag:s22] =	ssyncset.done $0x0  }
0x52: {  	s26 =	simm.s32 $0x100;
	[sflag:s22] =	ssyncadd.s32 $0xFFFFC000  }
0x53: {  	[spmem:s1] =	stream.indirect.scatter.add.f32 [tilespmem:s20], [sflag:$0x4], $0x80, s26, s23, $0xb8;
	[tilespmem:$0x1C400] =	vst v63  }
0x54: {  	_ =	swait.ge [sflag:s24], $0x4000  }
0x55: {  	[sflag:s24] =	ssyncset.done $0x0  }
0x56: {  	[sflag:s24] =	ssyncadd.s32 $0xFFFFC000  }
0x57: {  	[tilespmem:s20], [sflag:$0x1] =	stream.linear.gather [hbm4b:s16+s3], $0x4000, $0x38;
	[tilespmem:$0x1C400] =	vst v63  }
0x58: {  	_ =	swait.ge [sflag:s25], $0x4000  }
0x59: {  	[sflag:s25] =	ssyncset.done $0x0  }
0x5a: {  	[sflag:s25] =	ssyncadd.s32 $0xFFFFC000  }
0x5b: {  	[spmem:s1] =	stream.indirect.scatter.add.f32 [tilespmem:s21], [sflag:$0x3], $0x80, s28, s23, $0xb8;
	[tilespmem:$0x1C400] =	vst v63  }
0x5c: {  	_ =	swait.ge [sflag:s19], $0x4000  }
0x5d: {  	[sflag:s19] =	ssyncset.done $0x0  }
0x5e: {  	[sflag:s19] =	ssyncadd.s32 $0xFFFFC000  }
0x5f: {  	[tilespmem:s21], [sflag:$0x2] =	stream.linear.gather [hbm4b:s17+s3], $0x4000, $0x38;
	[tilespmem:$0x1C400] =	vst v63  }
0x60: {  	_ =	swait.ge [sflag:s22], $0x4000  }
0x61: {  	[sflag:s22] =	ssyncset.done $0x0  }
0x62: {  	[sflag:s22] =	ssyncadd.s32 $0xFFFFC000  }
0x63: {  	[spmem:s1] =	stream.indirect.scatter.add.f32 [tilespmem:s20], [sflag:$0x4], $0x80, s29, s23, $0xb8;
	[tilespmem:$0x1C400] =	vst v63  }
0x64: {  	_ =	swait.ge [sflag:s24], $0x4000  }
0x65: {  	[sflag:s24] =	ssyncset.done $0x0  }
0x66: {  	s0 =	simm.s32 @!p0 $0x0;
	s2 =	simm.s32 @!p0 $0x400;
	[sflag:s24] =	ssyncadd.s32 $0xFFFFC000  }
0x67: {  	[tilespmem:s2], [sflag:$0x1] =	stream.linear.gather @!p0 [hbm4b:s18+s0], $0x4000, $0x38;
	[tilespmem:$0x1C400] =	vst v63  }
0x68: {  	_ =	swait.ge [sflag:s25], $0x4000  }
0x69: {  	[sflag:s25] =	ssyncset.done $0x0  }
0x6a: {  	[sflag:s25] =	ssyncadd.s32 $0xFFFFC000  }
0x6b: {  	[spmem:s1] =	stream.indirect.scatter.add.f32 [tilespmem:s21], [sflag:$0x3], $0x80, s30, s23, $0xb8;
	[tilespmem:$0x1C400] =	vst v63  }
0x6c: {  	_ =	swait.ge [sflag:s19], $0x4000  }
0x6d: {  	[sflag:s19] =	ssyncset.done $0x0  }
0x6e: {  	s0 =	simm.s32 @!p1 $0x1;
	[sflag:s19] =	ssyncadd.s32 $0xFFFFC000  }
0x6f: {  	_ =	swait.ge @!p1 [sflag:s0], $0x4000  }
0x70: {  	s26 =	simm.s32 @!p1 $0x400;
	[sflag:s0] =	ssyncset.done @!p1 $0x0  }
0x71: {  	s2 =	simm.s32 @!p1 $0x300;
	[sflag:s0] =	ssyncadd.s32 @!p1 $0xFFFFC000;
	s0 =	simm.s32 @!p1 $0x80  }
0x72: {  	[spmem:s1] =	stream.indirect.scatter.add.f32 @!p1 [tilespmem:s26], [sflag:$0x4], $0x80, s2, s0, $0xb8;
	[tilespmem:$0x1C400] =	vst v63  }
0x73: {  	s0 =	simm.s32 @!p1 $0x4  }
0x74: {  	s31 =	sadd.s32 $0x1, s31;
	_ =	swait.ge @!p1 [sflag:s0], $0x4000  }
0x75: {  	p2 =	sne.s32 s31, s12;
	s2 =	stileid.u32;
	[sflag:s0] =	ssyncset.done @!p1 $0x0  }
0x76: {  	s26 =	sshrl.u32 s5, $0x3;
	[sflag:s0] =	ssyncadd.s32 @!p1 $0xFFFFC000;
	s0 =	sshll.u32 s2, $0x6  }
.Ltmp1:
0x77: {  	[bflag:$0x0] =	sbarrier.arrive $0xFFFF;
	s0 =	sor.u32 $0x1C03, s0;
	(pc) =	sbr.rel @p2 .LBB2_1-.Ltmp1, $4  }
0x78: {  	[hbm:s11], [sflag:s0] =	dma.local [spmem:s26], $0x2800  }
0x79: {  	_ =	swait.ge [sflag:s19], $0x2800  }
0x7a: {  	[sflag:s19] =	ssyncset.done $0x0  }
0x7b: {  	[sflag:s19] =	ssyncadd.s32 $0xFFFFD800  }
0x7c: {  	_ =	sfence.sel $0x180000  }
0x7d: {  	[bflag:$0x0] =	sbarrier.arrive $0xFFFF  }
0x7e: {  	_ =	strace $0x90000047  }
0x7f: {  	s0 =	stileid.u32;
	[bflag:$0x2] =	sbarrier.arrive $0xFFFF  }
0x80: {  	p0 =	sne.s32 s0, $0x0;
	s0 =	rddreg [dreg:$0x2]  }
0x81: {  	s0 =	sadd.s32 @!p0 $0x100000, s0  }
0x82: {  	[sflag:s0] =	ssyncadd.tile.s32 @!p0 $0x1;
	_ =	shalt  }
.Lfunc_end2:
_tile_overlayer_lowered:
.L_overlay_start_2:
0x83: {  	(tag) =	ssettag $0x2  }
0x84: {  	s0 =	rddreg [dreg:$0x0];
	s2 =	stileid.u32  }
0x85: {  	s1 =	rddreg [dreg:$0x1];
	p0 =	sne.s32 s2, $0x0  }
0x86: {  	s3 =	rddreg [dreg:$0x2];
	[bflag:$0x3] =	sbarrier.arrive $0xFFFF;
	s2 =	simm.s32 @!p0 $0x1C03  }
0x87: {  	[timem:s3], [sflag:s2] =	dma.local @!p0 [hbm:s0], s1  }
0x88: {  	s0 =	simm.s32 @!p0 $0x3  }
0x89: {  	_ =	swait.ge @!p0 [sflag:s0], s1  }
0x8a: {  	s1 =	ssub.s32 @!p0 $0x0, s1;
	[sflag:s0] =	ssyncset.done @!p0 $0x0  }
0x8b: {  	[sflag:s0] =	ssyncadd.s32 @!p0 s1  }
0x8c: {  	[bflag:$0x3] =	sbarrier.arrive $0xFFFF  }
0x8d: {  	_ =	shalt  }

// kernel: kernel.15.cloned.1.call-start
scs
__scs_entry_jumppad:
0x0: {  	(pc) =	sbr.rel $0x88, $3  }
0x1: {  	(tag) =	ssettag $0x0;
	lr =	simm.s32 $0x1  }
0x2: {  	[smem:$0x3F95] =	sst lr;
	_ =	strace $0xD0000000  }
0x3: {  	_ = 	snop  }
0x4: {  	_ = 	snop  }
0x5: {  	_ = 	snop  }
0x6: {  	_ = 	snop  }
0x7: {  	_ = 	snop  }
__scs_overlays_trampoline_lowered:
0x8: {  	[smem:$0x3FA4] =	sst s0  }
0x9: {  	[smem:$0x3FA5] =	sst s1  }
0xa: {  	[smem:$0x3FA6] =	sst s2  }
0xb: {  	[smem:$0x3FA7] =	sst s3  }
0xc: {  	[smem:$0x3FA8] =	sst s4  }
0xd: {  	[smem:$0x3FA9] =	sst s5  }
0xe: {  	[smem:$0x3FAA] =	sst s6  }
0xf: {  	[smem:$0x3FAB] =	sst s7  }
0x10: {  	[smem:$0x3FAC] =	sst s8  }
0x11: {  	[smem:$0x3FAD] =	sst s9;
	s0 =	simm.s32 @!p0 $0x0  }
0x12: {  	s1 =	sld [smem:$0x3F93];
	s0 =	simm.s32 @p0 $0x1  }
0x13: {  	[smem:$0x3FAE] =	sst s0;
	s0 =	simm.s32 @!p1 $0x0  }
0x14: {  	s2 =	sld [smem:$0x3F92];
	s0 =	simm.s32 @p1 $0x1  }
0x15: {  	[smem:$0x3FAF] =	sst s0;
	s0 =	simm.s32 @!p2 $0x0  }
0x16: {  	s3 =	sld [smem:$0x3FDB];
	s0 =	simm.s32 @p2 $0x1  }
0x17: {  	s4 =	simm.s32 $0x1BF5;
	[smem:$0x3FB1] =	sst s0  }
0x18: {  	s0 =	sld [smem:$0x3F94];
	_ =	swait.ge [sflag:s4], $0x0  }
0x19: {  	s7 =	sld [smem:$0x3F95]  }
0x1a: {  	s8 =	sadd.s32 $0xFFFFE003, lr  }
0x1b: {  	s9 =	sadd.s32 $0xFFFFFEF7, lr;
	s5 =	simm.s32 $0xFFFFFFFF;
	p2 =	slt.u32 s8, $0xFFFFF086  }
0x1c: {  	p1 =	slt.u32 s9, $0xF7A;
	s5 =	simm.s32 @!p2 $0x0  }
0x1d: {  	s5 =	simm.s32 @p1 $0x1;
	p0 =	seq.s32 s7, s2  }
0x1e: {  	s7 =	smul.u32 @!p0 $0xF7A, s2;
	p2 =	seq.s32 @!p0 s5, $0x0  }
0x1f: {  	s9 =	smul.u32 $0xF7A, s1;
	s8 =	simm.s32 @!p0 $0x1BF5;
	p2 =	por !p2, p0  }
0x20: {  	[sflag:s8] =	ssyncset.s32 @!p0 $0xFFFFF086;
	s6 =	sadd.s32 @!p0 s3, s7;
	s7 =	simm.s32 @!p0 $0x108  }
0x21: {  	s3 =	sadd.s32 s3, s9;
	s6 =	sadd.s32 @!p0 $0x88, s6;
	s7 =	simm.s32 @p2 $0x1082  }
0x22: {  	[simem:s7], [sflag:s8] =	dma.local @!p0 [hbm:s6], $0xF7A  }
0x23: {  	s9 =	sor.u32 $0xD0000000, s2;
	s6 =	simm.s32 $0x108;
	_ =	swait.ge @!p0 [sflag:s8], $0x0  }
0x24: {  	s3 =	sadd.s32 $0x88, s3;
	s6 =	simm.s32 @!p1 $0x1082;
	[sflag:s4] =	ssyncset.s32 $0xFFFFF086  }
0x25: {  	[simem:s6], [sflag:s4] =	dma.local [hbm:s3], $0xF7A  }
0x26: {  	[smem:$0x3F95] =	sst s1;
	(tag) =	ssettag s2;
	_ =	strace s9  }
0x27: {  	s1 =	sld [smem:$0x3FA5]  }
0x28: {  	s2 =	sld [smem:$0x3FA6]  }
0x29: {  	s4 =	sld [smem:$0x3FA8]  }
0x2a: {  	p0 =	seq.s32 s5, $0x0;
	s5 =	sld [smem:$0x3FA9]  }
0x2b: {  	s6 =	sld [smem:$0x3FAA]  }
0x2c: {  	s7 =	sld [smem:$0x3FAB]  }
0x2d: {  	s3 =	simm.s32 $0x108;
	s8 =	sld [smem:$0x3FAC]  }
0x2e: {  	s3 =	simm.s32 @!p0 $0x1082;
	s9 =	sld [smem:$0x3FAD]  }
0x2f: {  	lr =	sadd.s32 s0, s3;
	s0 =	sld [smem:$0x3FA4]  }
0x30: {  	s3 =	sld [smem:$0x3FA7]  }
0x31: {  	[smem:$0x3FB0] =	sst s10  }
0x32: {  	s10 =	sld [smem:$0x3FAE];
	_ =	sdelay $0x3  }
0x33: {  	p0 =	seq.s32 s10, $0x1;
	s10 =	sld [smem:$0x3FB0];
	_ =	sdelay $0x3  }
0x34: {  	[smem:$0x3FB0] =	sst s10  }
0x35: {  	s10 =	sld [smem:$0x3FAF];
	_ =	sdelay $0x3  }
0x36: {  	p1 =	seq.s32 s10, $0x1;
	s10 =	sld [smem:$0x3FB0];
	_ =	sdelay $0x3  }
0x37: {  	[smem:$0x3FB0] =	sst s10  }
0x38: {  	s10 =	sld [smem:$0x3FB1]  }
0x39: {  	_ = 	snop;
	(pc) =	sbr.ind lr, $3  }
0x3a: {  	_ = 	snop  }
0x3b: {  	_ = 	snop  }
0x3c: {  	p2 =	seq.s32 s10, $0x1;
	s10 =	sld [smem:$0x3FB0]  }
0x3d: {  	_ =	shalt  }
0x3e: {  	_ =	shalt  }
0x3f: {  	_ =	shalt  }
0x40: {  	_ =	shalt  }
0x41: {  	_ =	shalt  }
0x42: {  	_ =	shalt  }
0x43: {  	_ =	shalt  }
0x44: {  	_ =	shalt  }
0x45: {  	_ =	shalt  }
0x46: {  	_ =	shalt  }
0x47: {  	_ =	shalt  }
0x48: {  	_ =	shalt  }
0x49: {  	_ =	shalt  }
0x4a: {  	_ =	shalt  }
0x4b: {  	_ =	shalt  }
0x4c: {  	_ =	shalt  }
0x4d: {  	_ =	shalt  }
0x4e: {  	_ =	shalt  }
0x4f: {  	_ =	shalt  }
0x50: {  	_ =	shalt  }
0x51: {  	_ =	shalt  }
0x52: {  	_ =	shalt  }
0x53: {  	_ =	shalt  }
0x54: {  	_ =	shalt  }
0x55: {  	_ =	shalt  }
0x56: {  	_ =	shalt  }
0x57: {  	_ =	shalt  }
0x58: {  	_ =	shalt  }
0x59: {  	_ =	shalt  }
0x5a: {  	_ =	shalt  }
0x5b: {  	_ =	shalt  }
0x5c: {  	_ =	shalt  }
0x5d: {  	_ =	shalt  }
0x5e: {  	_ =	shalt  }
0x5f: {  	_ =	shalt  }
0x60: {  	_ =	shalt  }
0x61: {  	_ =	shalt  }
0x62: {  	_ =	shalt  }
0x63: {  	_ =	shalt  }
0x64: {  	_ =	shalt  }
0x65: {  	_ =	shalt  }
0x66: {  	_ =	shalt  }
0x67: {  	_ =	shalt  }
0x68: {  	_ =	shalt  }
0x69: {  	_ =	shalt  }
0x6a: {  	_ =	shalt  }
0x6b: {  	_ =	shalt  }
0x6c: {  	_ =	shalt  }
0x6d: {  	_ =	shalt  }
0x6e: {  	_ =	shalt  }
0x6f: {  	_ =	shalt  }
0x70: {  	_ =	shalt  }
0x71: {  	_ =	shalt  }
0x72: {  	_ =	shalt  }
0x73: {  	_ =	shalt  }
0x74: {  	_ =	shalt  }
0x75: {  	_ =	shalt  }
0x76: {  	_ =	shalt  }
0x77: {  	_ =	shalt  }
0x78: {  	_ =	shalt  }
0x79: {  	_ =	shalt  }
0x7a: {  	_ =	shalt  }
0x7b: {  	_ =	shalt  }
0x7c: {  	_ =	shalt  }
0x7d: {  	_ =	shalt  }
0x7e: {  	_ =	shalt  }
0x7f: {  	_ =	shalt  }
0x80: {  	_ =	shalt  }
0x81: {  	_ =	shalt  }
0x82: {  	_ =	shalt  }
0x83: {  	_ =	shalt  }
0x84: {  	_ =	shalt  }
0x85: {  	_ =	shalt  }
0x86: {  	_ =	shalt  }
0x87: {  	_ =	shalt  }
.Lfunc_end0:
.L_simem_size_0:
called_computation.1_lowered:
.L_overlay_start_0:
0x88: {  	s2 =	sld [smem:$0x3FD9]  }
0x89: {  	s3 =	sld [smem:$0x3FFE];
	_ =	sdelay $0x1  }
0x8a: {  	s1 =	srdreg.scid  }
0x8b: {  	s0 =	sand.u32 $0x1, s1  }
0x8c: {  	s17 =	sshll.u32 s0, $0xA;
	s2 =	sadd.s32 s3, s2  }
0x8d: {  	s2 =	sadd.s32 s2, s17  }
0x8e: {  	[smem:$0x3FBC] =	sst s2  }
0x8f: {  	_ = 	snop  }
0x90: {  	(tm) =	ssettm $0x1  }
0x91: {  	s18 =	sld [smem:$0x3FFB];
	_ =	sdelay $0x3  }
0x92: {  	_ =	strace s18  }
0x93: {  	s2 =	sld [smem:$0x3FFC];
	_ =	sdelay $0x3  }
0x94: {  	_ =	strace s2  }
0x95: {  	s2 =	sld [smem:$0x3FFD];
	_ =	sdelay $0x3  }
0x96: {  	_ =	strace s2  }
0x97: {  	_ =	strace $0x8FFFFFFF  }
0x98: {  	s19 =	sld [smem:$0x3FDB];
	_ =	sdelay $0x1  }
0x99: {  	s20 =	simm.s32 $_scs_section_size  }
0x9a: {  	s4 =	simm.s32 $_size__tile_overlayer_lowered;
	s5 =	simm.s32 $_tile_overlayer_lowered  }
0x9b: {  	s6 =	simm.s32 $0x1BFF;
	s21 =	sshll.u32 s5, $0x1;
	s3 =	sadd.s32 s20, s19  }
0x9c: {  	s22 =	simm.s32 $0x0;
	s4 =	sshll.u32 s4, $0x1;
	s5 =	sadd.s32 s21, s3  }
0x9d: {  	[timem:s22], [sflag:s6] =	dma.local [hbm:s5], s4  }
0x9e: {  	_ =	swait.ge [sflag:s6], s4  }
0x9f: {  	s4 =	ssub.s32 $0x0, s4;
	[sflag:s6] =	ssyncset.done $0x0  }
0xa0: {  	[sflag:s6] =	ssyncadd.s32 s4;
	_ =	sdelay $0x1  }
0xa1: {  	s23 =	simm.s32 $0x1B8B  }
0xa2: {  	_ =	swait.ge [sflag:s23], $0x1  }
0xa3: {  	[sflag:s23] =	ssyncset.done $0x0  }
0xa4: {  	[sflag:s23] =	ssyncadd.s32 $0xFFFFFFFF  }
0xa5: {  	s4 =	sld [smem:$0x0]  }
0xa6: {  	s5 =	sand.u32 $0xFFFFFFFE, s1  }
0xa7: {  	p0 =	sne.s32 s1, s5  }
0xa8: {  	s5 =	sshll.u32 @p0 s5, $0xE  }
0xa9: {  	s5 =	sadd.s32 @p0 $0x11B8D, s5;
	s6 =	sshll.u32 @p0 s4, $0x11  }
0xaa: {  	s5 =	sor.u32 @p0 s6, s5  }
0xab: {  	[sflag:s5] =	ssyncadd.remote.s32 @p0 $0x1;
	_ =	sdelay $0x1  }
0xac: {  	s5 =	simm.s32 @p0 $0x1B8D  }
0xad: {  	_ =	swait.eq @p0 [sflag:s5], $0x1  }
0xae: {  	[sflag:s5] =	ssyncadd.s32 @p0 $0xFFFFFFFF  }
0xaf: {  	s6 =	sshll.u32 @!p0 s1, $0xE  }
0xb0: {  	s6 =	sor.u32 @!p0 $0x4000, s6;
	s5 =	simm.s32 @!p0 $0x1B8D  }
0xb1: {  	s4 =	sshll.u32 @!p0 s4, $0x11;
	s6 =	sadd.s32 @!p0 $0x11B8D, s6;
	_ =	swait.eq @!p0 [sflag:s5], $0x1  }
0xb2: {  	s4 =	sor.u32 @!p0 s4, s6;
	[sflag:s5] =	ssyncadd.s32 @!p0 $0xFFFFFFFF  }
0xb3: {  	s25 =	simm.s32 $0x1B8E;
	s24 =	sld [smem:$0x3FFE];
	[sflag:s4] =	ssyncadd.remote.s32 @!p0 $0x1  }
0xb4: {  	s26 =	simm.s32 $execute0_lowered;
	[smem:$0x3FD2] =	sst s25  }
0xb5: {  	s5 =	sshll.u32 s26, $0x1;
	_ =	strace $0x80000049;
	[dreg:$0x1] =	wrdreg $0xFFFFFFFF  }
0xb6: {  	s28 =	simm.s32 $_size_execute0_lowered;
	s3 =	sadd.s32 s3, s5;
	[dreg:$0x0] =	wrdreg $0x0  }
0xb7: {  	s5 =	sshll.u32 s28, $0x1;
	[dreg:$0x2] =	wrdreg s3  }
0xb8: {  	[dreg:$0x3] =	wrdreg s5  }
0xb9: {  	[dreg:$0x4] =	wrdreg $0xC0  }
0xba: {  	_ =	task [dreg:s22], $0x5FFFF  }
0xbb: {  	[dreg:$0x1] =	wrdreg $0xFFFFFFFF  }
0xbc: {  	[dreg:$0x0] =	wrdreg $0x60  }
0xbd: {  	[dreg:$0x2] =	wrdreg s24  }
0xbe: {  	[dreg:$0x3] =	wrdreg $0x8C000  }
0xbf: {  	[dreg:$0x4] =	wrdreg $0xA  }
0xc0: {  	_ =	task.clear_ibuf [dreg:s22], $0x5FFFF;
	_ =	strace $0x90000049  }
0xc1: {  	s29 =	simm.s32 $0xA;
	_ =	strace $0x8000004B  }
0xc2: {  	_ =	swait.ge [sflag:s29], $0x1  }
0xc3: {  	[sflag:s29] =	ssyncadd.s32 $0xFFFFFFFF  }
0xc4: {  	_ =	strace $0x9000004B  }
0xc5: {  	_ =	sfence  }
0xc6: {  	s30 =	sld [smem:$0x0];
	_ =	sdelay $0x2  }
0xc7: {  	s31 =	sshll.u32 s1, $0xD;
	s1 =	sshrl.u32 s1, $0x2  }
0xc8: {  	s4 =	sand.u32 $0x4000, s31;
	s1 =	sadd.s32 s1, s30  }
0xc9: {  	s0 =	sor.u32 s4, s0;
	s1 =	sshll.u32 s1, $0x11  }
0xca: {  	s0 =	sor.u32 s1, s0  }
0xcb: {  	s0 =	sadd.s32 $0x8F2B, s0  }
0xcc: {  	[sflag:s0] =	ssyncadd.remote.s32 $0x1  }
0xcd: {  	_ =	sfence.sel $0xFFFF  }
0xce: {  	[dreg:$0x0] =	wrdreg $0xFFFFFFFF;
	(pc) =	sbr.abs _section_cstart, $3  }
0xcf: {  	[dreg:$0x1] =	wrdreg $0xFFFFFFFF  }
0xd0: {  	_ =	task.clear_ibuf [dreg:s22], $0x2FFFF;
	_ =	strace $0x9FFFFFFF  }
0xd1: {  	(tm) =	ssettm $0x7FFFFFFF  }
tec
execute0_lowered:
.L_overlay_start_1:
0x0: {  	(tag) =	ssettag $0x1  }
0x1: {  	s1 =	srdreg.scid  }
0x2: {  	s0 =	stileid.u32;
	s4 =	rddreg [dreg:$0x0]  }
0x3: {  	s2 =	rddreg [dreg:$0x1];
	s3 =	simm.s32 $0x0;
	s17 =	simm.s32 $0x4C00  }
0x4: {  	s18 =	simm.s32 $0x1;
	s19 =	simm.s32 $0x80;
	s20 =	simm.s32 $0x4  }
0x5: {  	s21 =	simm.s32 $0x2;
	s11 =	sand.u32 $0x1, s1;
	s1 =	rddreg [dreg:$0x2]  }
0x6: {  	s25 =	sshll.u32 s0, $0x1;
	[smem:$0x7FF] =	sst s3;
	s7 =	smul.u32 $0x14000, s0  }
0x7: {  	s8 =	smul.u32 $0x50000, s0;
	s13 =	sadd.s32 $0xB7E00, s4;
	s16 =	sshll.u32 s0, $0xC  }
0x8: {  	s12 =	sor.u32 s11, s25;
	s6 =	smul.u32 $0x140000, s11;
	_ =	strace $0x8000004A  }
0x9: {  	s26 =	ssub.s32 $0x2, s11;
	s29 =	sadd.s32 s16, s13;
	s30 =	sshll.u32 s11, $0xB  }
0xa: {  	s5 =	smul.u32 $0x180, s12;
	s8 =	sshrl.u32 s8, $0x2;
	s28 =	sshrl.u32 s26, $0x1  }
0xb: {  	s10 =	sshll.u32 s12, $0xB;
	s22 =	sor.u32 $0x2A0, s12;
	s16 =	sadd.s32 s30, s29  }
0xc: {  	s6 =	sadd.s32 s7, s6;
	s15 =	ssub.s32 s26, s28;
	s10 =	sadd.s32 s13, s10  }
0xd: {  	s31 =	sshll.u32 s22, $0xB;
	p0 =	sgt.u32 s22, $0x2BB;
	s22 =	simm.s32 $0x0  }
0xe: {  	s5 =	sadd.s32 s5, s4;
	s6 =	sshrl.u32 s6, $0x3;
	s12 =	smax.u32 s15, $0x1  }
0xf: {  	s13 =	sadd.s32 s13, s31;
	s14 =	sadd.s32 s6, s4;
	s4 =	sadd.s32 s8, s2  }
0x10: {  	s15 =	simm.s32 $0x3;
	s5 =	sadd.s32 $0x215E00, s5;
	s6 =	sadd.s32 $0x4000, s4  }
0x11: {  	s7 =	sadd.s32 $0x8000, s4;
	s8 =	sadd.s32 $0xC000, s4;
	s9 =	sadd.s32 $0x10000, s4  }
0x12: {  	v0 =	vimm.f32 $0.0e+00;
	s11 =	sadd.s32 $0x218E00, s14;
	s14 =	sadd.s32 $0x20000, s16;
	s16 =	simm.s32 $0xC00  }
.LBB2_1:
0x13: {  	[tilespmem:s3], [sflag:$0x3] =	stream.linear.gather [hbm4b:s5+s3], $0xB00, $0x38;
	[tilespmem:$0x1CC00] =	vst v63  }
0x14: {  	_ =	swait.ge [sflag:s15], $0xB00  }
0x15: {  	[sflag:s15] =	ssyncset.done $0x0  }
0x16: {  	s23 =	simm.s32 $0x0;
	s24 =	simm.s32 $0x200;
	[sflag:s15] =	ssyncadd.s32 $0xFFFFF500  }
.LBB2_2:
0x17: {  	p1 =	sne.s32 s24, $0xFE00;
	[tilespmem:s23+$0xC70] =	vst v0  }
0x18: {  	[tilespmem:s23+$0xC00] =	vst v0  }
0x19: {  	[tilespmem:s23+$0xC10] =	vst v0  }
.Ltmp0:
0x1a: {  	[tilespmem:s23+$0xC20] =	vst v0;
	(pc) =	sbr.rel @p1 .LBB2_2-.Ltmp0, $4  }
0x1b: {  	[tilespmem:s23+$0xC30] =	vst v0  }
0x1c: {  	[tilespmem:s23+$0xC40] =	vst v0  }
0x1d: {  	[tilespmem:s23+$0xC50] =	vst v0  }
0x1e: {  	[tilespmem:s23+$0xC60] =	vst v0;
	s23 =	sshra.s32 s24, $0x2;
	s24 =	sadd.s32 $0x200, s24  }
0x1f: {  	[tilespmem:s23+$0xC70] =	vst v0  }
0x20: {  	[tilespmem:s23+$0xC00] =	vst v0  }
0x21: {  	[tilespmem:s23+$0xC10] =	vst v0  }
0x22: {  	[tilespmem:s23+$0xC20] =	vst v0  }
0x23: {  	[tilespmem:s23+$0xC30] =	vst v0  }
0x24: {  	[tilespmem:s23+$0xC40] =	vst v0  }
0x25: {  	[tilespmem:s23+$0xC50] =	vst v0  }
0x26: {  	[tilespmem:s23+$0xC60] =	vst v0  }
0x27: {  	[spmem:s4] =	stream.linear.scatter [tilespmem:s16], [sflag:$0x3], $0x4000, $0x38;
	[tilespmem:$0x1CC00] =	vst v63  }
0x28: {  	_ =	swait.ge [sflag:s15], $0x4000  }
0x29: {  	[sflag:s15] =	ssyncset.done $0x0  }
0x2a: {  	[sflag:s15] =	ssyncadd.s32 $0xFFFFC000  }
0x2b: {  	[spmem:s6] =	stream.linear.scatter [tilespmem:s16], [sflag:$0x3], $0x4000, $0x38;
	[tilespmem:$0x1CC00] =	vst v63  }
0x2c: {  	_ =	swait.ge [sflag:s15], $0x4000  }
0x2d: {  	[sflag:s15] =	ssyncset.done $0x0  }
0x2e: {  	[sflag:s15] =	ssyncadd.s32 $0xFFFFC000  }
0x2f: {  	[spmem:s7] =	stream.linear.scatter [tilespmem:s16], [sflag:$0x3], $0x4000, $0x38;
	[tilespmem:$0x1CC00] =	vst v63  }
0x30: {  	_ =	swait.ge [sflag:s15], $0x4000  }
0x31: {  	[sflag:s15] =	ssyncset.done $0x0  }
0x32: {  	[sflag:s15] =	ssyncadd.s32 $0xFFFFC000  }
0x33: {  	[spmem:s8] =	stream.linear.scatter [tilespmem:s16], [sflag:$0x3], $0x4000, $0x38;
	[tilespmem:$0x1CC00] =	vst v63  }
0x34: {  	_ =	swait.ge [sflag:s15], $0x4000  }
0x35: {  	[sflag:s15] =	ssyncset.done $0x0  }
0x36: {  	[sflag:s15] =	ssyncadd.s32 $0xFFFFC000  }
0x37: {  	[spmem:s9] =	stream.linear.scatter [tilespmem:s16], [sflag:$0x3], $0x4000, $0x38;
	[tilespmem:$0x1CC00] =	vst v63  }
0x38: {  	_ =	swait.ge [sflag:s15], $0x4000  }
0x39: {  	[sflag:s15] =	ssyncset.done $0x0  }
0x3a: {  	[sflag:s15] =	ssyncadd.s32 $0xFFFFC000  }
0x3b: {  	s28 =	simm.s32 $0x0;
	[bflag:$0x0] =	sbarrier.arrive $0xFFFF  }
0x3c: {  	[tilespmem:s16], [sflag:$0x1] =	stream.linear.gather [hbm4b:s10+s28], $0x4000, $0x38;
	[tilespmem:$0x1CC00] =	vst v63  }
0x3d: {  	s29 =	sadd.s32 $0xFFFF0000, s14  }
0x3e: {  	[tilespmem:s17], [sflag:$0x2] =	stream.linear.gather [hbm4b:s29+s3], $0x4000, $0x38;
	[tilespmem:$0x1CC00] =	vst v63  }
0x3f: {  	_ =	swait.ge [sflag:s18], $0x4000  }
0x40: {  	[sflag:s18] =	ssyncset.done $0x0  }
0x41: {  	s30 =	simm.s32 $0x0;
	[sflag:s18] =	ssyncadd.s32 $0xFFFFC000  }
0x42: {  	[spmem:s2] =	stream.indirect.scatter.add.f32 [tilespmem:s16], [sflag:$0x4], $0x80, s30, s19, $0xb8;
	[tilespmem:$0x1CC00] =	vst v63  }
0x43: {  	_ =	swait.ge [sflag:s20], $0x4000  }
0x44: {  	[sflag:s20] =	ssyncset.done $0x0  }
0x45: {  	[sflag:s20] =	ssyncadd.s32 $0xFFFFC000  }
0x46: {  	[tilespmem:s16], [sflag:$0x1] =	stream.linear.gather [hbm4b:s14+s3], $0x4000, $0x38;
	[tilespmem:$0x1CC00] =	vst v63  }
0x47: {  	_ =	swait.ge [sflag:s21], $0x4000  }
0x48: {  	[sflag:s21] =	ssyncset.done $0x0  }
0x49: {  	s31 =	simm.s32 $0x80;
	[sflag:s21] =	ssyncadd.s32 $0xFFFFC000  }
0x4a: {  	[spmem:s2] =	stream.indirect.scatter.add.f32 [tilespmem:s17], [sflag:$0x3], $0x80, s31, s19, $0xb8;
	[tilespmem:$0x1CC00] =	vst v63  }
0x4b: {  	s24 =	simm.s32 $0x400;
	_ =	swait.ge [sflag:s15], $0x4000  }
0x4c: {  	s25 =	simm.s32 $0x800;
	s23 =	sadd.s32 $0x20000, s14;
	[sflag:s15] =	ssyncset.done $0x0  }
.LBB2_4:
0x4d: {  	p1 =	sne.s32 s25, $0x2400;
	s26 =	sadd.s32 $0xFFFF0000, s23;
	[sflag:s15] =	ssyncadd.s32 $0xFFFFC000  }
0x4e: {  	[tilespmem:s17], [sflag:$0x2] =	stream.linear.gather [hbm4b:s26+s3], $0x4000, $0x38;
	[tilespmem:$0x1CC00] =	vst v63  }
0x4f: {  	s26 =	smov.u32 s25;
	s25 =	sadd.s32 $0x400, s25;
	_ =	swait.ge [sflag:s18], $0x4000  }
0x50: {  	[sflag:s18] =	ssyncset.done $0x0  }
0x51: {  	s28 =	sshra.s32 s24, $0x2;
	s24 =	smov.u32 s26;
	[sflag:s18] =	ssyncadd.s32 $0xFFFFC000  }
0x52: {  	[spmem:s2] =	stream.indirect.scatter.add.f32 [tilespmem:s16], [sflag:$0x4], $0x80, s28, s19, $0xb8;
	[tilespmem:$0x1CC00] =	vst v63  }
0x53: {  	_ =	swait.ge [sflag:s20], $0x4000  }
0x54: {  	[sflag:s20] =	ssyncset.done $0x0  }
0x55: {  	[sflag:s20] =	ssyncadd.s32 $0xFFFFC000  }
0x56: {  	[tilespmem:s16], [sflag:$0x1] =	stream.linear.gather [hbm4b:s23+s3], $0x4000, $0x38;
	[tilespmem:$0x1CC00] =	vst v63  }
0x57: {  	_ =	swait.ge [sflag:s21], $0x4000  }
.Ltmp1:
0x58: {  	[sflag:s21] =	ssyncset.done $0x0;
	(pc) =	sbr.rel @p1 .LBB2_4-.Ltmp1, $4  }
0x59: {  	s26 =	sadd.s32 $0x80, s28;
	[sflag:s21] =	ssyncadd.s32 $0xFFFFC000  }
0x5a: {  	[spmem:s2] =	stream.indirect.scatter.add.f32 [tilespmem:s17], [sflag:$0x3], $0x80, s26, s19, $0xb8;
	[tilespmem:$0x1CC00] =	vst v63  }
0x5b: {  	_ =	swait.ge [sflag:s15], $0x4000  }
0x5c: {  	s23 =	sadd.s32 $0x20000, s23;
	[sflag:s15] =	ssyncset.done $0x0  }
0x5d: {  	s25 =	sadd.s32 $0xFFFF0000, s23;
	[sflag:s15] =	ssyncadd.s32 $0xFFFFC000  }
0x5e: {  	[tilespmem:s17], [sflag:$0x2] =	stream.linear.gather [hbm4b:s25+s3], $0x4000, $0x38;
	[tilespmem:$0x1CC00] =	vst v63  }
0x5f: {  	_ =	swait.ge [sflag:s18], $0x4000  }
0x60: {  	[sflag:s18] =	ssyncset.done $0x0  }
0x61: {  	s24 =	sshra.s32 s24, $0x2;
	[sflag:s18] =	ssyncadd.s32 $0xFFFFC000  }
0x62: {  	[spmem:s2] =	stream.indirect.scatter.add.f32 [tilespmem:s16], [sflag:$0x4], $0x80, s24, s19, $0xb8;
	[tilespmem:$0x1CC00] =	vst v63  }
0x63: {  	_ =	swait.ge [sflag:s20], $0x4000  }
0x64: {  	[sflag:s20] =	ssyncset.done $0x0  }
0x65: {  	[sflag:s20] =	ssyncadd.s32 $0xFFFFC000  }
0x66: {  	[tilespmem:s16], [sflag:$0x1] =	stream.linear.gather [hbm4b:s23+s3], $0x4000, $0x38;
	[tilespmem:$0x1CC00] =	vst v63  }
0x67: {  	_ =	swait.ge [sflag:s21], $0x4000  }
0x68: {  	[sflag:s21] =	ssyncset.done $0x0  }
0x69: {  	s29 =	sadd.s32 $0x80, s24;
	[sflag:s21] =	ssyncadd.s32 $0xFFFFC000  }
0x6a: {  	[spmem:s2] =	stream.indirect.scatter.add.f32 [tilespmem:s17], [sflag:$0x3], $0x80, s29, s19, $0xb8;
	[tilespmem:$0x1CC00] =	vst v63  }
0x6b: {  	_ =	swait.ge [sflag:s15], $0x4000  }
0x6c: {  	[sflag:s15] =	ssyncset.done $0x0  }
0x6d: {  	s23 =	simm.s32 @p0 $0x1;
	[sflag:s15] =	ssyncadd.s32 $0xFFFFC000  }
0x6e: {  	_ =	swait.ge @p0 [sflag:s23], $0x4000  }
0x6f: {  	s25 =	simm.s32 @p0 $0xC00;
	[sflag:s23] =	ssyncset.done @p0 $0x0  }
0x70: {  	s24 =	simm.s32 @p0 $0xA00;
	[sflag:s23] =	ssyncadd.s32 @p0 $0xFFFFC000;
	s23 =	simm.s32 @p0 $0x80  }
0x71: {  	[spmem:s2] =	stream.indirect.scatter.add.f32 @p0 [tilespmem:s25], [sflag:$0x4], $0x80, s24, s23, $0xb8;
	[tilespmem:$0x1CC00] =	vst v63  }
0x72: {  	s23 =	simm.s32 @!p0 $0x0;
	s24 =	simm.s32 @!p0 $0x4C00  }
0x73: {  	[tilespmem:s24], [sflag:$0x2] =	stream.linear.gather @!p0 [hbm4b:s13+s23], $0x4000, $0x38;
	[tilespmem:$0x1CC00] =	vst v63  }
0x74: {  	s23 =	simm.s32 @!p0 $0x1  }
0x75: {  	_ =	swait.ge @!p0 [sflag:s23], $0x4000  }
0x76: {  	s26 =	simm.s32 @!p0 $0xC00;
	[sflag:s23] =	ssyncset.done @!p0 $0x0  }
0x77: {  	s25 =	simm.s32 @!p0 $0xA00;
	[sflag:s23] =	ssyncadd.s32 @!p0 $0xFFFFC000;
	s23 =	simm.s32 @!p0 $0x80  }
0x78: {  	[spmem:s2] =	stream.indirect.scatter.add.f32 @!p0 [tilespmem:s26], [sflag:$0x4], $0x80, s25, s23, $0xb8;
	[tilespmem:$0x1CC00] =	vst v63  }
0x79: {  	s25 =	simm.s32 @!p0 $0x4  }
0x7a: {  	_ =	swait.ge @!p0 [sflag:s25], $0x4000  }
0x7b: {  	[sflag:s25] =	ssyncset.done @!p0 $0x0  }
0x7c: {  	[sflag:s25] =	ssyncadd.s32 @!p0 $0xFFFFC000;
	s25 =	simm.s32 @!p0 $0x2  }
0x7d: {  	_ =	swait.ge @!p0 [sflag:s25], $0x4000  }
0x7e: {  	[sflag:s25] =	ssyncset.done @!p0 $0x0  }
0x7f: {  	[sflag:s25] =	ssyncadd.s32 @!p0 $0xFFFFC000;
	s25 =	simm.s32 @!p0 $0xA80  }
0x80: {  	[spmem:s2] =	stream.indirect.scatter.add.f32 @!p0 [tilespmem:s24], [sflag:$0x3], $0x80, s25, s23, $0xb8;
	[tilespmem:$0x1CC00] =	vst v63  }
0x81: {  	s23 =	simm.s32 @!p0 $0x3  }
0x82: {  	s23 =	simm.s32 @p0 $0x4  }
0x83: {  	_ =	swait.ge [sflag:s23], $0x4000  }
0x84: {  	s30 =	sshll.u32 s0, $0x6;
	s22 =	sadd.s32 $0x1, s22;
	[sflag:s23] =	ssyncset.done $0x0  }
0x85: {  	s31 =	sshrl.u32 s4, $0x3;
	p1 =	sne.s32 s22, s12;
	[sflag:s23] =	ssyncadd.s32 $0xFFFFC000  }
.Ltmp2:
0x86: {  	s23 =	sor.u32 $0x1C03, s30;
	[bflag:$0x0] =	sbarrier.arrive $0xFFFF;
	(pc) =	sbr.rel @p1 .LBB2_1-.Ltmp2, $4  }
0x87: {  	[hbm:s11], [sflag:s23] =	dma.local [spmem:s31], $0x2800  }
0x88: {  	_ =	swait.ge [sflag:s15], $0x2800  }
0x89: {  	[sflag:s15] =	ssyncset.done $0x0  }
0x8a: {  	[sflag:s15] =	ssyncadd.s32 $0xFFFFD800  }
0x8b: {  	_ =	sfence.sel $0x180000  }
0x8c: {  	[bflag:$0x0] =	sbarrier.arrive $0xFFFF  }
0x8d: {  	p0 =	sne.s32 s0, $0x0;
	_ =	strace $0x9000004A  }
0x8e: {  	s0 =	sadd.s32 @!p0 $0x100000, s1;
	[bflag:$0x2] =	sbarrier.arrive $0xFFFF  }
0x8f: {  	[sflag:s0] =	ssyncadd.tile.s32 @!p0 $0x1;
	_ =	shalt  }
.Lfunc_end2:
_tile_overlayer_lowered:
.L_overlay_start_2:
0x90: {  	(tag) =	ssettag $0x2  }
0x91: {  	s0 =	rddreg [dreg:$0x0];
	s2 =	stileid.u32  }
0x92: {  	s1 =	rddreg [dreg:$0x1];
	p0 =	sne.s32 s2, $0x0  }
0x93: {  	s3 =	rddreg [dreg:$0x2];
	[bflag:$0x3] =	sbarrier.arrive $0xFFFF;
	s2 =	simm.s32 @!p0 $0x1C03  }
0x94: {  	[timem:s3], [sflag:s2] =	dma.local @!p0 [hbm:s0], s1  }
0x95: {  	s0 =	simm.s32 @!p0 $0x3  }
0x96: {  	_ =	swait.ge @!p0 [sflag:s0], s1  }
0x97: {  	s1 =	ssub.s32 @!p0 $0x0, s1;
	[sflag:s0] =	ssyncset.done @!p0 $0x0  }
0x98: {  	[sflag:s0] =	ssyncadd.s32 @!p0 s1  }
0x99: {  	[bflag:$0x3] =	sbarrier.arrive $0xFFFF  }
0x9a: {  	_ =	shalt  }

// kernel: kernel.18.cloned.1.call-start
scs
__scs_entry_jumppad:
0x0: {  	(pc) =	sbr.rel $0x88, $3  }
0x1: {  	(tag) =	ssettag $0x0;
	lr =	simm.s32 $0x1  }
0x2: {  	[smem:$0x3F95] =	sst lr;
	_ =	strace $0xD0000000  }
0x3: {  	_ = 	snop  }
0x4: {  	_ = 	snop  }
0x5: {  	_ = 	snop  }
0x6: {  	_ = 	snop  }
0x7: {  	_ = 	snop  }
__scs_overlays_trampoline_lowered:
0x8: {  	[smem:$0x3FA4] =	sst s0  }
0x9: {  	[smem:$0x3FA5] =	sst s1  }
0xa: {  	[smem:$0x3FA6] =	sst s2  }
0xb: {  	[smem:$0x3FA7] =	sst s3  }
0xc: {  	[smem:$0x3FA8] =	sst s4  }
0xd: {  	[smem:$0x3FA9] =	sst s5  }
0xe: {  	[smem:$0x3FAA] =	sst s6  }
0xf: {  	[smem:$0x3FAB] =	sst s7  }
0x10: {  	[smem:$0x3FAC] =	sst s8  }
0x11: {  	[smem:$0x3FAD] =	sst s9;
	s0 =	simm.s32 @!p0 $0x0  }
0x12: {  	s1 =	sld [smem:$0x3F93];
	s0 =	simm.s32 @p0 $0x1  }
0x13: {  	[smem:$0x3FAE] =	sst s0;
	s0 =	simm.s32 @!p1 $0x0  }
0x14: {  	s2 =	sld [smem:$0x3F92];
	s0 =	simm.s32 @p1 $0x1  }
0x15: {  	[smem:$0x3FAF] =	sst s0;
	s0 =	simm.s32 @!p2 $0x0  }
0x16: {  	s3 =	sld [smem:$0x3FDB];
	s0 =	simm.s32 @p2 $0x1  }
0x17: {  	s4 =	simm.s32 $0x1BF5;
	[smem:$0x3FB1] =	sst s0  }
0x18: {  	s0 =	sld [smem:$0x3F94];
	_ =	swait.ge [sflag:s4], $0x0  }
0x19: {  	s7 =	sld [smem:$0x3F95]  }
0x1a: {  	s8 =	sadd.s32 $0xFFFFE003, lr  }
0x1b: {  	s9 =	sadd.s32 $0xFFFFFEF7, lr;
	s5 =	simm.s32 $0xFFFFFFFF;
	p2 =	slt.u32 s8, $0xFFFFF086  }
0x1c: {  	p1 =	slt.u32 s9, $0xF7A;
	s5 =	simm.s32 @!p2 $0x0  }
0x1d: {  	s5 =	simm.s32 @p1 $0x1;
	p0 =	seq.s32 s7, s2  }
0x1e: {  	s7 =	smul.u32 @!p0 $0xF7A, s2;
	p2 =	seq.s32 @!p0 s5, $0x0  }
0x1f: {  	s9 =	smul.u32 $0xF7A, s1;
	s8 =	simm.s32 @!p0 $0x1BF5;
	p2 =	por !p2, p0  }
0x20: {  	[sflag:s8] =	ssyncset.s32 @!p0 $0xFFFFF086;
	s6 =	sadd.s32 @!p0 s3, s7;
	s7 =	simm.s32 @!p0 $0x108  }
0x21: {  	s3 =	sadd.s32 s3, s9;
	s6 =	sadd.s32 @!p0 $0x88, s6;
	s7 =	simm.s32 @p2 $0x1082  }
0x22: {  	[simem:s7], [sflag:s8] =	dma.local @!p0 [hbm:s6], $0xF7A  }
0x23: {  	s9 =	sor.u32 $0xD0000000, s2;
	s6 =	simm.s32 $0x108;
	_ =	swait.ge @!p0 [sflag:s8], $0x0  }
0x24: {  	s3 =	sadd.s32 $0x88, s3;
	s6 =	simm.s32 @!p1 $0x1082;
	[sflag:s4] =	ssyncset.s32 $0xFFFFF086  }
0x25: {  	[simem:s6], [sflag:s4] =	dma.local [hbm:s3], $0xF7A  }
0x26: {  	[smem:$0x3F95] =	sst s1;
	(tag) =	ssettag s2;
	_ =	strace s9  }
0x27: {  	s1 =	sld [smem:$0x3FA5]  }
0x28: {  	s2 =	sld [smem:$0x3FA6]  }
0x29: {  	s4 =	sld [smem:$0x3FA8]  }
0x2a: {  	p0 =	seq.s32 s5, $0x0;
	s5 =	sld [smem:$0x3FA9]  }
0x2b: {  	s6 =	sld [smem:$0x3FAA]  }
0x2c: {  	s7 =	sld [smem:$0x3FAB]  }
0x2d: {  	s3 =	simm.s32 $0x108;
	s8 =	sld [smem:$0x3FAC]  }
0x2e: {  	s3 =	simm.s32 @!p0 $0x1082;
	s9 =	sld [smem:$0x3FAD]  }
0x2f: {  	lr =	sadd.s32 s0, s3;
	s0 =	sld [smem:$0x3FA4]  }
0x30: {  	s3 =	sld [smem:$0x3FA7]  }
0x31: {  	[smem:$0x3FB0] =	sst s10  }
0x32: {  	s10 =	sld [smem:$0x3FAE];
	_ =	sdelay $0x3  }
0x33: {  	p0 =	seq.s32 s10, $0x1;
	s10 =	sld [smem:$0x3FB0];
	_ =	sdelay $0x3  }
0x34: {  	[smem:$0x3FB0] =	sst s10  }
0x35: {  	s10 =	sld [smem:$0x3FAF];
	_ =	sdelay $0x3  }
0x36: {  	p1 =	seq.s32 s10, $0x1;
	s10 =	sld [smem:$0x3FB0];
	_ =	sdelay $0x3  }
0x37: {  	[smem:$0x3FB0] =	sst s10  }
0x38: {  	s10 =	sld [smem:$0x3FB1]  }
0x39: {  	_ = 	snop;
	(pc) =	sbr.ind lr, $3  }
0x3a: {  	_ = 	snop  }
0x3b: {  	_ = 	snop  }
0x3c: {  	p2 =	seq.s32 s10, $0x1;
	s10 =	sld [smem:$0x3FB0]  }
0x3d: {  	_ =	shalt  }
0x3e: {  	_ =	shalt  }
0x3f: {  	_ =	shalt  }
0x40: {  	_ =	shalt  }
0x41: {  	_ =	shalt  }
0x42: {  	_ =	shalt  }
0x43: {  	_ =	shalt  }
0x44: {  	_ =	shalt  }
0x45: {  	_ =	shalt  }
0x46: {  	_ =	shalt  }
0x47: {  	_ =	shalt  }
0x48: {  	_ =	shalt  }
0x49: {  	_ =	shalt  }
0x4a: {  	_ =	shalt  }
0x4b: {  	_ =	shalt  }
0x4c: {  	_ =	shalt  }
0x4d: {  	_ =	shalt  }
0x4e: {  	_ =	shalt  }
0x4f: {  	_ =	shalt  }
0x50: {  	_ =	shalt  }
0x51: {  	_ =	shalt  }
0x52: {  	_ =	shalt  }
0x53: {  	_ =	shalt  }
0x54: {  	_ =	shalt  }
0x55: {  	_ =	shalt  }
0x56: {  	_ =	shalt  }
0x57: {  	_ =	shalt  }
0x58: {  	_ =	shalt  }
0x59: {  	_ =	shalt  }
0x5a: {  	_ =	shalt  }
0x5b: {  	_ =	shalt  }
0x5c: {  	_ =	shalt  }
0x5d: {  	_ =	shalt  }
0x5e: {  	_ =	shalt  }
0x5f: {  	_ =	shalt  }
0x60: {  	_ =	shalt  }
0x61: {  	_ =	shalt  }
0x62: {  	_ =	shalt  }
0x63: {  	_ =	shalt  }
0x64: {  	_ =	shalt  }
0x65: {  	_ =	shalt  }
0x66: {  	_ =	shalt  }
0x67: {  	_ =	shalt  }
0x68: {  	_ =	shalt  }
0x69: {  	_ =	shalt  }
0x6a: {  	_ =	shalt  }
0x6b: {  	_ =	shalt  }
0x6c: {  	_ =	shalt  }
0x6d: {  	_ =	shalt  }
0x6e: {  	_ =	shalt  }
0x6f: {  	_ =	shalt  }
0x70: {  	_ =	shalt  }
0x71: {  	_ =	shalt  }
0x72: {  	_ =	shalt  }
0x73: {  	_ =	shalt  }
0x74: {  	_ =	shalt  }
0x75: {  	_ =	shalt  }
0x76: {  	_ =	shalt  }
0x77: {  	_ =	shalt  }
0x78: {  	_ =	shalt  }
0x79: {  	_ =	shalt  }
0x7a: {  	_ =	shalt  }
0x7b: {  	_ =	shalt  }
0x7c: {  	_ =	shalt  }
0x7d: {  	_ =	shalt  }
0x7e: {  	_ =	shalt  }
0x7f: {  	_ =	shalt  }
0x80: {  	_ =	shalt  }
0x81: {  	_ =	shalt  }
0x82: {  	_ =	shalt  }
0x83: {  	_ =	shalt  }
0x84: {  	_ =	shalt  }
0x85: {  	_ =	shalt  }
0x86: {  	_ =	shalt  }
0x87: {  	_ =	shalt  }
.Lfunc_end0:
.L_simem_size_0:
called_computation.2_lowered:
.L_overlay_start_0:
0x88: {  	s2 =	sld [smem:$0x3FD9]  }
0x89: {  	s3 =	sld [smem:$0x3FFE];
	_ =	sdelay $0x1  }
0x8a: {  	s1 =	srdreg.scid  }
0x8b: {  	s0 =	sand.u32 $0x1, s1  }
0x8c: {  	s17 =	sshll.u32 s0, $0xA;
	s2 =	sadd.s32 s3, s2  }
0x8d: {  	s2 =	sadd.s32 s2, s17  }
0x8e: {  	[smem:$0x3FBC] =	sst s2  }
0x8f: {  	_ = 	snop  }
0x90: {  	s18 =	sld [smem:$0x3FD0];
	(tm) =	ssettm $0x1  }
0x91: {  	s19 =	sld [smem:$0x3FFB];
	_ =	sdelay $0x3  }
0x92: {  	_ =	strace s19  }
0x93: {  	s2 =	sld [smem:$0x3FFC];
	_ =	sdelay $0x3  }
0x94: {  	_ =	strace s2  }
0x95: {  	s2 =	sld [smem:$0x3FFD];
	_ =	sdelay $0x3  }
0x96: {  	_ =	strace s2  }
0x97: {  	_ =	strace $0x8FFFFFFF  }
0x98: {  	s20 =	sld [smem:$0x3FDB];
	_ =	sdelay $0x1  }
0x99: {  	s4 =	simm.s32 $_scs_section_size  }
0x9a: {  	s5 =	simm.s32 $_size__tile_overlayer_lowered;
	s6 =	simm.s32 $_tile_overlayer_lowered  }
0x9b: {  	s7 =	simm.s32 $0x1BFF;
	s21 =	sshll.u32 s6, $0x1;
	s4 =	sadd.s32 s4, s20  }
0x9c: {  	s22 =	simm.s32 $0x0;
	s5 =	sshll.u32 s5, $0x1;
	s6 =	sadd.s32 s21, s4  }
0x9d: {  	[timem:s22], [sflag:s7] =	dma.local [hbm:s6], s5  }
0x9e: {  	_ =	swait.ge [sflag:s7], s5  }
0x9f: {  	s5 =	ssub.s32 $0x0, s5;
	[sflag:s7] =	ssyncset.done $0x0  }
0xa0: {  	[sflag:s7] =	ssyncadd.s32 s5;
	_ =	sdelay $0x1  }
0xa1: {  	s23 =	simm.s32 $0x1B8B  }
0xa2: {  	_ =	swait.ge [sflag:s23], $0x1  }
0xa3: {  	[sflag:s23] =	ssyncset.done $0x0  }
0xa4: {  	[sflag:s23] =	ssyncadd.s32 $0xFFFFFFFF  }
0xa5: {  	s5 =	sld [smem:$0x0]  }
0xa6: {  	s6 =	sand.u32 $0xFFFFFFFE, s1  }
0xa7: {  	p0 =	sne.s32 s1, s6  }
0xa8: {  	s6 =	sshll.u32 @p0 s6, $0xE  }
0xa9: {  	s6 =	sadd.s32 @p0 $0x11B8D, s6;
	s7 =	sshll.u32 @p0 s5, $0x11  }
0xaa: {  	s6 =	sor.u32 @p0 s7, s6  }
0xab: {  	[sflag:s6] =	ssyncadd.remote.s32 @p0 $0x1;
	_ =	sdelay $0x1  }
0xac: {  	s6 =	simm.s32 @p0 $0x1B8D  }
0xad: {  	_ =	swait.eq @p0 [sflag:s6], $0x1  }
0xae: {  	[sflag:s6] =	ssyncadd.s32 @p0 $0xFFFFFFFF  }
0xaf: {  	s7 =	sshll.u32 @!p0 s1, $0xE  }
0xb0: {  	s7 =	sor.u32 @!p0 $0x4000, s7;
	s6 =	simm.s32 @!p0 $0x1B8D  }
0xb1: {  	s5 =	sshll.u32 @!p0 s5, $0x11;
	s7 =	sadd.s32 @!p0 $0x11B8D, s7;
	_ =	swait.eq @!p0 [sflag:s6], $0x1  }
0xb2: {  	s5 =	sor.u32 @!p0 s5, s7;
	[sflag:s6] =	ssyncadd.s32 @!p0 $0xFFFFFFFF  }
0xb3: {  	s25 =	simm.s32 $0x1B8E;
	s24 =	sld [smem:$0x3FFE];
	[sflag:s5] =	ssyncadd.remote.s32 @!p0 $0x1  }
0xb4: {  	s26 =	simm.s32 $execute0_lowered;
	[smem:$0x3FD2] =	sst s25  }
0xb5: {  	s6 =	sshll.u32 s26, $0x1;
	_ =	strace $0x8000004C;
	[dreg:$0x1] =	wrdreg $0xFFFFFFFF  }
0xb6: {  	s28 =	simm.s32 $_size_execute0_lowered;
	s4 =	sadd.s32 s4, s6;
	[dreg:$0x0] =	wrdreg $0x0  }
0xb7: {  	s6 =	sshll.u32 s28, $0x1;
	[dreg:$0x2] =	wrdreg s4  }
0xb8: {  	[dreg:$0x3] =	wrdreg s6  }
0xb9: {  	[dreg:$0x4] =	wrdreg $0xC0  }
0xba: {  	_ =	task [dreg:s22], $0x5FFFF  }
0xbb: {  	[dreg:$0x1] =	wrdreg $0xFFFFFFFF  }
0xbc: {  	[dreg:$0x0] =	wrdreg $0x60  }
0xbd: {  	[dreg:$0x2] =	wrdreg s24  }
0xbe: {  	[dreg:$0x3] =	wrdreg s18  }
0xbf: {  	[dreg:$0x4] =	wrdreg $0x90000  }
0xc0: {  	[dreg:$0x5] =	wrdreg $0xB  }
0xc1: {  	_ =	task.clear_ibuf [dreg:s22], $0x6FFFF;
	_ =	strace $0x9000004C  }
0xc2: {  	s29 =	simm.s32 $0xB;
	_ =	strace $0x8000004E  }
0xc3: {  	_ =	swait.ge [sflag:s29], $0x1  }
0xc4: {  	[sflag:s29] =	ssyncadd.s32 $0xFFFFFFFF  }
0xc5: {  	_ =	strace $0x9000004E  }
0xc6: {  	_ =	sfence  }
0xc7: {  	s30 =	sld [smem:$0x0];
	_ =	sdelay $0x2  }
0xc8: {  	s31 =	sshll.u32 s1, $0xD;
	s1 =	sshrl.u32 s1, $0x2  }
0xc9: {  	s4 =	sand.u32 $0x4000, s31;
	s1 =	sadd.s32 s1, s30  }
0xca: {  	s0 =	sor.u32 s4, s0;
	s1 =	sshll.u32 s1, $0x11  }
0xcb: {  	s0 =	sor.u32 s1, s0  }
0xcc: {  	s0 =	sadd.s32 $0x8F2B, s0  }
0xcd: {  	[sflag:s0] =	ssyncadd.remote.s32 $0x1  }
0xce: {  	_ =	sfence.sel $0xFFFF  }
0xcf: {  	[dreg:$0x0] =	wrdreg $0xFFFFFFFF;
	(pc) =	sbr.abs _section_cstart, $3  }
0xd0: {  	[dreg:$0x1] =	wrdreg $0xFFFFFFFF  }
0xd1: {  	_ =	task.clear_ibuf [dreg:s22], $0x2FFFF;
	_ =	strace $0x9FFFFFFF  }
0xd2: {  	(tm) =	ssettm $0x7FFFFFFF  }
0xd3: {  	_ =	shalt  }
tec
execute0_lowered:
.L_overlay_start_1:
0x0: {  	(tag) =	ssettag $0x1  }
0x1: {  	s4 =	rddreg [dreg:$0x0]  }
0x2: {  	s5 =	rddreg [dreg:$0x1]  }
0x3: {  	s2 =	rddreg [dreg:$0x2]  }
0x4: {  	s0 =	srdreg.scid;
	s1 =	rddreg [dreg:$0x3];
	s3 =	simm.s32 $0x0  }
0x5: {  	s16 =	simm.s32 $0x5000;
	s17 =	simm.s32 $0x1;
	s18 =	simm.s32 $0x80  }
0x6: {  	s19 =	simm.s32 $0x4;
	s20 =	simm.s32 $0x2;
	s9 =	sand.u32 $0x1, s0  }
0x7: {  	s21 =	simm.s32 $0xC00;
	s0 =	stileid.u32;
	s6 =	smul.u32 $0x140000, s9  }
0x8: {  	[smem:$0x7FF] =	sst s3;
	s10 =	sadd.s32 $0x268E00, s4;
	s7 =	smul.u32 $0x14000, s0  }
0x9: {  	s22 =	simm.s32 $0x0;
	_ =	strace $0x8000004D;
	s26 =	smul.u32 $0x50000, s0  }
0xa: {  	s28 =	sshll.u32 s0, $0x1;
	s29 =	ssub.s32 $0x2, s9;
	s14 =	sshll.u32 s0, $0xC  }
0xb: {  	s15 =	sshll.u32 s9, $0xB;
	s12 =	sor.u32 s9, s28;
	s31 =	sshrl.u32 s29, $0x1  }
0xc: {  	s14 =	sadd.s32 s14, s10;
	s6 =	sadd.s32 s7, s6;
	s30 =	sshrl.u32 s26, $0x2  }
0xd: {  	s8 =	sshll.u32 s12, $0x9;
	s13 =	ssub.s32 s29, s31;
	s12 =	sshll.u32 s12, $0xB  }
0xe: {  	s14 =	sadd.s32 s15, s14;
	s15 =	simm.s32 $0x1000;
	s6 =	sshrl.u32 s6, $0x3  }
0xf: {  	s5 =	sadd.s32 s5, s8;
	s10 =	sadd.s32 s10, s12;
	s12 =	smax.u32 s13, $0x1  }
0x10: {  	s13 =	sadd.s32 $0x20000, s14;
	s11 =	sadd.s32 s6, s4;
	s4 =	sadd.s32 s30, s2  }
0x11: {  	s14 =	simm.s32 $0x3;
	s6 =	sadd.s32 $0x4000, s4;
	s7 =	sadd.s32 $0x8000, s4  }
0x12: {  	v0 =	vimm.f32 $0.0e+00;
	s8 =	sadd.s32 $0xC000, s4;
	s9 =	sadd.s32 $0x10000, s4;
	s11 =	sadd.s32 $0x3F8E00, s11  }
.LBB2_1:
0x13: {  	[tilespmem:s3], [sflag:$0x3] =	stream.linear.gather [hbm4b:s5+s3], $0xD00, $0x38;
	[tilespmem:$0x1D000] =	vst v63  }
0x14: {  	_ =	swait.ge [sflag:s14], $0xD00  }
0x15: {  	[sflag:s14] =	ssyncset.done $0x0  }
0x16: {  	s23 =	simm.s32 $0x0;
	s24 =	simm.s32 $0x200;
	[sflag:s14] =	ssyncadd.s32 $0xFFFFF300  }
.LBB2_2:
0x17: {  	p0 =	sne.s32 s24, $0xFE00;
	[tilespmem:s23+$0x1070] =	vst v0  }
0x18: {  	[tilespmem:s23+$0x1000] =	vst v0  }
0x19: {  	[tilespmem:s23+$0x1010] =	vst v0  }
.Ltmp0:
0x1a: {  	[tilespmem:s23+$0x1020] =	vst v0;
	(pc) =	sbr.rel @p0 .LBB2_2-.Ltmp0, $4  }
0x1b: {  	[tilespmem:s23+$0x1030] =	vst v0  }
0x1c: {  	[tilespmem:s23+$0x1040] =	vst v0  }
0x1d: {  	[tilespmem:s23+$0x1050] =	vst v0  }
0x1e: {  	[tilespmem:s23+$0x1060] =	vst v0;
	s23 =	sshra.s32 s24, $0x2;
	s24 =	sadd.s32 $0x200, s24  }
0x1f: {  	[tilespmem:s23+$0x1070] =	vst v0  }
0x20: {  	[tilespmem:s23+$0x1000] =	vst v0  }
0x21: {  	[tilespmem:s23+$0x1010] =	vst v0  }
0x22: {  	[tilespmem:s23+$0x1020] =	vst v0  }
0x23: {  	[tilespmem:s23+$0x1030] =	vst v0  }
0x24: {  	[tilespmem:s23+$0x1040] =	vst v0  }
0x25: {  	[tilespmem:s23+$0x1050] =	vst v0  }
0x26: {  	[tilespmem:s23+$0x1060] =	vst v0  }
0x27: {  	[spmem:s4] =	stream.linear.scatter [tilespmem:s15], [sflag:$0x3], $0x4000, $0x38;
	[tilespmem:$0x1D000] =	vst v63  }
0x28: {  	_ =	swait.ge [sflag:s14], $0x4000  }
0x29: {  	[sflag:s14] =	ssyncset.done $0x0  }
0x2a: {  	[sflag:s14] =	ssyncadd.s32 $0xFFFFC000  }
0x2b: {  	[spmem:s6] =	stream.linear.scatter [tilespmem:s15], [sflag:$0x3], $0x4000, $0x38;
	[tilespmem:$0x1D000] =	vst v63  }
0x2c: {  	_ =	swait.ge [sflag:s14], $0x4000  }
0x2d: {  	[sflag:s14] =	ssyncset.done $0x0  }
0x2e: {  	[sflag:s14] =	ssyncadd.s32 $0xFFFFC000  }
0x2f: {  	[spmem:s7] =	stream.linear.scatter [tilespmem:s15], [sflag:$0x3], $0x4000, $0x38;
	[tilespmem:$0x1D000] =	vst v63  }
0x30: {  	_ =	swait.ge [sflag:s14], $0x4000  }
0x31: {  	[sflag:s14] =	ssyncset.done $0x0  }
0x32: {  	[sflag:s14] =	ssyncadd.s32 $0xFFFFC000  }
0x33: {  	[spmem:s8] =	stream.linear.scatter [tilespmem:s15], [sflag:$0x3], $0x4000, $0x38;
	[tilespmem:$0x1D000] =	vst v63  }
0x34: {  	_ =	swait.ge [sflag:s14], $0x4000  }
0x35: {  	[sflag:s14] =	ssyncset.done $0x0  }
0x36: {  	[sflag:s14] =	ssyncadd.s32 $0xFFFFC000  }
0x37: {  	[spmem:s9] =	stream.linear.scatter [tilespmem:s15], [sflag:$0x3], $0x4000, $0x38;
	[tilespmem:$0x1D000] =	vst v63  }
0x38: {  	_ =	swait.ge [sflag:s14], $0x4000  }
0x39: {  	[sflag:s14] =	ssyncset.done $0x0  }
0x3a: {  	[sflag:s14] =	ssyncadd.s32 $0xFFFFC000  }
0x3b: {  	s28 =	simm.s32 $0x0;
	[bflag:$0x0] =	sbarrier.arrive $0xFFFF  }
0x3c: {  	[tilespmem:s15], [sflag:$0x1] =	stream.linear.gather [hbm4b:s10+s28], $0x4000, $0x38;
	[tilespmem:$0x1D000] =	vst v63  }
0x3d: {  	s29 =	sadd.s32 $0xFFFF0000, s13  }
0x3e: {  	[tilespmem:s16], [sflag:$0x2] =	stream.linear.gather [hbm4b:s29+s3], $0x4000, $0x38;
	[tilespmem:$0x1D000] =	vst v63  }
0x3f: {  	_ =	swait.ge [sflag:s17], $0x4000  }
0x40: {  	[sflag:s17] =	ssyncset.done $0x0  }
0x41: {  	s30 =	simm.s32 $0x0;
	[sflag:s17] =	ssyncadd.s32 $0xFFFFC000  }
0x42: {  	[spmem:s2] =	stream.indirect.scatter.add.f32 [tilespmem:s15], [sflag:$0x4], $0x80, s30, s18, $0xb8;
	[tilespmem:$0x1D000] =	vst v63  }
0x43: {  	_ =	swait.ge [sflag:s19], $0x4000  }
0x44: {  	[sflag:s19] =	ssyncset.done $0x0  }
0x45: {  	[sflag:s19] =	ssyncadd.s32 $0xFFFFC000  }
0x46: {  	[tilespmem:s15], [sflag:$0x1] =	stream.linear.gather [hbm4b:s13+s3], $0x4000, $0x38;
	[tilespmem:$0x1D000] =	vst v63  }
0x47: {  	_ =	swait.ge [sflag:s20], $0x4000  }
0x48: {  	[sflag:s20] =	ssyncset.done $0x0  }
0x49: {  	s31 =	simm.s32 $0x80;
	[sflag:s20] =	ssyncadd.s32 $0xFFFFC000  }
0x4a: {  	[spmem:s2] =	stream.indirect.scatter.add.f32 [tilespmem:s16], [sflag:$0x3], $0x80, s31, s18, $0xb8;
	[tilespmem:$0x1D000] =	vst v63  }
0x4b: {  	s24 =	simm.s32 $0x400;
	_ =	swait.ge [sflag:s14], $0x4000  }
0x4c: {  	s25 =	simm.s32 $0x800;
	s23 =	sadd.s32 $0x20000, s13;
	[sflag:s14] =	ssyncset.done $0x0  }
.LBB2_4:
0x4d: {  	p0 =	sne.s32 s25, $0x2C00;
	s26 =	sadd.s32 $0xFFFF0000, s23;
	[sflag:s14] =	ssyncadd.s32 $0xFFFFC000  }
0x4e: {  	[tilespmem:s16], [sflag:$0x2] =	stream.linear.gather [hbm4b:s26+s3], $0x4000, $0x38;
	[tilespmem:$0x1D000] =	vst v63  }
0x4f: {  	s26 =	smov.u32 s25;
	s25 =	sadd.s32 $0x400, s25;
	_ =	swait.ge [sflag:s17], $0x4000  }
0x50: {  	[sflag:s17] =	ssyncset.done $0x0  }
0x51: {  	s28 =	sshra.s32 s24, $0x2;
	s24 =	smov.u32 s26;
	[sflag:s17] =	ssyncadd.s32 $0xFFFFC000  }
0x52: {  	[spmem:s2] =	stream.indirect.scatter.add.f32 [tilespmem:s15], [sflag:$0x4], $0x80, s28, s18, $0xb8;
	[tilespmem:$0x1D000] =	vst v63  }
0x53: {  	_ =	swait.ge [sflag:s19], $0x4000  }
0x54: {  	[sflag:s19] =	ssyncset.done $0x0  }
0x55: {  	[sflag:s19] =	ssyncadd.s32 $0xFFFFC000  }
0x56: {  	[tilespmem:s15], [sflag:$0x1] =	stream.linear.gather [hbm4b:s23+s3], $0x4000, $0x38;
	[tilespmem:$0x1D000] =	vst v63  }
0x57: {  	_ =	swait.ge [sflag:s20], $0x4000  }
.Ltmp1:
0x58: {  	[sflag:s20] =	ssyncset.done $0x0;
	(pc) =	sbr.rel @p0 .LBB2_4-.Ltmp1, $4  }
0x59: {  	s26 =	sadd.s32 $0x80, s28;
	[sflag:s20] =	ssyncadd.s32 $0xFFFFC000  }
0x5a: {  	[spmem:s2] =	stream.indirect.scatter.add.f32 [tilespmem:s16], [sflag:$0x3], $0x80, s26, s18, $0xb8;
	[tilespmem:$0x1D000] =	vst v63  }
0x5b: {  	_ =	swait.ge [sflag:s14], $0x4000  }
0x5c: {  	s23 =	sadd.s32 $0x20000, s23;
	[sflag:s14] =	ssyncset.done $0x0  }
0x5d: {  	s25 =	sadd.s32 $0xFFFF0000, s23;
	[sflag:s14] =	ssyncadd.s32 $0xFFFFC000  }
0x5e: {  	[tilespmem:s16], [sflag:$0x2] =	stream.linear.gather [hbm4b:s25+s3], $0x4000, $0x38;
	[tilespmem:$0x1D000] =	vst v63  }
0x5f: {  	_ =	swait.ge [sflag:s17], $0x4000  }
0x60: {  	[sflag:s17] =	ssyncset.done $0x0  }
0x61: {  	s24 =	sshra.s32 s24, $0x2;
	[sflag:s17] =	ssyncadd.s32 $0xFFFFC000  }
0x62: {  	[spmem:s2] =	stream.indirect.scatter.add.f32 [tilespmem:s15], [sflag:$0x4], $0x80, s24, s18, $0xb8;
	[tilespmem:$0x1D000] =	vst v63  }
0x63: {  	_ =	swait.ge [sflag:s19], $0x4000  }
0x64: {  	[sflag:s19] =	ssyncset.done $0x0  }
0x65: {  	[sflag:s19] =	ssyncadd.s32 $0xFFFFC000  }
0x66: {  	[tilespmem:s15], [sflag:$0x1] =	stream.linear.gather [hbm4b:s23+s3], $0x4000, $0x38;
	[tilespmem:$0x1D000] =	vst v63  }
0x67: {  	_ =	swait.ge [sflag:s20], $0x4000  }
0x68: {  	[sflag:s20] =	ssyncset.done $0x0  }
0x69: {  	s29 =	sadd.s32 $0x80, s24;
	[sflag:s20] =	ssyncadd.s32 $0xFFFFC000  }
0x6a: {  	[spmem:s2] =	stream.indirect.scatter.add.f32 [tilespmem:s16], [sflag:$0x3], $0x80, s29, s18, $0xb8;
	[tilespmem:$0x1D000] =	vst v63  }
0x6b: {  	_ =	swait.ge [sflag:s14], $0x4000  }
0x6c: {  	[sflag:s14] =	ssyncset.done $0x0  }
0x6d: {  	[sflag:s14] =	ssyncadd.s32 $0xFFFFC000  }
0x6e: {  	_ =	swait.ge [sflag:s17], $0x4000  }
0x6f: {  	[sflag:s17] =	ssyncset.done $0x0  }
0x70: {  	[sflag:s17] =	ssyncadd.s32 $0xFFFFC000  }
0x71: {  	[spmem:s2] =	stream.indirect.scatter.add.f32 [tilespmem:s15], [sflag:$0x4], $0x80, s21, s18, $0xb8;
	[tilespmem:$0x1D000] =	vst v63  }
0x72: {  	_ =	swait.ge [sflag:s19], $0x4000  }
0x73: {  	s30 =	sshll.u32 s0, $0x6;
	s22 =	sadd.s32 $0x1, s22;
	[sflag:s19] =	ssyncset.done $0x0  }
0x74: {  	s31 =	sshrl.u32 s4, $0x3;
	p0 =	sne.s32 s22, s12;
	[sflag:s19] =	ssyncadd.s32 $0xFFFFC000  }
.Ltmp2:
0x75: {  	s23 =	sor.u32 $0x1C03, s30;
	[bflag:$0x0] =	sbarrier.arrive $0xFFFF;
	(pc) =	sbr.rel @p0 .LBB2_1-.Ltmp2, $4  }
0x76: {  	[hbm:s11], [sflag:s23] =	dma.local [spmem:s31], $0x2800  }
0x77: {  	_ =	swait.ge [sflag:s14], $0x2800  }
0x78: {  	[sflag:s14] =	ssyncset.done $0x0  }
0x79: {  	[sflag:s14] =	ssyncadd.s32 $0xFFFFD800  }
0x7a: {  	_ =	sfence.sel $0x180000  }
0x7b: {  	[bflag:$0x0] =	sbarrier.arrive $0xFFFF  }
0x7c: {  	p0 =	sne.s32 s0, $0x0;
	_ =	strace $0x9000004D  }
0x7d: {  	s0 =	sadd.s32 @!p0 $0x100000, s1;
	[bflag:$0x2] =	sbarrier.arrive $0xFFFF  }
0x7e: {  	[sflag:s0] =	ssyncadd.tile.s32 @!p0 $0x1;
	_ =	shalt  }
.Lfunc_end2:
_tile_overlayer_lowered:
.L_overlay_start_2:
0x7f: {  	(tag) =	ssettag $0x2  }
0x80: {  	s0 =	rddreg [dreg:$0x0];
	s2 =	stileid.u32  }
0x81: {  	s1 =	rddreg [dreg:$0x1];
	p0 =	sne.s32 s2, $0x0  }
0x82: {  	s3 =	rddreg [dreg:$0x2];
	[bflag:$0x3] =	sbarrier.arrive $0xFFFF;
	s2 =	simm.s32 @!p0 $0x1C03  }
0x83: {  	[timem:s3], [sflag:s2] =	dma.local @!p0 [hbm:s0], s1  }
0x84: {  	s0 =	simm.s32 @!p0 $0x3  }
0x85: {  	_ =	swait.ge @!p0 [sflag:s0], s1  }
0x86: {  	s1 =	ssub.s32 @!p0 $0x0, s1;
	[sflag:s0] =	ssyncset.done @!p0 $0x0  }
0x87: {  	[sflag:s0] =	ssyncadd.s32 @!p0 s1  }
0x88: {  	[bflag:$0x3] =	sbarrier.arrive $0xFFFF  }
0x89: {  	_ =	shalt  }

// kernel: kernel.21.cloned.1.call-start
scs
__scs_entry_jumppad:
0x0: {  	(pc) =	sbr.rel $0x88, $3  }
0x1: {  	(tag) =	ssettag $0x0;
	lr =	simm.s32 $0x1  }
0x2: {  	[smem:$0x3F95] =	sst lr;
	_ =	strace $0xD0000000  }
0x3: {  	_ = 	snop  }
0x4: {  	_ = 	snop  }
0x5: {  	_ = 	snop  }
0x6: {  	_ = 	snop  }
0x7: {  	_ = 	snop  }
__scs_overlays_trampoline_lowered:
0x8: {  	[smem:$0x3FA4] =	sst s0  }
0x9: {  	[smem:$0x3FA5] =	sst s1  }
0xa: {  	[smem:$0x3FA6] =	sst s2  }
0xb: {  	[smem:$0x3FA7] =	sst s3  }
0xc: {  	[smem:$0x3FA8] =	sst s4  }
0xd: {  	[smem:$0x3FA9] =	sst s5  }
0xe: {  	[smem:$0x3FAA] =	sst s6  }
0xf: {  	[smem:$0x3FAB] =	sst s7  }
0x10: {  	[smem:$0x3FAC] =	sst s8  }
0x11: {  	[smem:$0x3FAD] =	sst s9;
	s0 =	simm.s32 @!p0 $0x0  }
0x12: {  	s1 =	sld [smem:$0x3F93];
	s0 =	simm.s32 @p0 $0x1  }
0x13: {  	[smem:$0x3FAE] =	sst s0;
	s0 =	simm.s32 @!p1 $0x0  }
0x14: {  	s2 =	sld [smem:$0x3F92];
	s0 =	simm.s32 @p1 $0x1  }
0x15: {  	[smem:$0x3FAF] =	sst s0;
	s0 =	simm.s32 @!p2 $0x0  }
0x16: {  	s3 =	sld [smem:$0x3FDB];
	s0 =	simm.s32 @p2 $0x1  }
0x17: {  	s4 =	simm.s32 $0x1BF5;
	[smem:$0x3FB1] =	sst s0  }
0x18: {  	s0 =	sld [smem:$0x3F94];
	_ =	swait.ge [sflag:s4], $0x0  }
0x19: {  	s7 =	sld [smem:$0x3F95]  }
0x1a: {  	s8 =	sadd.s32 $0xFFFFE003, lr  }
0x1b: {  	s9 =	sadd.s32 $0xFFFFFEF7, lr;
	s5 =	simm.s32 $0xFFFFFFFF;
	p2 =	slt.u32 s8, $0xFFFFF086  }
0x1c: {  	p1 =	slt.u32 s9, $0xF7A;
	s5 =	simm.s32 @!p2 $0x0  }
0x1d: {  	s5 =	simm.s32 @p1 $0x1;
	p0 =	seq.s32 s7, s2  }
0x1e: {  	s7 =	smul.u32 @!p0 $0xF7A, s2;
	p2 =	seq.s32 @!p0 s5, $0x0  }
0x1f: {  	s9 =	smul.u32 $0xF7A, s1;
	s8 =	simm.s32 @!p0 $0x1BF5;
	p2 =	por !p2, p0  }
0x20: {  	[sflag:s8] =	ssyncset.s32 @!p0 $0xFFFFF086;
	s6 =	sadd.s32 @!p0 s3, s7;
	s7 =	simm.s32 @!p0 $0x108  }
0x21: {  	s3 =	sadd.s32 s3, s9;
	s6 =	sadd.s32 @!p0 $0x88, s6;
	s7 =	simm.s32 @p2 $0x1082  }
0x22: {  	[simem:s7], [sflag:s8] =	dma.local @!p0 [hbm:s6], $0xF7A  }
0x23: {  	s9 =	sor.u32 $0xD0000000, s2;
	s6 =	simm.s32 $0x108;
	_ =	swait.ge @!p0 [sflag:s8], $0x0  }
0x24: {  	s3 =	sadd.s32 $0x88, s3;
	s6 =	simm.s32 @!p1 $0x1082;
	[sflag:s4] =	ssyncset.s32 $0xFFFFF086  }
0x25: {  	[simem:s6], [sflag:s4] =	dma.local [hbm:s3], $0xF7A  }
0x26: {  	[smem:$0x3F95] =	sst s1;
	(tag) =	ssettag s2;
	_ =	strace s9  }
0x27: {  	s1 =	sld [smem:$0x3FA5]  }
0x28: {  	s2 =	sld [smem:$0x3FA6]  }
0x29: {  	s4 =	sld [smem:$0x3FA8]  }
0x2a: {  	p0 =	seq.s32 s5, $0x0;
	s5 =	sld [smem:$0x3FA9]  }
0x2b: {  	s6 =	sld [smem:$0x3FAA]  }
0x2c: {  	s7 =	sld [smem:$0x3FAB]  }
0x2d: {  	s3 =	simm.s32 $0x108;
	s8 =	sld [smem:$0x3FAC]  }
0x2e: {  	s3 =	simm.s32 @!p0 $0x1082;
	s9 =	sld [smem:$0x3FAD]  }
0x2f: {  	lr =	sadd.s32 s0, s3;
	s0 =	sld [smem:$0x3FA4]  }
0x30: {  	s3 =	sld [smem:$0x3FA7]  }
0x31: {  	[smem:$0x3FB0] =	sst s10  }
0x32: {  	s10 =	sld [smem:$0x3FAE];
	_ =	sdelay $0x3  }
0x33: {  	p0 =	seq.s32 s10, $0x1;
	s10 =	sld [smem:$0x3FB0];
	_ =	sdelay $0x3  }
0x34: {  	[smem:$0x3FB0] =	sst s10  }
0x35: {  	s10 =	sld [smem:$0x3FAF];
	_ =	sdelay $0x3  }
0x36: {  	p1 =	seq.s32 s10, $0x1;
	s10 =	sld [smem:$0x3FB0];
	_ =	sdelay $0x3  }
0x37: {  	[smem:$0x3FB0] =	sst s10  }
0x38: {  	s10 =	sld [smem:$0x3FB1]  }
0x39: {  	_ = 	snop;
	(pc) =	sbr.ind lr, $3  }
0x3a: {  	_ = 	snop  }
0x3b: {  	_ = 	snop  }
0x3c: {  	p2 =	seq.s32 s10, $0x1;
	s10 =	sld [smem:$0x3FB0]  }
0x3d: {  	_ =	shalt  }
0x3e: {  	_ =	shalt  }
0x3f: {  	_ =	shalt  }
0x40: {  	_ =	shalt  }
0x41: {  	_ =	shalt  }
0x42: {  	_ =	shalt  }
0x43: {  	_ =	shalt  }
0x44: {  	_ =	shalt  }
0x45: {  	_ =	shalt  }
0x46: {  	_ =	shalt  }
0x47: {  	_ =	shalt  }
0x48: {  	_ =	shalt  }
0x49: {  	_ =	shalt  }
0x4a: {  	_ =	shalt  }
0x4b: {  	_ =	shalt  }
0x4c: {  	_ =	shalt  }
0x4d: {  	_ =	shalt  }
0x4e: {  	_ =	shalt  }
0x4f: {  	_ =	shalt  }
0x50: {  	_ =	shalt  }
0x51: {  	_ =	shalt  }
0x52: {  	_ =	shalt  }
0x53: {  	_ =	shalt  }
0x54: {  	_ =	shalt  }
0x55: {  	_ =	shalt  }
0x56: {  	_ =	shalt  }
0x57: {  	_ =	shalt  }
0x58: {  	_ =	shalt  }
0x59: {  	_ =	shalt  }
0x5a: {  	_ =	shalt  }
0x5b: {  	_ =	shalt  }
0x5c: {  	_ =	shalt  }
0x5d: {  	_ =	shalt  }
0x5e: {  	_ =	shalt  }
0x5f: {  	_ =	shalt  }
0x60: {  	_ =	shalt  }
0x61: {  	_ =	shalt  }
0x62: {  	_ =	shalt  }
0x63: {  	_ =	shalt  }
0x64: {  	_ =	shalt  }
0x65: {  	_ =	shalt  }
0x66: {  	_ =	shalt  }
0x67: {  	_ =	shalt  }
0x68: {  	_ =	shalt  }
0x69: {  	_ =	shalt  }
0x6a: {  	_ =	shalt  }
0x6b: {  	_ =	shalt  }
0x6c: {  	_ =	shalt  }
0x6d: {  	_ =	shalt  }
0x6e: {  	_ =	shalt  }
0x6f: {  	_ =	shalt  }
0x70: {  	_ =	shalt  }
0x71: {  	_ =	shalt  }
0x72: {  	_ =	shalt  }
0x73: {  	_ =	shalt  }
0x74: {  	_ =	shalt  }
0x75: {  	_ =	shalt  }
0x76: {  	_ =	shalt  }
0x77: {  	_ =	shalt  }
0x78: {  	_ =	shalt  }
0x79: {  	_ =	shalt  }
0x7a: {  	_ =	shalt  }
0x7b: {  	_ =	shalt  }
0x7c: {  	_ =	shalt  }
0x7d: {  	_ =	shalt  }
0x7e: {  	_ =	shalt  }
0x7f: {  	_ =	shalt  }
0x80: {  	_ =	shalt  }
0x81: {  	_ =	shalt  }
0x82: {  	_ =	shalt  }
0x83: {  	_ =	shalt  }
0x84: {  	_ =	shalt  }
0x85: {  	_ =	shalt  }
0x86: {  	_ =	shalt  }
0x87: {  	_ =	shalt  }
.Lfunc_end0:
.L_simem_size_0:
called_computation.3_lowered:
.L_overlay_start_0:
0x88: {  	s2 =	sld [smem:$0x3FD9]  }
0x89: {  	s3 =	sld [smem:$0x3FFE];
	_ =	sdelay $0x1  }
0x8a: {  	s1 =	srdreg.scid  }
0x8b: {  	s0 =	sand.u32 $0x1, s1  }
0x8c: {  	s17 =	sshll.u32 s0, $0xA;
	s2 =	sadd.s32 s3, s2  }
0x8d: {  	s2 =	sadd.s32 s2, s17  }
0x8e: {  	[smem:$0x3FBC] =	sst s2  }
0x8f: {  	_ = 	snop  }
0x90: {  	(tm) =	ssettm $0x1  }
0x91: {  	s18 =	sld [smem:$0x3FFB];
	_ =	sdelay $0x3  }
0x92: {  	_ =	strace s18  }
0x93: {  	s2 =	sld [smem:$0x3FFC];
	_ =	sdelay $0x3  }
0x94: {  	_ =	strace s2  }
0x95: {  	s2 =	sld [smem:$0x3FFD];
	_ =	sdelay $0x3  }
0x96: {  	_ =	strace s2  }
0x97: {  	_ =	strace $0x8FFFFFFF  }
0x98: {  	s19 =	sld [smem:$0x3FDB];
	_ =	sdelay $0x1  }
0x99: {  	s20 =	simm.s32 $_scs_section_size  }
0x9a: {  	s4 =	simm.s32 $_size__tile_overlayer_lowered;
	s5 =	simm.s32 $_tile_overlayer_lowered  }
0x9b: {  	s6 =	simm.s32 $0x1BFF;
	s21 =	sshll.u32 s5, $0x1;
	s3 =	sadd.s32 s20, s19  }
0x9c: {  	s22 =	simm.s32 $0x0;
	s4 =	sshll.u32 s4, $0x1;
	s5 =	sadd.s32 s21, s3  }
0x9d: {  	[timem:s22], [sflag:s6] =	dma.local [hbm:s5], s4  }
0x9e: {  	_ =	swait.ge [sflag:s6], s4  }
0x9f: {  	s4 =	ssub.s32 $0x0, s4;
	[sflag:s6] =	ssyncset.done $0x0  }
0xa0: {  	[sflag:s6] =	ssyncadd.s32 s4;
	_ =	sdelay $0x1  }
0xa1: {  	s23 =	simm.s32 $0x1B8B  }
0xa2: {  	_ =	swait.ge [sflag:s23], $0x1  }
0xa3: {  	[sflag:s23] =	ssyncset.done $0x0  }
0xa4: {  	[sflag:s23] =	ssyncadd.s32 $0xFFFFFFFF  }
0xa5: {  	s4 =	sld [smem:$0x0]  }
0xa6: {  	s5 =	sand.u32 $0xFFFFFFFE, s1  }
0xa7: {  	p0 =	sne.s32 s1, s5  }
0xa8: {  	s5 =	sshll.u32 @p0 s5, $0xE  }
0xa9: {  	s5 =	sadd.s32 @p0 $0x11B8D, s5;
	s6 =	sshll.u32 @p0 s4, $0x11  }
0xaa: {  	s5 =	sor.u32 @p0 s6, s5  }
0xab: {  	[sflag:s5] =	ssyncadd.remote.s32 @p0 $0x1;
	_ =	sdelay $0x1  }
0xac: {  	s5 =	simm.s32 @p0 $0x1B8D  }
0xad: {  	_ =	swait.eq @p0 [sflag:s5], $0x1  }
0xae: {  	[sflag:s5] =	ssyncadd.s32 @p0 $0xFFFFFFFF  }
0xaf: {  	s6 =	sshll.u32 @!p0 s1, $0xE  }
0xb0: {  	s6 =	sor.u32 @!p0 $0x4000, s6;
	s5 =	simm.s32 @!p0 $0x1B8D  }
0xb1: {  	s4 =	sshll.u32 @!p0 s4, $0x11;
	s6 =	sadd.s32 @!p0 $0x11B8D, s6;
	_ =	swait.eq @!p0 [sflag:s5], $0x1  }
0xb2: {  	s4 =	sor.u32 @!p0 s4, s6;
	[sflag:s5] =	ssyncadd.s32 @!p0 $0xFFFFFFFF  }
0xb3: {  	s25 =	simm.s32 $0x1B8E;
	s24 =	sld [smem:$0x3FFE];
	[sflag:s4] =	ssyncadd.remote.s32 @!p0 $0x1  }
0xb4: {  	s26 =	simm.s32 $execute0_lowered;
	[smem:$0x3FD2] =	sst s25  }
0xb5: {  	s5 =	sshll.u32 s26, $0x1;
	_ =	strace $0x8000004F;
	[dreg:$0x1] =	wrdreg $0xFFFFFFFF  }
0xb6: {  	s28 =	simm.s32 $_size_execute0_lowered;
	s3 =	sadd.s32 s3, s5;
	[dreg:$0x0] =	wrdreg $0x0  }
0xb7: {  	s5 =	sshll.u32 s28, $0x1;
	[dreg:$0x2] =	wrdreg s3  }
0xb8: {  	[dreg:$0x3] =	wrdreg s5  }
0xb9: {  	[dreg:$0x4] =	wrdreg $0xC0  }
0xba: {  	_ =	task [dreg:s22], $0x5FFFF  }
0xbb: {  	[dreg:$0x1] =	wrdreg $0xFFFFFFFF  }
0xbc: {  	[dreg:$0x0] =	wrdreg $0x60  }
0xbd: {  	[dreg:$0x2] =	wrdreg s24  }
0xbe: {  	[dreg:$0x3] =	wrdreg $0x90000  }
0xbf: {  	[dreg:$0x4] =	wrdreg $0xC  }
0xc0: {  	_ =	task.clear_ibuf [dreg:s22], $0x5FFFF;
	_ =	strace $0x9000004F  }
0xc1: {  	s29 =	simm.s32 $0xC;
	_ =	strace $0x80000051  }
0xc2: {  	_ =	swait.ge [sflag:s29], $0x1  }
0xc3: {  	[sflag:s29] =	ssyncadd.s32 $0xFFFFFFFF  }
0xc4: {  	_ =	strace $0x90000051  }
0xc5: {  	_ =	sfence  }
0xc6: {  	s30 =	sld [smem:$0x0];
	_ =	sdelay $0x2  }
0xc7: {  	s31 =	sshll.u32 s1, $0xD;
	s1 =	sshrl.u32 s1, $0x2  }
0xc8: {  	s4 =	sand.u32 $0x4000, s31;
	s1 =	sadd.s32 s1, s30  }
0xc9: {  	s0 =	sor.u32 s4, s0;
	s1 =	sshll.u32 s1, $0x11  }
0xca: {  	s0 =	sor.u32 s1, s0  }
0xcb: {  	s0 =	sadd.s32 $0x8F2B, s0  }
0xcc: {  	[sflag:s0] =	ssyncadd.remote.s32 $0x1  }
0xcd: {  	_ =	sfence.sel $0xFFFF  }
0xce: {  	[dreg:$0x0] =	wrdreg $0xFFFFFFFF;
	(pc) =	sbr.abs _section_cstart, $3  }
0xcf: {  	[dreg:$0x1] =	wrdreg $0xFFFFFFFF  }
0xd0: {  	_ =	task.clear_ibuf [dreg:s22], $0x2FFFF;
	_ =	strace $0x9FFFFFFF  }
0xd1: {  	(tm) =	ssettm $0x7FFFFFFF  }
tec
execute0_lowered:
.L_overlay_start_1:
0x0: {  	(tag) =	ssettag $0x1  }
0x1: {  	s4 =	rddreg [dreg:$0x0]  }
0x2: {  	s2 =	rddreg [dreg:$0x1];
	s3 =	srdreg.scid  }
0x3: {  	s0 =	rddreg [dreg:$0x2];
	s1 =	stileid.u32;
	s16 =	simm.s32 $0x5000  }
0x4: {  	s17 =	simm.s32 $0x1;
	s18 =	simm.s32 $0x80;
	s19 =	simm.s32 $0x4  }
0x5: {  	s20 =	simm.s32 $0x2;
	s21 =	simm.s32 $0xC00;
	s22 =	simm.s32 $0x0  }
0x6: {  	s9 =	sand.u32 $0x1, s3;
	s3 =	simm.s32 $0x0;
	s29 =	smul.u32 $0x14000, s1  }
0x7: {  	s5 =	sshll.u32 s1, $0x1;
	s8 =	smul.u32 $0x50000, s1;
	s11 =	sadd.s32 $0x448E00, s4  }
0x8: {  	s14 =	sshll.u32 s1, $0xC;
	s6 =	smul.u32 $0x140000, s9;
	[smem:$0x7FF] =	sst s3  }
0x9: {  	s10 =	sor.u32 s9, s5;
	s30 =	ssub.s32 $0x2, s9;
	s14 =	sadd.s32 s14, s11  }
0xa: {  	s15 =	sshll.u32 s9, $0xB;
	_ =	strace $0x80000050;
	s7 =	sshll.u32 s10, $0x9  }
0xb: {  	s8 =	sshrl.u32 s8, $0x2;
	s31 =	sshrl.u32 s30, $0x1;
	s10 =	sshll.u32 s10, $0xB  }
0xc: {  	s14 =	sadd.s32 s15, s14;
	s15 =	simm.s32 $0x1000;
	s5 =	sadd.s32 s29, s6  }
0xd: {  	s7 =	sadd.s32 s7, s4;
	s13 =	ssub.s32 s30, s31;
	s5 =	sshrl.u32 s5, $0x3  }
0xe: {  	s10 =	sadd.s32 s11, s10;
	s12 =	sadd.s32 s5, s4;
	s4 =	sadd.s32 s8, s2  }
0xf: {  	s5 =	sadd.s32 $0x5D8E00, s7;
	s6 =	sadd.s32 $0x4000, s4;
	s7 =	sadd.s32 $0x8000, s4  }
0x10: {  	s8 =	sadd.s32 $0xC000, s4;
	s9 =	sadd.s32 $0x10000, s4;
	s11 =	sadd.s32 $0x5DCE00, s12  }
0x11: {  	v0 =	vimm.f32 $0.0e+00;
	s12 =	smax.u32 s13, $0x1;
	s13 =	sadd.s32 $0x20000, s14;
	s14 =	simm.s32 $0x3  }
.LBB2_1:
0x12: {  	[tilespmem:s3], [sflag:$0x3] =	stream.linear.gather [hbm4b:s5+s3], $0xD00, $0x38;
	[tilespmem:$0x1D000] =	vst v63  }
0x13: {  	_ =	swait.ge [sflag:s14], $0xD00  }
0x14: {  	[sflag:s14] =	ssyncset.done $0x0  }
0x15: {  	s23 =	simm.s32 $0x0;
	s24 =	simm.s32 $0x200;
	[sflag:s14] =	ssyncadd.s32 $0xFFFFF300  }
.LBB2_2:
0x16: {  	p0 =	sne.s32 s24, $0xFE00;
	[tilespmem:s23+$0x1070] =	vst v0  }
0x17: {  	[tilespmem:s23+$0x1000] =	vst v0  }
0x18: {  	[tilespmem:s23+$0x1010] =	vst v0  }
.Ltmp0:
0x19: {  	[tilespmem:s23+$0x1020] =	vst v0;
	(pc) =	sbr.rel @p0 .LBB2_2-.Ltmp0, $4  }
0x1a: {  	[tilespmem:s23+$0x1030] =	vst v0  }
0x1b: {  	[tilespmem:s23+$0x1040] =	vst v0  }
0x1c: {  	[tilespmem:s23+$0x1050] =	vst v0  }
0x1d: {  	[tilespmem:s23+$0x1060] =	vst v0;
	s23 =	sshra.s32 s24, $0x2;
	s24 =	sadd.s32 $0x200, s24  }
0x1e: {  	[tilespmem:s23+$0x1070] =	vst v0  }
0x1f: {  	[tilespmem:s23+$0x1000] =	vst v0  }
0x20: {  	[tilespmem:s23+$0x1010] =	vst v0  }
0x21: {  	[tilespmem:s23+$0x1020] =	vst v0  }
0x22: {  	[tilespmem:s23+$0x1030] =	vst v0  }
0x23: {  	[tilespmem:s23+$0x1040] =	vst v0  }
0x24: {  	[tilespmem:s23+$0x1050] =	vst v0  }
0x25: {  	[tilespmem:s23+$0x1060] =	vst v0  }
0x26: {  	[spmem:s4] =	stream.linear.scatter [tilespmem:s15], [sflag:$0x3], $0x4000, $0x38;
	[tilespmem:$0x1D000] =	vst v63  }
0x27: {  	_ =	swait.ge [sflag:s14], $0x4000  }
0x28: {  	[sflag:s14] =	ssyncset.done $0x0  }
0x29: {  	[sflag:s14] =	ssyncadd.s32 $0xFFFFC000  }
0x2a: {  	[spmem:s6] =	stream.linear.scatter [tilespmem:s15], [sflag:$0x3], $0x4000, $0x38;
	[tilespmem:$0x1D000] =	vst v63  }
0x2b: {  	_ =	swait.ge [sflag:s14], $0x4000  }
0x2c: {  	[sflag:s14] =	ssyncset.done $0x0  }
0x2d: {  	[sflag:s14] =	ssyncadd.s32 $0xFFFFC000  }
0x2e: {  	[spmem:s7] =	stream.linear.scatter [tilespmem:s15], [sflag:$0x3], $0x4000, $0x38;
	[tilespmem:$0x1D000] =	vst v63  }
0x2f: {  	_ =	swait.ge [sflag:s14], $0x4000  }
0x30: {  	[sflag:s14] =	ssyncset.done $0x0  }
0x31: {  	[sflag:s14] =	ssyncadd.s32 $0xFFFFC000  }
0x32: {  	[spmem:s8] =	stream.linear.scatter [tilespmem:s15], [sflag:$0x3], $0x4000, $0x38;
	[tilespmem:$0x1D000] =	vst v63  }
0x33: {  	_ =	swait.ge [sflag:s14], $0x4000  }
0x34: {  	[sflag:s14] =	ssyncset.done $0x0  }
0x35: {  	[sflag:s14] =	ssyncadd.s32 $0xFFFFC000  }
0x36: {  	[spmem:s9] =	stream.linear.scatter [tilespmem:s15], [sflag:$0x3], $0x4000, $0x38;
	[tilespmem:$0x1D000] =	vst v63  }
0x37: {  	_ =	swait.ge [sflag:s14], $0x4000  }
0x38: {  	[sflag:s14] =	ssyncset.done $0x0  }
0x39: {  	[sflag:s14] =	ssyncadd.s32 $0xFFFFC000  }
0x3a: {  	s28 =	simm.s32 $0x0;
	[bflag:$0x0] =	sbarrier.arrive $0xFFFF  }
0x3b: {  	[tilespmem:s15], [sflag:$0x1] =	stream.linear.gather [hbm4b:s10+s28], $0x4000, $0x38;
	[tilespmem:$0x1D000] =	vst v63  }
0x3c: {  	s29 =	sadd.s32 $0xFFFF0000, s13  }
0x3d: {  	[tilespmem:s16], [sflag:$0x2] =	stream.linear.gather [hbm4b:s29+s3], $0x4000, $0x38;
	[tilespmem:$0x1D000] =	vst v63  }
0x3e: {  	_ =	swait.ge [sflag:s17], $0x4000  }
0x3f: {  	[sflag:s17] =	ssyncset.done $0x0  }
0x40: {  	s30 =	simm.s32 $0x0;
	[sflag:s17] =	ssyncadd.s32 $0xFFFFC000  }
0x41: {  	[spmem:s2] =	stream.indirect.scatter.add.f32 [tilespmem:s15], [sflag:$0x4], $0x80, s30, s18, $0xb8;
	[tilespmem:$0x1D000] =	vst v63  }
0x42: {  	_ =	swait.ge [sflag:s19], $0x4000  }
0x43: {  	[sflag:s19] =	ssyncset.done $0x0  }
0x44: {  	[sflag:s19] =	ssyncadd.s32 $0xFFFFC000  }
0x45: {  	[tilespmem:s15], [sflag:$0x1] =	stream.linear.gather [hbm4b:s13+s3], $0x4000, $0x38;
	[tilespmem:$0x1D000] =	vst v63  }
0x46: {  	_ =	swait.ge [sflag:s20], $0x4000  }
0x47: {  	[sflag:s20] =	ssyncset.done $0x0  }
0x48: {  	s31 =	simm.s32 $0x80;
	[sflag:s20] =	ssyncadd.s32 $0xFFFFC000  }
0x49: {  	[spmem:s2] =	stream.indirect.scatter.add.f32 [tilespmem:s16], [sflag:$0x3], $0x80, s31, s18, $0xb8;
	[tilespmem:$0x1D000] =	vst v63  }
0x4a: {  	s24 =	simm.s32 $0x400;
	_ =	swait.ge [sflag:s14], $0x4000  }
0x4b: {  	s25 =	simm.s32 $0x800;
	s23 =	sadd.s32 $0x20000, s13;
	[sflag:s14] =	ssyncset.done $0x0  }
.LBB2_4:
0x4c: {  	p0 =	sne.s32 s25, $0x2C00;
	s26 =	sadd.s32 $0xFFFF0000, s23;
	[sflag:s14] =	ssyncadd.s32 $0xFFFFC000  }
0x4d: {  	[tilespmem:s16], [sflag:$0x2] =	stream.linear.gather [hbm4b:s26+s3], $0x4000, $0x38;
	[tilespmem:$0x1D000] =	vst v63  }
0x4e: {  	s26 =	smov.u32 s25;
	s25 =	sadd.s32 $0x400, s25;
	_ =	swait.ge [sflag:s17], $0x4000  }
0x4f: {  	[sflag:s17] =	ssyncset.done $0x0  }
0x50: {  	s28 =	sshra.s32 s24, $0x2;
	s24 =	smov.u32 s26;
	[sflag:s17] =	ssyncadd.s32 $0xFFFFC000  }
0x51: {  	[spmem:s2] =	stream.indirect.scatter.add.f32 [tilespmem:s15], [sflag:$0x4], $0x80, s28, s18, $0xb8;
	[tilespmem:$0x1D000] =	vst v63  }
0x52: {  	_ =	swait.ge [sflag:s19], $0x4000  }
0x53: {  	[sflag:s19] =	ssyncset.done $0x0  }
0x54: {  	[sflag:s19] =	ssyncadd.s32 $0xFFFFC000  }
0x55: {  	[tilespmem:s15], [sflag:$0x1] =	stream.linear.gather [hbm4b:s23+s3], $0x4000, $0x38;
	[tilespmem:$0x1D000] =	vst v63  }
0x56: {  	_ =	swait.ge [sflag:s20], $0x4000  }
.Ltmp1:
0x57: {  	[sflag:s20] =	ssyncset.done $0x0;
	(pc) =	sbr.rel @p0 .LBB2_4-.Ltmp1, $4  }
0x58: {  	s26 =	sadd.s32 $0x80, s28;
	[sflag:s20] =	ssyncadd.s32 $0xFFFFC000  }
0x59: {  	[spmem:s2] =	stream.indirect.scatter.add.f32 [tilespmem:s16], [sflag:$0x3], $0x80, s26, s18, $0xb8;
	[tilespmem:$0x1D000] =	vst v63  }
0x5a: {  	_ =	swait.ge [sflag:s14], $0x4000  }
0x5b: {  	s23 =	sadd.s32 $0x20000, s23;
	[sflag:s14] =	ssyncset.done $0x0  }
0x5c: {  	s25 =	sadd.s32 $0xFFFF0000, s23;
	[sflag:s14] =	ssyncadd.s32 $0xFFFFC000  }
0x5d: {  	[tilespmem:s16], [sflag:$0x2] =	stream.linear.gather [hbm4b:s25+s3], $0x4000, $0x38;
	[tilespmem:$0x1D000] =	vst v63  }
0x5e: {  	_ =	swait.ge [sflag:s17], $0x4000  }
0x5f: {  	[sflag:s17] =	ssyncset.done $0x0  }
0x60: {  	s24 =	sshra.s32 s24, $0x2;
	[sflag:s17] =	ssyncadd.s32 $0xFFFFC000  }
0x61: {  	[spmem:s2] =	stream.indirect.scatter.add.f32 [tilespmem:s15], [sflag:$0x4], $0x80, s24, s18, $0xb8;
	[tilespmem:$0x1D000] =	vst v63  }
0x62: {  	_ =	swait.ge [sflag:s19], $0x4000  }
0x63: {  	[sflag:s19] =	ssyncset.done $0x0  }
0x64: {  	[sflag:s19] =	ssyncadd.s32 $0xFFFFC000  }
0x65: {  	[tilespmem:s15], [sflag:$0x1] =	stream.linear.gather [hbm4b:s23+s3], $0x4000, $0x38;
	[tilespmem:$0x1D000] =	vst v63  }
0x66: {  	_ =	swait.ge [sflag:s20], $0x4000  }
0x67: {  	[sflag:s20] =	ssyncset.done $0x0  }
0x68: {  	s29 =	sadd.s32 $0x80, s24;
	[sflag:s20] =	ssyncadd.s32 $0xFFFFC000  }
0x69: {  	[spmem:s2] =	stream.indirect.scatter.add.f32 [tilespmem:s16], [sflag:$0x3], $0x80, s29, s18, $0xb8;
	[tilespmem:$0x1D000] =	vst v63  }
0x6a: {  	_ =	swait.ge [sflag:s14], $0x4000  }
0x6b: {  	[sflag:s14] =	ssyncset.done $0x0  }
0x6c: {  	[sflag:s14] =	ssyncadd.s32 $0xFFFFC000  }
0x6d: {  	_ =	swait.ge [sflag:s17], $0x4000  }
0x6e: {  	[sflag:s17] =	ssyncset.done $0x0  }
0x6f: {  	[sflag:s17] =	ssyncadd.s32 $0xFFFFC000  }
0x70: {  	[spmem:s2] =	stream.indirect.scatter.add.f32 [tilespmem:s15], [sflag:$0x4], $0x80, s21, s18, $0xb8;
	[tilespmem:$0x1D000] =	vst v63  }
0x71: {  	_ =	swait.ge [sflag:s19], $0x4000  }
0x72: {  	s30 =	sshll.u32 s1, $0x6;
	s22 =	sadd.s32 $0x1, s22;
	[sflag:s19] =	ssyncset.done $0x0  }
0x73: {  	s31 =	sshrl.u32 s4, $0x3;
	p0 =	sne.s32 s22, s12;
	[sflag:s19] =	ssyncadd.s32 $0xFFFFC000  }
.Ltmp2:
0x74: {  	s23 =	sor.u32 $0x1C03, s30;
	[bflag:$0x0] =	sbarrier.arrive $0xFFFF;
	(pc) =	sbr.rel @p0 .LBB2_1-.Ltmp2, $4  }
0x75: {  	[hbm:s11], [sflag:s23] =	dma.local [spmem:s31], $0x2800  }
0x76: {  	_ =	swait.ge [sflag:s14], $0x2800  }
0x77: {  	[sflag:s14] =	ssyncset.done $0x0  }
0x78: {  	[sflag:s14] =	ssyncadd.s32 $0xFFFFD800  }
0x79: {  	_ =	sfence.sel $0x180000  }
0x7a: {  	[bflag:$0x0] =	sbarrier.arrive $0xFFFF  }
0x7b: {  	p0 =	sne.s32 s1, $0x0;
	_ =	strace $0x90000050  }
0x7c: {  	s0 =	sadd.s32 @!p0 $0x100000, s0;
	[bflag:$0x2] =	sbarrier.arrive $0xFFFF  }
0x7d: {  	[sflag:s0] =	ssyncadd.tile.s32 @!p0 $0x1;
	_ =	shalt  }
.Lfunc_end2:
_tile_overlayer_lowered:
.L_overlay_start_2:
0x7e: {  	(tag) =	ssettag $0x2  }
0x7f: {  	s0 =	rddreg [dreg:$0x0];
	s2 =	stileid.u32  }
0x80: {  	s1 =	rddreg [dreg:$0x1];
	p0 =	sne.s32 s2, $0x0  }
0x81: {  	s3 =	rddreg [dreg:$0x2];
	[bflag:$0x3] =	sbarrier.arrive $0xFFFF;
	s2 =	simm.s32 @!p0 $0x1C03  }
0x82: {  	[timem:s3], [sflag:s2] =	dma.local @!p0 [hbm:s0], s1  }
0x83: {  	s0 =	simm.s32 @!p0 $0x3  }
0x84: {  	_ =	swait.ge @!p0 [sflag:s0], s1  }
0x85: {  	s1 =	ssub.s32 @!p0 $0x0, s1;
	[sflag:s0] =	ssyncset.done @!p0 $0x0  }
0x86: {  	[sflag:s0] =	ssyncadd.s32 @!p0 s1  }
0x87: {  	[bflag:$0x3] =	sbarrier.arrive $0xFFFF  }
0x88: {  	_ =	shalt  }

</sc_bundles>
